<compile_context>
chip_gen: v7x
topology: tpu7x:2x2x1
jax: 0.10.2.dev20260603
libtpu: 0.0.44.dev20260713+nightly
codegen_flags: <defaults>
</compile_context>

<pallas_src>
import jax
import jax.numpy as jnp
from jax import lax
from jax.experimental import pallas as pl
from jax.experimental.pallas import tpu as pltpu
from jax.experimental.pallas import tpu_sc as plsc

EMBED = 64
LANES = 16
POS_ROWS = 512
NC, NS = 2, 16
NW = NC * NS
SEQ = 200
GW = 40
NBUF = 6

_mesh = plsc.VectorSubcoreMesh(
    core_axis_name="c", subcore_axis_name="s", num_cores=NC, num_subcores=NS
)


def _body(rel_idx, pos_idx, rel_tab, pos_tab, out,
          pos_v, idx2, pidx2, rows2, sem_idx, sem_g, sem_out):
    n = rel_idx.shape[0]
    nb = out.shape[0]
    b_per_w = nb // NW
    wid = lax.axis_index("s") * NC + lax.axis_index("c")
    b0 = wid * b_per_w

    def fire_idx(i, slot):
        base = (b0 + i) * SEQ
        pltpu.async_copy(rel_idx.at[pl.ds(base, SEQ)],
                         idx2.at[slot, pl.ds(0, SEQ)], sem_idx.at[slot])
        pltpu.async_copy(pos_idx.at[pl.ds(base, SEQ)],
                         pidx2.at[slot, pl.ds(0, SEQ)], sem_idx.at[slot])

    def wait_idx(slot):
        pltpu.make_async_copy(rel_idx.at[pl.ds(0, SEQ)],
                              idx2.at[slot, pl.ds(0, SEQ)], sem_idx.at[slot]).wait()
        pltpu.make_async_copy(pos_idx.at[pl.ds(0, SEQ)],
                              pidx2.at[slot, pl.ds(0, SEQ)], sem_idx.at[slot]).wait()

    def fire_gather(slot):
        for o in range(0, SEQ, GW):
            pltpu.async_copy(rel_tab.at[idx2.at[slot, pl.ds(o, GW)]],
                             rows2.at[slot, pl.ds(o, GW)], sem_g.at[slot])

    def wait_gather(slot):
        for o in range(0, SEQ, GW):
            pltpu.make_async_copy(rel_tab.at[idx2.at[slot, pl.ds(o, GW)]],
                                  rows2.at[slot, pl.ds(o, GW)], sem_g.at[slot]).wait()

    def fire_out(i, slot):
        pltpu.async_copy(rows2.at[slot], out.at[b0 + i], sem_out.at[slot])

    def wait_out(i, slot):
        pltpu.make_async_copy(rows2.at[slot], out.at[b0 + i], sem_out.at[slot]).wait()

    pltpu.sync_copy(pos_tab, pos_v)

    fire_idx(0, 0)
    fire_idx(1, 1)
    fire_idx(2, 2)
    fire_idx(3, 3)
    wait_idx(0)
    fire_gather(0)
    wait_idx(1)
    fire_gather(1)
    wait_idx(2)
    fire_gather(2)

    iota = lax.iota(jnp.int32, LANES)

    def step(i, carry):
        s = lax.rem(i, NBUF)
        wait_gather(s)

        @pl.when(i + 4 < b_per_w)
        def _():
            fire_idx(i + 4, lax.rem(i + 4, NBUF))

        @pl.when(i + 3 < b_per_w)
        def _():
            s2 = lax.rem(i + 3, NBUF)

            @pl.when(i >= 3)
            def _():
                wait_out(i - 3, s2)

            wait_idx(s2)
            fire_gather(s2)

        rr = rows2.at[s]
        pp = pidx2.at[s]

        def grp(g, gcarry):
            r0 = g * LANES
            pv = pp[pl.ds(r0, LANES)]
            for j in range(LANES):
                pb = jnp.full((LANES,), pv[j], jnp.int32)
                r = r0 + j
                for c in range(EMBED // LANES):
                    v = plsc.load_gather(pos_v, [pb, iota + (c * LANES)])
                    plsc.addupdate(rr.at[r, pl.ds(c * LANES, LANES)], v)
            return gcarry

        lax.fori_loop(0, SEQ // LANES, grp, 0)

        pvt = pp[pl.ds(SEQ - LANES, LANES)]
        for j in range(LANES - SEQ % LANES, LANES):
            pb = jnp.full((LANES,), pvt[j], jnp.int32)
            r = SEQ - LANES + j
            for c in range(EMBED // LANES):
                v = plsc.load_gather(pos_v, [pb, iota + (c * LANES)])
                plsc.addupdate(rr.at[r, pl.ds(c * LANES, LANES)], v)

        fire_out(i, s)
        return carry

    lax.fori_loop(0, b_per_w, step, 0)
    for j in range(NBUF):
        i = b_per_w - NBUF + j
        wait_out(i, lax.rem(i, NBUF))


def kernel(rel_seq, pos_seq, rel_table, pos_table):
    b, s = rel_seq.shape
    n = b * s
    run = pl.kernel(
        _body,
        out_type=jax.ShapeDtypeStruct((b, s, EMBED), jnp.float32),
        mesh=_mesh,
        scratch_types=[
            pltpu.VMEM((POS_ROWS, EMBED), jnp.float32),
            pltpu.VMEM((NBUF, 256), jnp.int32),
            pltpu.VMEM((NBUF, 256), jnp.int32),
            pltpu.VMEM((NBUF, SEQ, EMBED), jnp.float32),
            pltpu.SemaphoreType.DMA((NBUF,)),
            pltpu.SemaphoreType.DMA((NBUF,)),
            pltpu.SemaphoreType.DMA((NBUF,)),
        ],
        compiler_params=pltpu.CompilerParams(
            use_tc_tiling_on_sc=False, needs_layout_passes=False
        ),
    )
    return run(rel_seq.reshape(n), pos_seq.reshape(n), rel_table, pos_table)

# --- scband reference (transcript-rebuilt; emitter-appended) ---
"""Pipeline reference for scband-bertembedding-58729382806060 (READ-ONLY COPY).

The authoritative reference and input builder live on the scoring server;
editing this copy changes nothing except your own understanding.
"""

import jax, jax.numpy as jnp
import numpy as np

VOCAB = 1000000
EMBED_DIM = 64
MAX_LEN = 512
BATCH = 4096
SEQ = 200


def setup_inputs(seed: int = 0) -> dict:
    key = jax.random.key(seed)
    k1, k2, k3, k4 = jax.random.split(key, 4)
    rel_seq = jax.random.randint(k1, (BATCH, SEQ), 0, VOCAB, dtype=jnp.int64 if jax.config.jax_enable_x64 else jnp.int32).astype(jnp.int32)
    pos_seq = jax.random.randint(k2, (BATCH, SEQ), 0, MAX_LEN, dtype=jnp.int32)
    rel_table = jax.random.normal(k3, (VOCAB, EMBED_DIM), dtype=jnp.float32) * 0.02
    pos_table = jax.random.normal(k4, (MAX_LEN, EMBED_DIM), dtype=jnp.float32) * 0.02
    return {"rel_seq": rel_seq, "pos_seq": pos_seq, "rel_table": rel_table, "pos_table": pos_table}


def reference(rel_seq, pos_seq, rel_table, pos_table):
    # RelationEmbedding: token embedding lookup
    rel_seq_emb = jnp.take(rel_table, rel_seq, axis=0)
    # PositionEmbeddingTrainable: learned positional embedding lookup
    pos_seq_emb = jnp.take(pos_table, pos_seq, axis=0)
    seq_emb = rel_seq_emb + pos_seq_emb
    # Dropout is identity in eval mode
    return seq_emb

if __name__ == "__main__":
    import jax
    _d = setup_inputs()
    print(jax.jit(kernel)(*tuple(_d.values())))

</pallas_src>

<mosaic_0001>
#map = affine_map<(d0, d1) -> (0)>
#map1 = affine_map<(d0, d1) -> (0, 0)>
#map2 = affine_map<(d0, d1) -> (0, 0, 0)>
module attributes {stable_mosaic.version = 14 : i64} {
  func.func @_body(%arg0: i32, %arg1: i32, %arg2: memref<819200xi32, #tpu.memory_space<hbm>>, %arg3: memref<819200xi32, #tpu.memory_space<hbm>>, %arg4: memref<1000000x64xf32, #tpu.memory_space<hbm>>, %arg5: memref<512x64xf32, #tpu.memory_space<hbm>>, %arg6: memref<4096x200x64xf32, #tpu.memory_space<hbm>>, %arg7: memref<512x64xf32, #tpu.memory_space<vmem>>, %arg8: memref<6x256xi32, #tpu.memory_space<vmem>>, %arg9: memref<6x256xi32, #tpu.memory_space<vmem>>, %arg10: memref<6x200x64xf32, #tpu.memory_space<vmem>>, %arg11: memref<6x!tpu.dma_semaphore, #tpu.memory_space<semaphore_mem>>, %arg12: memref<6x!tpu.dma_semaphore, #tpu.memory_space<semaphore_mem>>, %arg13: memref<6x!tpu.dma_semaphore, #tpu.memory_space<semaphore_mem>>) attributes {dimension_semantics = [#tpu.dimension_semantics<core_parallel>, #tpu.dimension_semantics<subcore_parallel>], iteration_bounds = array<i64: 2, 16>, scalar_prefetch = 0 : i64, scratch_operands = 7 : i64, tpu.core_type = #tpu.core_type<sc_vector_subcore>, window_params = [{transform_indices = #map}, {transform_indices = #map}, {transform_indices = #map1}, {transform_indices = #map1}, {transform_indices = #map2}]} {
    %mul3A = arith.constant 2 : i32
    %mul3A_0 = arith.muli %arg1, %mul3A : i32
    %add3A = arith.addi %mul3A_0, %arg0 : i32
    %mul3A_1 = arith.constant 128 : i32
    %mul3A_2 = arith.muli %add3A, %mul3A_1 : i32
    "tpu.region"() ({
      %run_scoped3A = tpu.sem_alloc : memref<!tpu.dma_semaphore, #tpu.memory_space<semaphore_mem>>
      tpu.enqueue_dma source(%arg5 : memref<512x64xf32, #tpu.memory_space<hbm>>) target(%arg7 : memref<512x64xf32, #tpu.memory_space<vmem>>) target_semaphore(%run_scoped3A : memref<!tpu.dma_semaphore, #tpu.memory_space<semaphore_mem>>)
      tpu.wait_dma2 semaphore(%run_scoped3A : memref<!tpu.dma_semaphore, #tpu.memory_space<semaphore_mem>>) src(%arg5 : memref<512x64xf32, #tpu.memory_space<hbm>>) dst(%arg7 : memref<512x64xf32, #tpu.memory_space<vmem>>)
      tpu.yield
    }) : () -> ()
    %add3A_3 = arith.constant 0 : i32
    %add3A_4 = arith.addi %mul3A_2, %add3A_3 : i32
    %mul3A_5 = arith.constant 200 : i32
    %mul3A_6 = arith.muli %add3A_4, %mul3A_5 : i32
    %dma_start3A = arith.constant 0 : i32
    %dma_start3A_7 = arith.constant 0 : i32
    %dma_start3A_8 = arith.constant 0 : i32
    %dma_start3A_9 = tpu.memref_slice %arg8[%dma_start3A, %dma_start3A_8] : memref<6x256xi32, #tpu.memory_space<vmem>> -> memref<1x200xi32, #tpu.memory_space<vmem>>
    %dma_start3A_10 = tpu.memref_squeeze %dma_start3A_9 : memref<1x200xi32, #tpu.memory_space<vmem>> -> memref<200xi32, #tpu.memory_space<vmem>>
    %dma_start3A_11 = tpu.memref_slice %arg2[%mul3A_6] : memref<819200xi32, #tpu.memory_space<hbm>> -> memref<200xi32, #tpu.memory_space<hbm>>
    %dma_start3A_12 = tpu.memref_slice %arg11[%dma_start3A_7] : memref<6x!tpu.dma_semaphore, #tpu.memory_space<semaphore_mem>> -> memref<1x!tpu.dma_semaphore, #tpu.memory_space<semaphore_mem>>
    %dma_start3A_13 = tpu.memref_squeeze %dma_start3A_12 : memref<1x!tpu.dma_semaphore, #tpu.memory_space<semaphore_mem>> -> memref<!tpu.dma_semaphore, #tpu.memory_space<semaphore_mem>>
    %dma_start3A_14 = arith.constant 0 : i32
    %dma_start3A_15 = tpu.memref_slice %arg8[%dma_start3A, %dma_start3A_14] : memref<6x256xi32, #tpu.memory_space<vmem>> -> memref<1x200xi32, #tpu.memory_space<vmem>>
    %dma_start3A_16 = tpu.memref_squeeze %dma_start3A_15 : memref<1x200xi32, #tpu.memory_space<vmem>> -> memref<200xi32, #tpu.memory_space<vmem>>
    %dma_start3A_17 = tpu.memref_slice %arg2[%mul3A_6] : memref<819200xi32, #tpu.memory_space<hbm>> -> memref<200xi32, #tpu.memory_space<hbm>>
    tpu.enqueue_dma source(%dma_start3A_17 : memref<200xi32, #tpu.memory_space<hbm>>) target(%dma_start3A_16 : memref<200xi32, #tpu.memory_space<vmem>>) target_semaphore(%dma_start3A_13 : memref<!tpu.dma_semaphore, #tpu.memory_space<semaphore_mem>>)
    %dma_start3A_18 = arith.constant 0 : i32
    %dma_start3A_19 = arith.constant 0 : i32
    %dma_start3A_20 = arith.constant 0 : i32
    %dma_start3A_21 = tpu.memref_slice %arg9[%dma_start3A_18, %dma_start3A_20] : memref<6x256xi32, #tpu.memory_space<vmem>> -> memref<1x200xi32, #tpu.memory_space<vmem>>
    %dma_start3A_22 = tpu.memref_squeeze %dma_start3A_21 : memref<1x200xi32, #tpu.memory_space<vmem>> -> memref<200xi32, #tpu.memory_space<vmem>>
    %dma_start3A_23 = tpu.memref_slice %arg3[%mul3A_6] : memref<819200xi32, #tpu.memory_space<hbm>> -> memref<200xi32, #tpu.memory_space<hbm>>
    %dma_start3A_24 = tpu.memref_slice %arg11[%dma_start3A_19] : memref<6x!tpu.dma_semaphore, #tpu.memory_space<semaphore_mem>> -> memref<1x!tpu.dma_semaphore, #tpu.memory_space<semaphore_mem>>
    %dma_start3A_25 = tpu.memref_squeeze %dma_start3A_24 : memref<1x!tpu.dma_semaphore, #tpu.memory_space<semaphore_mem>> -> memref<!tpu.dma_semaphore, #tpu.memory_space<semaphore_mem>>
    %dma_start3A_26 = arith.constant 0 : i32
    %dma_start3A_27 = tpu.memref_slice %arg9[%dma_start3A_18, %dma_start3A_26] : memref<6x256xi32, #tpu.memory_space<vmem>> -> memref<1x200xi32, #tpu.memory_space<vmem>>
    %dma_start3A_28 = tpu.memref_squeeze %dma_start3A_27 : memref<1x200xi32, #tpu.memory_space<vmem>> -> memref<200xi32, #tpu.memory_space<vmem>>
    %dma_start3A_29 = tpu.memref_slice %arg3[%mul3A_6] : memref<819200xi32, #tpu.memory_space<hbm>> -> memref<200xi32, #tpu.memory_space<hbm>>
    tpu.enqueue_dma source(%dma_start3A_29 : memref<200xi32, #tpu.memory_space<hbm>>) target(%dma_start3A_28 : memref<200xi32, #tpu.memory_space<vmem>>) target_semaphore(%dma_start3A_25 : memref<!tpu.dma_semaphore, #tpu.memory_space<semaphore_mem>>)
    %add3A_30 = arith.constant 1 : i32
    %add3A_31 = arith.addi %mul3A_2, %add3A_30 : i32
    %mul3A_32 = arith.constant 200 : i32
    %mul3A_33 = arith.muli %add3A_31, %mul3A_32 : i32
    %dma_start3A_34 = arith.constant 1 : i32
    %dma_start3A_35 = arith.constant 1 : i32
    %dma_start3A_36 = arith.constant 0 : i32
    %dma_start3A_37 = tpu.memref_slice %arg8[%dma_start3A_34, %dma_start3A_36] : memref<6x256xi32, #tpu.memory_space<vmem>> -> memref<1x200xi32, #tpu.memory_space<vmem>>
    %dma_start3A_38 = tpu.memref_squeeze %dma_start3A_37 : memref<1x200xi32, #tpu.memory_space<vmem>> -> memref<200xi32, #tpu.memory_space<vmem>>
    %dma_start3A_39 = tpu.memref_slice %arg2[%mul3A_33] : memref<819200xi32, #tpu.memory_space<hbm>> -> memref<200xi32, #tpu.memory_space<hbm>>
    %dma_start3A_40 = tpu.memref_slice %arg11[%dma_start3A_35] : memref<6x!tpu.dma_semaphore, #tpu.memory_space<semaphore_mem>> -> memref<1x!tpu.dma_semaphore, #tpu.memory_space<semaphore_mem>>
    %dma_start3A_41 = tpu.memref_squeeze %dma_start3A_40 : memref<1x!tpu.dma_semaphore, #tpu.memory_space<semaphore_mem>> -> memref<!tpu.dma_semaphore, #tpu.memory_space<semaphore_mem>>
    %dma_start3A_42 = arith.constant 0 : i32
    %dma_start3A_43 = tpu.memref_slice %arg8[%dma_start3A_34, %dma_start3A_42] : memref<6x256xi32, #tpu.memory_space<vmem>> -> memref<1x200xi32, #tpu.memory_space<vmem>>
    %dma_start3A_44 = tpu.memref_squeeze %dma_start3A_43 : memref<1x200xi32, #tpu.memory_space<vmem>> -> memref<200xi32, #tpu.memory_space<vmem>>
    %dma_start3A_45 = tpu.memref_slice %arg2[%mul3A_33] : memref<819200xi32, #tpu.memory_space<hbm>> -> memref<200xi32, #tpu.memory_space<hbm>>
    tpu.enqueue_dma source(%dma_start3A_45 : memref<200xi32, #tpu.memory_space<hbm>>) target(%dma_start3A_44 : memref<200xi32, #tpu.memory_space<vmem>>) target_semaphore(%dma_start3A_41 : memref<!tpu.dma_semaphore, #tpu.memory_space<semaphore_mem>>)
    %dma_start3A_46 = arith.constant 1 : i32
    %dma_start3A_47 = arith.constant 1 : i32
    %dma_start3A_48 = arith.constant 0 : i32
    %dma_start3A_49 = tpu.memref_slice %arg9[%dma_start3A_46, %dma_start3A_48] : memref<6x256xi32, #tpu.memory_space<vmem>> -> memref<1x200xi32, #tpu.memory_space<vmem>>
    %dma_start3A_50 = tpu.memref_squeeze %dma_start3A_49 : memref<1x200xi32, #tpu.memory_space<vmem>> -> memref<200xi32, #tpu.memory_space<vmem>>
    %dma_start3A_51 = tpu.memref_slice %arg3[%mul3A_33] : memref<819200xi32, #tpu.memory_space<hbm>> -> memref<200xi32, #tpu.memory_space<hbm>>
    %dma_start3A_52 = tpu.memref_slice %arg11[%dma_start3A_47] : memref<6x!tpu.dma_semaphore, #tpu.memory_space<semaphore_mem>> -> memref<1x!tpu.dma_semaphore, #tpu.memory_space<semaphore_mem>>
    %dma_start3A_53 = tpu.memref_squeeze %dma_start3A_52 : memref<1x!tpu.dma_semaphore, #tpu.memory_space<semaphore_mem>> -> memref<!tpu.dma_semaphore, #tpu.memory_space<semaphore_mem>>
    %dma_start3A_54 = arith.constant 0 : i32
    %dma_start3A_55 = tpu.memref_slice %arg9[%dma_start3A_46, %dma_start3A_54] : memref<6x256xi32, #tpu.memory_space<vmem>> -> memref<1x200xi32, #tpu.memory_space<vmem>>
    %dma_start3A_56 = tpu.memref_squeeze %dma_start3A_55 : memref<1x200xi32, #tpu.memory_space<vmem>> -> memref<200xi32, #tpu.memory_space<vmem>>
    %dma_start3A_57 = tpu.memref_slice %arg3[%mul3A_33] : memref<819200xi32, #tpu.memory_space<hbm>> -> memref<200xi32, #tpu.memory_space<hbm>>
    tpu.enqueue_dma source(%dma_start3A_57 : memref<200xi32, #tpu.memory_space<hbm>>) target(%dma_start3A_56 : memref<200xi32, #tpu.memory_space<vmem>>) target_semaphore(%dma_start3A_53 : memref<!tpu.dma_semaphore, #tpu.memory_space<semaphore_mem>>)
    %add3A_58 = arith.constant 2 : i32
    %add3A_59 = arith.addi %mul3A_2, %add3A_58 : i32
    %mul3A_60 = arith.constant 200 : i32
    %mul3A_61 = arith.muli %add3A_59, %mul3A_60 : i32
    %dma_start3A_62 = arith.constant 2 : i32
    %dma_start3A_63 = arith.constant 2 : i32
    %dma_start3A_64 = arith.constant 0 : i32
    %dma_start3A_65 = tpu.memref_slice %arg8[%dma_start3A_62, %dma_start3A_64] : memref<6x256xi32, #tpu.memory_space<vmem>> -> memref<1x200xi32, #tpu.memory_space<vmem>>
    %dma_start3A_66 = tpu.memref_squeeze %dma_start3A_65 : memref<1x200xi32, #tpu.memory_space<vmem>> -> memref<200xi32, #tpu.memory_space<vmem>>
    %dma_start3A_67 = tpu.memref_slice %arg2[%mul3A_61] : memref<819200xi32, #tpu.memory_space<hbm>> -> memref<200xi32, #tpu.memory_space<hbm>>
    %dma_start3A_68 = tpu.memref_slice %arg11[%dma_start3A_63] : memref<6x!tpu.dma_semaphore, #tpu.memory_space<semaphore_mem>> -> memref<1x!tpu.dma_semaphore, #tpu.memory_space<semaphore_mem>>
    %dma_start3A_69 = tpu.memref_squeeze %dma_start3A_68 : memref<1x!tpu.dma_semaphore, #tpu.memory_space<semaphore_mem>> -> memref<!tpu.dma_semaphore, #tpu.memory_space<semaphore_mem>>
    %dma_start3A_70 = arith.constant 0 : i32
    %dma_start3A_71 = tpu.memref_slice %arg8[%dma_start3A_62, %dma_start3A_70] : memref<6x256xi32, #tpu.memory_space<vmem>> -> memref<1x200xi32, #tpu.memory_space<vmem>>
    %dma_start3A_72 = tpu.memref_squeeze %dma_start3A_71 : memref<1x200xi32, #tpu.memory_space<vmem>> -> memref<200xi32, #tpu.memory_space<vmem>>
    %dma_start3A_73 = tpu.memref_slice %arg2[%mul3A_61] : memref<819200xi32, #tpu.memory_space<hbm>> -> memref<200xi32, #tpu.memory_space<hbm>>
    tpu.enqueue_dma source(%dma_start3A_73 : memref<200xi32, #tpu.memory_space<hbm>>) target(%dma_start3A_72 : memref<200xi32, #tpu.memory_space<vmem>>) target_semaphore(%dma_start3A_69 : memref<!tpu.dma_semaphore, #tpu.memory_space<semaphore_mem>>)
    %dma_start3A_74 = arith.constant 2 : i32
    %dma_start3A_75 = arith.constant 2 : i32
    %dma_start3A_76 = arith.constant 0 : i32
    %dma_start3A_77 = tpu.memref_slice %arg9[%dma_start3A_74, %dma_start3A_76] : memref<6x256xi32, #tpu.memory_space<vmem>> -> memref<1x200xi32, #tpu.memory_space<vmem>>
    %dma_start3A_78 = tpu.memref_squeeze %dma_start3A_77 : memref<1x200xi32, #tpu.memory_space<vmem>> -> memref<200xi32, #tpu.memory_space<vmem>>
    %dma_start3A_79 = tpu.memref_slice %arg3[%mul3A_61] : memref<819200xi32, #tpu.memory_space<hbm>> -> memref<200xi32, #tpu.memory_space<hbm>>
    %dma_start3A_80 = tpu.memref_slice %arg11[%dma_start3A_75] : memref<6x!tpu.dma_semaphore, #tpu.memory_space<semaphore_mem>> -> memref<1x!tpu.dma_semaphore, #tpu.memory_space<semaphore_mem>>
    %dma_start3A_81 = tpu.memref_squeeze %dma_start3A_80 : memref<1x!tpu.dma_semaphore, #tpu.memory_space<semaphore_mem>> -> memref<!tpu.dma_semaphore, #tpu.memory_space<semaphore_mem>>
    %dma_start3A_82 = arith.constant 0 : i32
    %dma_start3A_83 = tpu.memref_slice %arg9[%dma_start3A_74, %dma_start3A_82] : memref<6x256xi32, #tpu.memory_space<vmem>> -> memref<1x200xi32, #tpu.memory_space<vmem>>
    %dma_start3A_84 = tpu.memref_squeeze %dma_start3A_83 : memref<1x200xi32, #tpu.memory_space<vmem>> -> memref<200xi32, #tpu.memory_space<vmem>>
    %dma_start3A_85 = tpu.memref_slice %arg3[%mul3A_61] : memref<819200xi32, #tpu.memory_space<hbm>> -> memref<200xi32, #tpu.memory_space<hbm>>
    tpu.enqueue_dma source(%dma_start3A_85 : memref<200xi32, #tpu.memory_space<hbm>>) target(%dma_start3A_84 : memref<200xi32, #tpu.memory_space<vmem>>) target_semaphore(%dma_start3A_81 : memref<!tpu.dma_semaphore, #tpu.memory_space<semaphore_mem>>)
    %add3A_86 = arith.constant 3 : i32
    %add3A_87 = arith.addi %mul3A_2, %add3A_86 : i32
    %mul3A_88 = arith.constant 200 : i32
    %mul3A_89 = arith.muli %add3A_87, %mul3A_88 : i32
    %dma_start3A_90 = arith.constant 3 : i32
    %dma_start3A_91 = arith.constant 3 : i32
    %dma_start3A_92 = arith.constant 0 : i32
    %dma_start3A_93 = tpu.memref_slice %arg8[%dma_start3A_90, %dma_start3A_92] : memref<6x256xi32, #tpu.memory_space<vmem>> -> memref<1x200xi32, #tpu.memory_space<vmem>>
    %dma_start3A_94 = tpu.memref_squeeze %dma_start3A_93 : memref<1x200xi32, #tpu.memory_space<vmem>> -> memref<200xi32, #tpu.memory_space<vmem>>
    %dma_start3A_95 = tpu.memref_slice %arg2[%mul3A_89] : memref<819200xi32, #tpu.memory_space<hbm>> -> memref<200xi32, #tpu.memory_space<hbm>>
    %dma_start3A_96 = tpu.memref_slice %arg11[%dma_start3A_91] : memref<6x!tpu.dma_semaphore, #tpu.memory_space<semaphore_mem>> -> memref<1x!tpu.dma_semaphore, #tpu.memory_space<semaphore_mem>>
    %dma_start3A_97 = tpu.memref_squeeze %dma_start3A_96 : memref<1x!tpu.dma_semaphore, #tpu.memory_space<semaphore_mem>> -> memref<!tpu.dma_semaphore, #tpu.memory_space<semaphore_mem>>
    %dma_start3A_98 = arith.constant 0 : i32
    %dma_start3A_99 = tpu.memref_slice %arg8[%dma_start3A_90, %dma_start3A_98] : memref<6x256xi32, #tpu.memory_space<vmem>> -> memref<1x200xi32, #tpu.memory_space<vmem>>
    %dma_start3A_100 = tpu.memref_squeeze %dma_start3A_99 : memref<1x200xi32, #tpu.memory_space<vmem>> -> memref<200xi32, #tpu.memory_space<vmem>>
    %dma_start3A_101 = tpu.memref_slice %arg2[%mul3A_89] : memref<819200xi32, #tpu.memory_space<hbm>> -> memref<200xi32, #tpu.memory_space<hbm>>
    tpu.enqueue_dma source(%dma_start3A_101 : memref<200xi32, #tpu.memory_space<hbm>>) target(%dma_start3A_100 : memref<200xi32, #tpu.memory_space<vmem>>) target_semaphore(%dma_start3A_97 : memref<!tpu.dma_semaphore, #tpu.memory_space<semaphore_mem>>)
    %dma_start3A_102 = arith.constant 3 : i32
    %dma_start3A_103 = arith.constant 3 : i32
    %dma_start3A_104 = arith.constant 0 : i32
    %dma_start3A_105 = tpu.memref_slice %arg9[%dma_start3A_102, %dma_start3A_104] : memref<6x256xi32, #tpu.memory_space<vmem>> -> memref<1x200xi32, #tpu.memory_space<vmem>>
    %dma_start3A_106 = tpu.memref_squeeze %dma_start3A_105 : memref<1x200xi32, #tpu.memory_space<vmem>> -> memref<200xi32, #tpu.memory_space<vmem>>
    %dma_start3A_107 = tpu.memref_slice %arg3[%mul3A_89] : memref<819200xi32, #tpu.memory_space<hbm>> -> memref<200xi32, #tpu.memory_space<hbm>>
    %dma_start3A_108 = tpu.memref_slice %arg11[%dma_start3A_103] : memref<6x!tpu.dma_semaphore, #tpu.memory_space<semaphore_mem>> -> memref<1x!tpu.dma_semaphore, #tpu.memory_space<semaphore_mem>>
    %dma_start3A_109 = tpu.memref_squeeze %dma_start3A_108 : memref<1x!tpu.dma_semaphore, #tpu.memory_space<semaphore_mem>> -> memref<!tpu.dma_semaphore, #tpu.memory_space<semaphore_mem>>
    %dma_start3A_110 = arith.constant 0 : i32
    %dma_start3A_111 = tpu.memref_slice %arg9[%dma_start3A_102, %dma_start3A_110] : memref<6x256xi32, #tpu.memory_space<vmem>> -> memref<1x200xi32, #tpu.memory_space<vmem>>
    %dma_start3A_112 = tpu.memref_squeeze %dma_start3A_111 : memref<1x200xi32, #tpu.memory_space<vmem>> -> memref<200xi32, #tpu.memory_space<vmem>>
    %dma_start3A_113 = tpu.memref_slice %arg3[%mul3A_89] : memref<819200xi32, #tpu.memory_space<hbm>> -> memref<200xi32, #tpu.memory_space<hbm>>
    tpu.enqueue_dma source(%dma_start3A_113 : memref<200xi32, #tpu.memory_space<hbm>>) target(%dma_start3A_112 : memref<200xi32, #tpu.memory_space<vmem>>) target_semaphore(%dma_start3A_109 : memref<!tpu.dma_semaphore, #tpu.memory_space<semaphore_mem>>)
    %dma_wait3A = arith.constant 0 : i32
    %dma_wait3A_114 = arith.constant 0 : i32
    %dma_wait3A_115 = arith.constant 0 : i32
    %dma_wait3A_116 = tpu.memref_slice %arg8[%dma_wait3A, %dma_wait3A_115] : memref<6x256xi32, #tpu.memory_space<vmem>> -> memref<1x200xi32, #tpu.memory_space<vmem>>
    %dma_wait3A_117 = tpu.memref_squeeze %dma_wait3A_116 : memref<1x200xi32, #tpu.memory_space<vmem>> -> memref<200xi32, #tpu.memory_space<vmem>>
    %dma_wait3A_118 = arith.constant 0 : i32
    %dma_wait3A_119 = tpu.memref_slice %arg2[%dma_wait3A_118] : memref<819200xi32, #tpu.memory_space<hbm>> -> memref<200xi32, #tpu.memory_space<hbm>>
    %dma_wait3A_120 = tpu.memref_slice %arg11[%dma_wait3A_114] : memref<6x!tpu.dma_semaphore, #tpu.memory_space<semaphore_mem>> -> memref<1x!tpu.dma_semaphore, #tpu.memory_space<semaphore_mem>>
    %dma_wait3A_121 = tpu.memref_squeeze %dma_wait3A_120 : memref<1x!tpu.dma_semaphore, #tpu.memory_space<semaphore_mem>> -> memref<!tpu.dma_semaphore, #tpu.memory_space<semaphore_mem>>
    %dma_wait3A_122 = arith.constant 0 : i32
    %dma_wait3A_123 = tpu.memref_slice %arg8[%dma_wait3A, %dma_wait3A_122] : memref<6x256xi32, #tpu.memory_space<vmem>> -> memref<1x200xi32, #tpu.memory_space<vmem>>
    %dma_wait3A_124 = tpu.memref_squeeze %dma_wait3A_123 : memref<1x200xi32, #tpu.memory_space<vmem>> -> memref<200xi32, #tpu.memory_space<vmem>>
    %dma_wait3A_125 = arith.constant 0 : i32
    %dma_wait3A_126 = tpu.memref_slice %arg2[%dma_wait3A_125] : memref<819200xi32, #tpu.memory_space<hbm>> -> memref<200xi32, #tpu.memory_space<hbm>>
    tpu.wait_dma2 semaphore(%dma_wait3A_121 : memref<!tpu.dma_semaphore, #tpu.memory_space<semaphore_mem>>) src(%dma_wait3A_126 : memref<200xi32, #tpu.memory_space<hbm>>) dst(%dma_wait3A_124 : memref<200xi32, #tpu.memory_space<vmem>>)
    %dma_wait3A_127 = arith.constant 0 : i32
    %dma_wait3A_128 = arith.constant 0 : i32
    %dma_wait3A_129 = arith.constant 0 : i32
    %dma_wait3A_130 = tpu.memref_slice %arg9[%dma_wait3A_127, %dma_wait3A_129] : memref<6x256xi32, #tpu.memory_space<vmem>> -> memref<1x200xi32, #tpu.memory_space<vmem>>
    %dma_wait3A_131 = tpu.memref_squeeze %dma_wait3A_130 : memref<1x200xi32, #tpu.memory_space<vmem>> -> memref<200xi32, #tpu.memory_space<vmem>>
    %dma_wait3A_132 = arith.constant 0 : i32
    %dma_wait3A_133 = tpu.memref_slice %arg3[%dma_wait3A_132] : memref<819200xi32, #tpu.memory_space<hbm>> -> memref<200xi32, #tpu.memory_space<hbm>>
    %dma_wait3A_134 = tpu.memref_slice %arg11[%dma_wait3A_128] : memref<6x!tpu.dma_semaphore, #tpu.memory_space<semaphore_mem>> -> memref<1x!tpu.dma_semaphore, #tpu.memory_space<semaphore_mem>>
    %dma_wait3A_135 = tpu.memref_squeeze %dma_wait3A_134 : memref<1x!tpu.dma_semaphore, #tpu.memory_space<semaphore_mem>> -> memref<!tpu.dma_semaphore, #tpu.memory_space<semaphore_mem>>
    %dma_wait3A_136 = arith.constant 0 : i32
    %dma_wait3A_137 = tpu.memref_slice %arg9[%dma_wait3A_127, %dma_wait3A_136] : memref<6x256xi32, #tpu.memory_space<vmem>> -> memref<1x200xi32, #tpu.memory_space<vmem>>
    %dma_wait3A_138 = tpu.memref_squeeze %dma_wait3A_137 : memref<1x200xi32, #tpu.memory_space<vmem>> -> memref<200xi32, #tpu.memory_space<vmem>>
    %dma_wait3A_139 = arith.constant 0 : i32
    %dma_wait3A_140 = tpu.memref_slice %arg3[%dma_wait3A_139] : memref<819200xi32, #tpu.memory_space<hbm>> -> memref<200xi32, #tpu.memory_space<hbm>>
    tpu.wait_dma2 semaphore(%dma_wait3A_135 : memref<!tpu.dma_semaphore, #tpu.memory_space<semaphore_mem>>) src(%dma_wait3A_140 : memref<200xi32, #tpu.memory_space<hbm>>) dst(%dma_wait3A_138 : memref<200xi32, #tpu.memory_space<vmem>>)
    %dma_start3A_141 = arith.constant 0 : i32
    %dma_start3A_142 = arith.constant 0 : i32
    %dma_start3A_143 = arith.constant 0 : i32
    %dma_start3A_144 = arith.constant 0 : i32
    %dma_start3A_145 = arith.constant 0 : i32
    %dma_start3A_146 = tpu.memref_slice %arg10[%dma_start3A_142, %dma_start3A_144, %dma_start3A_145] : memref<6x200x64xf32, #tpu.memory_space<vmem>> -> memref<1x40x64xf32, #tpu.memory_space<vmem>>
    %dma_start3A_147 = tpu.memref_squeeze %dma_start3A_146 : memref<1x40x64xf32, #tpu.memory_space<vmem>> -> memref<40x64xf32, #tpu.memory_space<vmem>>
    %dma_start3A_148 = arith.constant 0 : i32
    %dma_start3A_149 = tpu.memref_slice %arg8[%dma_start3A_141, %dma_start3A_148] : memref<6x256xi32, #tpu.memory_space<vmem>> -> memref<1x40xi32, #tpu.memory_space<vmem>>
    %dma_start3A_150 = tpu.memref_squeeze %dma_start3A_149 : memref<1x40xi32, #tpu.memory_space<vmem>> -> memref<40xi32, #tpu.memory_space<vmem>>
    %dma_start3A_151 = arith.constant 0 : i32
    %dma_start3A_152 = arith.constant 0 : i32
    %dma_start3A_153 = tpu.memref_slice %arg4[%dma_start3A_151, %dma_start3A_152] : memref<1000000x64xf32, #tpu.memory_space<hbm>> -> memref<1000000x64xf32, #tpu.memory_space<hbm>>
    %dma_start3A_154 = tpu.memref_slice %arg12[%dma_start3A_143] : memref<6x!tpu.dma_semaphore, #tpu.memory_space<semaphore_mem>> -> memref<1x!tpu.dma_semaphore, #tpu.memory_space<semaphore_mem>>
    %dma_start3A_155 = tpu.memref_squeeze %dma_start3A_154 : memref<1x!tpu.dma_semaphore, #tpu.memory_space<semaphore_mem>> -> memref<!tpu.dma_semaphore, #tpu.memory_space<semaphore_mem>>
    tpu.enqueue_indirect_dma source(%dma_start3A_153 : memref<1000000x64xf32, #tpu.memory_space<hbm>>) target(%dma_start3A_147 : memref<40x64xf32, #tpu.memory_space<vmem>>) offsets(%dma_start3A_150 : memref<40xi32, #tpu.memory_space<vmem>>) semaphore(%dma_start3A_155 : memref<!tpu.dma_semaphore, #tpu.memory_space<semaphore_mem>>)
    %dma_start3A_156 = arith.constant 0 : i32
    %dma_start3A_157 = arith.constant 0 : i32
    %dma_start3A_158 = arith.constant 0 : i32
    %dma_start3A_159 = arith.constant 40 : i32
    %dma_start3A_160 = arith.constant 0 : i32
    %dma_start3A_161 = tpu.memref_slice %arg10[%dma_start3A_157, %dma_start3A_159, %dma_start3A_160] : memref<6x200x64xf32, #tpu.memory_space<vmem>> -> memref<1x40x64xf32, #tpu.memory_space<vmem>>
    %dma_start3A_162 = tpu.memref_squeeze %dma_start3A_161 : memref<1x40x64xf32, #tpu.memory_space<vmem>> -> memref<40x64xf32, #tpu.memory_space<vmem>>
    %dma_start3A_163 = arith.constant 40 : i32
    %dma_start3A_164 = tpu.memref_slice %arg8[%dma_start3A_156, %dma_start3A_163] : memref<6x256xi32, #tpu.memory_space<vmem>> -> memref<1x40xi32, #tpu.memory_space<vmem>>
    %dma_start3A_165 = tpu.memref_squeeze %dma_start3A_164 : memref<1x40xi32, #tpu.memory_space<vmem>> -> memref<40xi32, #tpu.memory_space<vmem>>
    %dma_start3A_166 = arith.constant 0 : i32
    %dma_start3A_167 = arith.constant 0 : i32
    %dma_start3A_168 = tpu.memref_slice %arg4[%dma_start3A_166, %dma_start3A_167] : memref<1000000x64xf32, #tpu.memory_space<hbm>> -> memref<1000000x64xf32, #tpu.memory_space<hbm>>
    %dma_start3A_169 = tpu.memref_slice %arg12[%dma_start3A_158] : memref<6x!tpu.dma_semaphore, #tpu.memory_space<semaphore_mem>> -> memref<1x!tpu.dma_semaphore, #tpu.memory_space<semaphore_mem>>
    %dma_start3A_170 = tpu.memref_squeeze %dma_start3A_169 : memref<1x!tpu.dma_semaphore, #tpu.memory_space<semaphore_mem>> -> memref<!tpu.dma_semaphore, #tpu.memory_space<semaphore_mem>>
    tpu.enqueue_indirect_dma source(%dma_start3A_168 : memref<1000000x64xf32, #tpu.memory_space<hbm>>) target(%dma_start3A_162 : memref<40x64xf32, #tpu.memory_space<vmem>>) offsets(%dma_start3A_165 : memref<40xi32, #tpu.memory_space<vmem>>) semaphore(%dma_start3A_170 : memref<!tpu.dma_semaphore, #tpu.memory_space<semaphore_mem>>)
    %dma_start3A_171 = arith.constant 0 : i32
    %dma_start3A_172 = arith.constant 0 : i32
    %dma_start3A_173 = arith.constant 0 : i32
    %dma_start3A_174 = arith.constant 80 : i32
    %dma_start3A_175 = arith.constant 0 : i32
    %dma_start3A_176 = tpu.memref_slice %arg10[%dma_start3A_172, %dma_start3A_174, %dma_start3A_175] : memref<6x200x64xf32, #tpu.memory_space<vmem>> -> memref<1x40x64xf32, #tpu.memory_space<vmem>>
    %dma_start3A_177 = tpu.memref_squeeze %dma_start3A_176 : memref<1x40x64xf32, #tpu.memory_space<vmem>> -> memref<40x64xf32, #tpu.memory_space<vmem>>
    %dma_start3A_178 = arith.constant 80 : i32
    %dma_start3A_179 = tpu.memref_slice %arg8[%dma_start3A_171, %dma_start3A_178] : memref<6x256xi32, #tpu.memory_space<vmem>> -> memref<1x40xi32, #tpu.memory_space<vmem>>
    %dma_start3A_180 = tpu.memref_squeeze %dma_start3A_179 : memref<1x40xi32, #tpu.memory_space<vmem>> -> memref<40xi32, #tpu.memory_space<vmem>>
    %dma_start3A_181 = arith.constant 0 : i32
    %dma_start3A_182 = arith.constant 0 : i32
    %dma_start3A_183 = tpu.memref_slice %arg4[%dma_start3A_181, %dma_start3A_182] : memref<1000000x64xf32, #tpu.memory_space<hbm>> -> memref<1000000x64xf32, #tpu.memory_space<hbm>>
    %dma_start3A_184 = tpu.memref_slice %arg12[%dma_start3A_173] : memref<6x!tpu.dma_semaphore, #tpu.memory_space<semaphore_mem>> -> memref<1x!tpu.dma_semaphore, #tpu.memory_space<semaphore_mem>>
    %dma_start3A_185 = tpu.memref_squeeze %dma_start3A_184 : memref<1x!tpu.dma_semaphore, #tpu.memory_space<semaphore_mem>> -> memref<!tpu.dma_semaphore, #tpu.memory_space<semaphore_mem>>
    tpu.enqueue_indirect_dma source(%dma_start3A_183 : memref<1000000x64xf32, #tpu.memory_space<hbm>>) target(%dma_start3A_177 : memref<40x64xf32, #tpu.memory_space<vmem>>) offsets(%dma_start3A_180 : memref<40xi32, #tpu.memory_space<vmem>>) semaphore(%dma_start3A_185 : memref<!tpu.dma_semaphore, #tpu.memory_space<semaphore_mem>>)
    %dma_start3A_186 = arith.constant 0 : i32
    %dma_start3A_187 = arith.constant 0 : i32
    %dma_start3A_188 = arith.constant 0 : i32
    %dma_start3A_189 = arith.constant 120 : i32
    %dma_start3A_190 = arith.constant 0 : i32
    %dma_start3A_191 = tpu.memref_slice %arg10[%dma_start3A_187, %dma_start3A_189, %dma_start3A_190] : memref<6x200x64xf32, #tpu.memory_space<vmem>> -> memref<1x40x64xf32, #tpu.memory_space<vmem>>
    %dma_start3A_192 = tpu.memref_squeeze %dma_start3A_191 : memref<1x40x64xf32, #tpu.memory_space<vmem>> -> memref<40x64xf32, #tpu.memory_space<vmem>>
    %dma_start3A_193 = arith.constant 120 : i32
    %dma_start3A_194 = tpu.memref_slice %arg8[%dma_start3A_186, %dma_start3A_193] : memref<6x256xi32, #tpu.memory_space<vmem>> -> memref<1x40xi32, #tpu.memory_space<vmem>>
    %dma_start3A_195 = tpu.memref_squeeze %dma_start3A_194 : memref<1x40xi32, #tpu.memory_space<vmem>> -> memref<40xi32, #tpu.memory_space<vmem>>
    %dma_start3A_196 = arith.constant 0 : i32
    %dma_start3A_197 = arith.constant 0 : i32
    %dma_start3A_198 = tpu.memref_slice %arg4[%dma_start3A_196, %dma_start3A_197] : memref<1000000x64xf32, #tpu.memory_space<hbm>> -> memref<1000000x64xf32, #tpu.memory_space<hbm>>
    %dma_start3A_199 = tpu.memref_slice %arg12[%dma_start3A_188] : memref<6x!tpu.dma_semaphore, #tpu.memory_space<semaphore_mem>> -> memref<1x!tpu.dma_semaphore, #tpu.memory_space<semaphore_mem>>
    %dma_start3A_200 = tpu.memref_squeeze %dma_start3A_199 : memref<1x!tpu.dma_semaphore, #tpu.memory_space<semaphore_mem>> -> memref<!tpu.dma_semaphore, #tpu.memory_space<semaphore_mem>>
    tpu.enqueue_indirect_dma source(%dma_start3A_198 : memref<1000000x64xf32, #tpu.memory_space<hbm>>) target(%dma_start3A_192 : memref<40x64xf32, #tpu.memory_space<vmem>>) offsets(%dma_start3A_195 : memref<40xi32, #tpu.memory_space<vmem>>) semaphore(%dma_start3A_200 : memref<!tpu.dma_semaphore, #tpu.memory_space<semaphore_mem>>)
    %dma_start3A_201 = arith.constant 0 : i32
    %dma_start3A_202 = arith.constant 0 : i32
    %dma_start3A_203 = arith.constant 0 : i32
    %dma_start3A_204 = arith.constant 160 : i32
    %dma_start3A_205 = arith.constant 0 : i32
    %dma_start3A_206 = tpu.memref_slice %arg10[%dma_start3A_202, %dma_start3A_204, %dma_start3A_205] : memref<6x200x64xf32, #tpu.memory_space<vmem>> -> memref<1x40x64xf32, #tpu.memory_space<vmem>>
    %dma_start3A_207 = tpu.memref_squeeze %dma_start3A_206 : memref<1x40x64xf32, #tpu.memory_space<vmem>> -> memref<40x64xf32, #tpu.memory_space<vmem>>
    %dma_start3A_208 = arith.constant 160 : i32
    %dma_start3A_209 = tpu.memref_slice %arg8[%dma_start3A_201, %dma_start3A_208] : memref<6x256xi32, #tpu.memory_space<vmem>> -> memref<1x40xi32, #tpu.memory_space<vmem>>
    %dma_start3A_210 = tpu.memref_squeeze %dma_start3A_209 : memref<1x40xi32, #tpu.memory_space<vmem>> -> memref<40xi32, #tpu.memory_space<vmem>>
    %dma_start3A_211 = arith.constant 0 : i32
    %dma_start3A_212 = arith.constant 0 : i32
    %dma_start3A_213 = tpu.memref_slice %arg4[%dma_start3A_211, %dma_start3A_212] : memref<1000000x64xf32, #tpu.memory_space<hbm>> -> memref<1000000x64xf32, #tpu.memory_space<hbm>>
    %dma_start3A_214 = tpu.memref_slice %arg12[%dma_start3A_203] : memref<6x!tpu.dma_semaphore, #tpu.memory_space<semaphore_mem>> -> memref<1x!tpu.dma_semaphore, #tpu.memory_space<semaphore_mem>>
    %dma_start3A_215 = tpu.memref_squeeze %dma_start3A_214 : memref<1x!tpu.dma_semaphore, #tpu.memory_space<semaphore_mem>> -> memref<!tpu.dma_semaphore, #tpu.memory_space<semaphore_mem>>
    tpu.enqueue_indirect_dma source(%dma_start3A_213 : memref<1000000x64xf32, #tpu.memory_space<hbm>>) target(%dma_start3A_207 : memref<40x64xf32, #tpu.memory_space<vmem>>) offsets(%dma_start3A_210 : memref<40xi32, #tpu.memory_space<vmem>>) semaphore(%dma_start3A_215 : memref<!tpu.dma_semaphore, #tpu.memory_space<semaphore_mem>>)
    %dma_wait3A_216 = arith.constant 1 : i32
    %dma_wait3A_217 = arith.constant 1 : i32
    %dma_wait3A_218 = arith.constant 0 : i32
    %dma_wait3A_219 = tpu.memref_slice %arg8[%dma_wait3A_216, %dma_wait3A_218] : memref<6x256xi32, #tpu.memory_space<vmem>> -> memref<1x200xi32, #tpu.memory_space<vmem>>
    %dma_wait3A_220 = tpu.memref_squeeze %dma_wait3A_219 : memref<1x200xi32, #tpu.memory_space<vmem>> -> memref<200xi32, #tpu.memory_space<vmem>>
    %dma_wait3A_221 = arith.constant 0 : i32
    %dma_wait3A_222 = tpu.memref_slice %arg2[%dma_wait3A_221] : memref<819200xi32, #tpu.memory_space<hbm>> -> memref<200xi32, #tpu.memory_space<hbm>>
    %dma_wait3A_223 = tpu.memref_slice %arg11[%dma_wait3A_217] : memref<6x!tpu.dma_semaphore, #tpu.memory_space<semaphore_mem>> -> memref<1x!tpu.dma_semaphore, #tpu.memory_space<semaphore_mem>>
    %dma_wait3A_224 = tpu.memref_squeeze %dma_wait3A_223 : memref<1x!tpu.dma_semaphore, #tpu.memory_space<semaphore_mem>> -> memref<!tpu.dma_semaphore, #tpu.memory_space<semaphore_mem>>
    %dma_wait3A_225 = arith.constant 0 : i32
    %dma_wait3A_226 = tpu.memref_slice %arg8[%dma_wait3A_216, %dma_wait3A_225] : memref<6x256xi32, #tpu.memory_space<vmem>> -> memref<1x200xi32, #tpu.memory_space<vmem>>
    %dma_wait3A_227 = tpu.memref_squeeze %dma_wait3A_226 : memref<1x200xi32, #tpu.memory_space<vmem>> -> memref<200xi32, #tpu.memory_space<vmem>>
    %dma_wait3A_228 = arith.constant 0 : i32
    %dma_wait3A_229 = tpu.memref_slice %arg2[%dma_wait3A_228] : memref<819200xi32, #tpu.memory_space<hbm>> -> memref<200xi32, #tpu.memory_space<hbm>>
    tpu.wait_dma2 semaphore(%dma_wait3A_224 : memref<!tpu.dma_semaphore, #tpu.memory_space<semaphore_mem>>) src(%dma_wait3A_229 : memref<200xi32, #tpu.memory_space<hbm>>) dst(%dma_wait3A_227 : memref<200xi32, #tpu.memory_space<vmem>>)
    %dma_wait3A_230 = arith.constant 1 : i32
    %dma_wait3A_231 = arith.constant 1 : i32
    %dma_wait3A_232 = arith.constant 0 : i32
    %dma_wait3A_233 = tpu.memref_slice %arg9[%dma_wait3A_230, %dma_wait3A_232] : memref<6x256xi32, #tpu.memory_space<vmem>> -> memref<1x200xi32, #tpu.memory_space<vmem>>
    %dma_wait3A_234 = tpu.memref_squeeze %dma_wait3A_233 : memref<1x200xi32, #tpu.memory_space<vmem>> -> memref<200xi32, #tpu.memory_space<vmem>>
    %dma_wait3A_235 = arith.constant 0 : i32
    %dma_wait3A_236 = tpu.memref_slice %arg3[%dma_wait3A_235] : memref<819200xi32, #tpu.memory_space<hbm>> -> memref<200xi32, #tpu.memory_space<hbm>>
    %dma_wait3A_237 = tpu.memref_slice %arg11[%dma_wait3A_231] : memref<6x!tpu.dma_semaphore, #tpu.memory_space<semaphore_mem>> -> memref<1x!tpu.dma_semaphore, #tpu.memory_space<semaphore_mem>>
    %dma_wait3A_238 = tpu.memref_squeeze %dma_wait3A_237 : memref<1x!tpu.dma_semaphore, #tpu.memory_space<semaphore_mem>> -> memref<!tpu.dma_semaphore, #tpu.memory_space<semaphore_mem>>
    %dma_wait3A_239 = arith.constant 0 : i32
    %dma_wait3A_240 = tpu.memref_slice %arg9[%dma_wait3A_230, %dma_wait3A_239] : memref<6x256xi32, #tpu.memory_space<vmem>> -> memref<1x200xi32, #tpu.memory_space<vmem>>
    %dma_wait3A_241 = tpu.memref_squeeze %dma_wait3A_240 : memref<1x200xi32, #tpu.memory_space<vmem>> -> memref<200xi32, #tpu.memory_space<vmem>>
    %dma_wait3A_242 = arith.constant 0 : i32
    %dma_wait3A_243 = tpu.memref_slice %arg3[%dma_wait3A_242] : memref<819200xi32, #tpu.memory_space<hbm>> -> memref<200xi32, #tpu.memory_space<hbm>>
    tpu.wait_dma2 semaphore(%dma_wait3A_238 : memref<!tpu.dma_semaphore, #tpu.memory_space<semaphore_mem>>) src(%dma_wait3A_243 : memref<200xi32, #tpu.memory_space<hbm>>) dst(%dma_wait3A_241 : memref<200xi32, #tpu.memory_space<vmem>>)
    %dma_start3A_244 = arith.constant 1 : i32
    %dma_start3A_245 = arith.constant 1 : i32
    %dma_start3A_246 = arith.constant 1 : i32
    %dma_start3A_247 = arith.constant 0 : i32
    %dma_start3A_248 = arith.constant 0 : i32
    %dma_start3A_249 = tpu.memref_slice %arg10[%dma_start3A_245, %dma_start3A_247, %dma_start3A_248] : memref<6x200x64xf32, #tpu.memory_space<vmem>> -> memref<1x40x64xf32, #tpu.memory_space<vmem>>
    %dma_start3A_250 = tpu.memref_squeeze %dma_start3A_249 : memref<1x40x64xf32, #tpu.memory_space<vmem>> -> memref<40x64xf32, #tpu.memory_space<vmem>>
    %dma_start3A_251 = arith.constant 0 : i32
    %dma_start3A_252 = tpu.memref_slice %arg8[%dma_start3A_244, %dma_start3A_251] : memref<6x256xi32, #tpu.memory_space<vmem>> -> memref<1x40xi32, #tpu.memory_space<vmem>>
    %dma_start3A_253 = tpu.memref_squeeze %dma_start3A_252 : memref<1x40xi32, #tpu.memory_space<vmem>> -> memref<40xi32, #tpu.memory_space<vmem>>
    %dma_start3A_254 = arith.constant 0 : i32
    %dma_start3A_255 = arith.constant 0 : i32
    %dma_start3A_256 = tpu.memref_slice %arg4[%dma_start3A_254, %dma_start3A_255] : memref<1000000x64xf32, #tpu.memory_space<hbm>> -> memref<1000000x64xf32, #tpu.memory_space<hbm>>
    %dma_start3A_257 = tpu.memref_slice %arg12[%dma_start3A_246] : memref<6x!tpu.dma_semaphore, #tpu.memory_space<semaphore_mem>> -> memref<1x!tpu.dma_semaphore, #tpu.memory_space<semaphore_mem>>
    %dma_start3A_258 = tpu.memref_squeeze %dma_start3A_257 : memref<1x!tpu.dma_semaphore, #tpu.memory_space<semaphore_mem>> -> memref<!tpu.dma_semaphore, #tpu.memory_space<semaphore_mem>>
    tpu.enqueue_indirect_dma source(%dma_start3A_256 : memref<1000000x64xf32, #tpu.memory_space<hbm>>) target(%dma_start3A_250 : memref<40x64xf32, #tpu.memory_space<vmem>>) offsets(%dma_start3A_253 : memref<40xi32, #tpu.memory_space<vmem>>) semaphore(%dma_start3A_258 : memref<!tpu.dma_semaphore, #tpu.memory_space<semaphore_mem>>)
    %dma_start3A_259 = arith.constant 1 : i32
    %dma_start3A_260 = arith.constant 1 : i32
    %dma_start3A_261 = arith.constant 1 : i32
    %dma_start3A_262 = arith.constant 40 : i32
    %dma_start3A_263 = arith.constant 0 : i32
    %dma_start3A_264 = tpu.memref_slice %arg10[%dma_start3A_260, %dma_start3A_262, %dma_start3A_263] : memref<6x200x64xf32, #tpu.memory_space<vmem>> -> memref<1x40x64xf32, #tpu.memory_space<vmem>>
    %dma_start3A_265 = tpu.memref_squeeze %dma_start3A_264 : memref<1x40x64xf32, #tpu.memory_space<vmem>> -> memref<40x64xf32, #tpu.memory_space<vmem>>
    %dma_start3A_266 = arith.constant 40 : i32
    %dma_start3A_267 = tpu.memref_slice %arg8[%dma_start3A_259, %dma_start3A_266] : memref<6x256xi32, #tpu.memory_space<vmem>> -> memref<1x40xi32, #tpu.memory_space<vmem>>
    %dma_start3A_268 = tpu.memref_squeeze %dma_start3A_267 : memref<1x40xi32, #tpu.memory_space<vmem>> -> memref<40xi32, #tpu.memory_space<vmem>>
    %dma_start3A_269 = arith.constant 0 : i32
    %dma_start3A_270 = arith.constant 0 : i32
    %dma_start3A_271 = tpu.memref_slice %arg4[%dma_start3A_269, %dma_start3A_270] : memref<1000000x64xf32, #tpu.memory_space<hbm>> -> memref<1000000x64xf32, #tpu.memory_space<hbm>>
    %dma_start3A_272 = tpu.memref_slice %arg12[%dma_start3A_261] : memref<6x!tpu.dma_semaphore, #tpu.memory_space<semaphore_mem>> -> memref<1x!tpu.dma_semaphore, #tpu.memory_space<semaphore_mem>>
    %dma_start3A_273 = tpu.memref_squeeze %dma_start3A_272 : memref<1x!tpu.dma_semaphore, #tpu.memory_space<semaphore_mem>> -> memref<!tpu.dma_semaphore, #tpu.memory_space<semaphore_mem>>
    tpu.enqueue_indirect_dma source(%dma_start3A_271 : memref<1000000x64xf32, #tpu.memory_space<hbm>>) target(%dma_start3A_265 : memref<40x64xf32, #tpu.memory_space<vmem>>) offsets(%dma_start3A_268 : memref<40xi32, #tpu.memory_space<vmem>>) semaphore(%dma_start3A_273 : memref<!tpu.dma_semaphore, #tpu.memory_space<semaphore_mem>>)
    %dma_start3A_274 = arith.constant 1 : i32
    %dma_start3A_275 = arith.constant 1 : i32
    %dma_start3A_276 = arith.constant 1 : i32
    %dma_start3A_277 = arith.constant 80 : i32
    %dma_start3A_278 = arith.constant 0 : i32
    %dma_start3A_279 = tpu.memref_slice %arg10[%dma_start3A_275, %dma_start3A_277, %dma_start3A_278] : memref<6x200x64xf32, #tpu.memory_space<vmem>> -> memref<1x40x64xf32, #tpu.memory_space<vmem>>
    %dma_start3A_280 = tpu.memref_squeeze %dma_start3A_279 : memref<1x40x64xf32, #tpu.memory_space<vmem>> -> memref<40x64xf32, #tpu.memory_space<vmem>>
    %dma_start3A_281 = arith.constant 80 : i32
    %dma_start3A_282 = tpu.memref_slice %arg8[%dma_start3A_274, %dma_start3A_281] : memref<6x256xi32, #tpu.memory_space<vmem>> -> memref<1x40xi32, #tpu.memory_space<vmem>>
    %dma_start3A_283 = tpu.memref_squeeze %dma_start3A_282 : memref<1x40xi32, #tpu.memory_space<vmem>> -> memref<40xi32, #tpu.memory_space<vmem>>
    %dma_start3A_284 = arith.constant 0 : i32
    %dma_start3A_285 = arith.constant 0 : i32
    %dma_start3A_286 = tpu.memref_slice %arg4[%dma_start3A_284, %dma_start3A_285] : memref<1000000x64xf32, #tpu.memory_space<hbm>> -> memref<1000000x64xf32, #tpu.memory_space<hbm>>
    %dma_start3A_287 = tpu.memref_slice %arg12[%dma_start3A_276] : memref<6x!tpu.dma_semaphore, #tpu.memory_space<semaphore_mem>> -> memref<1x!tpu.dma_semaphore, #tpu.memory_space<semaphore_mem>>
    %dma_start3A_288 = tpu.memref_squeeze %dma_start3A_287 : memref<1x!tpu.dma_semaphore, #tpu.memory_space<semaphore_mem>> -> memref<!tpu.dma_semaphore, #tpu.memory_space<semaphore_mem>>
    tpu.enqueue_indirect_dma source(%dma_start3A_286 : memref<1000000x64xf32, #tpu.memory_space<hbm>>) target(%dma_start3A_280 : memref<40x64xf32, #tpu.memory_space<vmem>>) offsets(%dma_start3A_283 : memref<40xi32, #tpu.memory_space<vmem>>) semaphore(%dma_start3A_288 : memref<!tpu.dma_semaphore, #tpu.memory_space<semaphore_mem>>)
    %dma_start3A_289 = arith.constant 1 : i32
    %dma_start3A_290 = arith.constant 1 : i32
    %dma_start3A_291 = arith.constant 1 : i32
    %dma_start3A_292 = arith.constant 120 : i32
    %dma_start3A_293 = arith.constant 0 : i32
    %dma_start3A_294 = tpu.memref_slice %arg10[%dma_start3A_290, %dma_start3A_292, %dma_start3A_293] : memref<6x200x64xf32, #tpu.memory_space<vmem>> -> memref<1x40x64xf32, #tpu.memory_space<vmem>>
    %dma_start3A_295 = tpu.memref_squeeze %dma_start3A_294 : memref<1x40x64xf32, #tpu.memory_space<vmem>> -> memref<40x64xf32, #tpu.memory_space<vmem>>
    %dma_start3A_296 = arith.constant 120 : i32
    %dma_start3A_297 = tpu.memref_slice %arg8[%dma_start3A_289, %dma_start3A_296] : memref<6x256xi32, #tpu.memory_space<vmem>> -> memref<1x40xi32, #tpu.memory_space<vmem>>
    %dma_start3A_298 = tpu.memref_squeeze %dma_start3A_297 : memref<1x40xi32, #tpu.memory_space<vmem>> -> memref<40xi32, #tpu.memory_space<vmem>>
    %dma_start3A_299 = arith.constant 0 : i32
    %dma_start3A_300 = arith.constant 0 : i32
    %dma_start3A_301 = tpu.memref_slice %arg4[%dma_start3A_299, %dma_start3A_300] : memref<1000000x64xf32, #tpu.memory_space<hbm>> -> memref<1000000x64xf32, #tpu.memory_space<hbm>>
    %dma_start3A_302 = tpu.memref_slice %arg12[%dma_start3A_291] : memref<6x!tpu.dma_semaphore, #tpu.memory_space<semaphore_mem>> -> memref<1x!tpu.dma_semaphore, #tpu.memory_space<semaphore_mem>>
    %dma_start3A_303 = tpu.memref_squeeze %dma_start3A_302 : memref<1x!tpu.dma_semaphore, #tpu.memory_space<semaphore_mem>> -> memref<!tpu.dma_semaphore, #tpu.memory_space<semaphore_mem>>
    tpu.enqueue_indirect_dma source(%dma_start3A_301 : memref<1000000x64xf32, #tpu.memory_space<hbm>>) target(%dma_start3A_295 : memref<40x64xf32, #tpu.memory_space<vmem>>) offsets(%dma_start3A_298 : memref<40xi32, #tpu.memory_space<vmem>>) semaphore(%dma_start3A_303 : memref<!tpu.dma_semaphore, #tpu.memory_space<semaphore_mem>>)
    %dma_start3A_304 = arith.constant 1 : i32
    %dma_start3A_305 = arith.constant 1 : i32
    %dma_start3A_306 = arith.constant 1 : i32
    %dma_start3A_307 = arith.constant 160 : i32
    %dma_start3A_308 = arith.constant 0 : i32
    %dma_start3A_309 = tpu.memref_slice %arg10[%dma_start3A_305, %dma_start3A_307, %dma_start3A_308] : memref<6x200x64xf32, #tpu.memory_space<vmem>> -> memref<1x40x64xf32, #tpu.memory_space<vmem>>
    %dma_start3A_310 = tpu.memref_squeeze %dma_start3A_309 : memref<1x40x64xf32, #tpu.memory_space<vmem>> -> memref<40x64xf32, #tpu.memory_space<vmem>>
    %dma_start3A_311 = arith.constant 160 : i32
    %dma_start3A_312 = tpu.memref_slice %arg8[%dma_start3A_304, %dma_start3A_311] : memref<6x256xi32, #tpu.memory_space<vmem>> -> memref<1x40xi32, #tpu.memory_space<vmem>>
    %dma_start3A_313 = tpu.memref_squeeze %dma_start3A_312 : memref<1x40xi32, #tpu.memory_space<vmem>> -> memref<40xi32, #tpu.memory_space<vmem>>
    %dma_start3A_314 = arith.constant 0 : i32
    %dma_start3A_315 = arith.constant 0 : i32
    %dma_start3A_316 = tpu.memref_slice %arg4[%dma_start3A_314, %dma_start3A_315] : memref<1000000x64xf32, #tpu.memory_space<hbm>> -> memref<1000000x64xf32, #tpu.memory_space<hbm>>
    %dma_start3A_317 = tpu.memref_slice %arg12[%dma_start3A_306] : memref<6x!tpu.dma_semaphore, #tpu.memory_space<semaphore_mem>> -> memref<1x!tpu.dma_semaphore, #tpu.memory_space<semaphore_mem>>
    %dma_start3A_318 = tpu.memref_squeeze %dma_start3A_317 : memref<1x!tpu.dma_semaphore, #tpu.memory_space<semaphore_mem>> -> memref<!tpu.dma_semaphore, #tpu.memory_space<semaphore_mem>>
    tpu.enqueue_indirect_dma source(%dma_start3A_316 : memref<1000000x64xf32, #tpu.memory_space<hbm>>) target(%dma_start3A_310 : memref<40x64xf32, #tpu.memory_space<vmem>>) offsets(%dma_start3A_313 : memref<40xi32, #tpu.memory_space<vmem>>) semaphore(%dma_start3A_318 : memref<!tpu.dma_semaphore, #tpu.memory_space<semaphore_mem>>)
    %dma_wait3A_319 = arith.constant 2 : i32
    %dma_wait3A_320 = arith.constant 2 : i32
    %dma_wait3A_321 = arith.constant 0 : i32
    %dma_wait3A_322 = tpu.memref_slice %arg8[%dma_wait3A_319, %dma_wait3A_321] : memref<6x256xi32, #tpu.memory_space<vmem>> -> memref<1x200xi32, #tpu.memory_space<vmem>>
    %dma_wait3A_323 = tpu.memref_squeeze %dma_wait3A_322 : memref<1x200xi32, #tpu.memory_space<vmem>> -> memref<200xi32, #tpu.memory_space<vmem>>
    %dma_wait3A_324 = arith.constant 0 : i32
    %dma_wait3A_325 = tpu.memref_slice %arg2[%dma_wait3A_324] : memref<819200xi32, #tpu.memory_space<hbm>> -> memref<200xi32, #tpu.memory_space<hbm>>
    %dma_wait3A_326 = tpu.memref_slice %arg11[%dma_wait3A_320] : memref<6x!tpu.dma_semaphore, #tpu.memory_space<semaphore_mem>> -> memref<1x!tpu.dma_semaphore, #tpu.memory_space<semaphore_mem>>
    %dma_wait3A_327 = tpu.memref_squeeze %dma_wait3A_326 : memref<1x!tpu.dma_semaphore, #tpu.memory_space<semaphore_mem>> -> memref<!tpu.dma_semaphore, #tpu.memory_space<semaphore_mem>>
    %dma_wait3A_328 = arith.constant 0 : i32
    %dma_wait3A_329 = tpu.memref_slice %arg8[%dma_wait3A_319, %dma_wait3A_328] : memref<6x256xi32, #tpu.memory_space<vmem>> -> memref<1x200xi32, #tpu.memory_space<vmem>>
    %dma_wait3A_330 = tpu.memref_squeeze %dma_wait3A_329 : memref<1x200xi32, #tpu.memory_space<vmem>> -> memref<200xi32, #tpu.memory_space<vmem>>
    %dma_wait3A_331 = arith.constant 0 : i32
    %dma_wait3A_332 = tpu.memref_slice %arg2[%dma_wait3A_331] : memref<819200xi32, #tpu.memory_space<hbm>> -> memref<200xi32, #tpu.memory_space<hbm>>
    tpu.wait_dma2 semaphore(%dma_wait3A_327 : memref<!tpu.dma_semaphore, #tpu.memory_space<semaphore_mem>>) src(%dma_wait3A_332 : memref<200xi32, #tpu.memory_space<hbm>>) dst(%dma_wait3A_330 : memref<200xi32, #tpu.memory_space<vmem>>)
    %dma_wait3A_333 = arith.constant 2 : i32
    %dma_wait3A_334 = arith.constant 2 : i32
    %dma_wait3A_335 = arith.constant 0 : i32
    %dma_wait3A_336 = tpu.memref_slice %arg9[%dma_wait3A_333, %dma_wait3A_335] : memref<6x256xi32, #tpu.memory_space<vmem>> -> memref<1x200xi32, #tpu.memory_space<vmem>>
    %dma_wait3A_337 = tpu.memref_squeeze %dma_wait3A_336 : memref<1x200xi32, #tpu.memory_space<vmem>> -> memref<200xi32, #tpu.memory_space<vmem>>
    %dma_wait3A_338 = arith.constant 0 : i32
    %dma_wait3A_339 = tpu.memref_slice %arg3[%dma_wait3A_338] : memref<819200xi32, #tpu.memory_space<hbm>> -> memref<200xi32, #tpu.memory_space<hbm>>
    %dma_wait3A_340 = tpu.memref_slice %arg11[%dma_wait3A_334] : memref<6x!tpu.dma_semaphore, #tpu.memory_space<semaphore_mem>> -> memref<1x!tpu.dma_semaphore, #tpu.memory_space<semaphore_mem>>
    %dma_wait3A_341 = tpu.memref_squeeze %dma_wait3A_340 : memref<1x!tpu.dma_semaphore, #tpu.memory_space<semaphore_mem>> -> memref<!tpu.dma_semaphore, #tpu.memory_space<semaphore_mem>>
    %dma_wait3A_342 = arith.constant 0 : i32
    %dma_wait3A_343 = tpu.memref_slice %arg9[%dma_wait3A_333, %dma_wait3A_342] : memref<6x256xi32, #tpu.memory_space<vmem>> -> memref<1x200xi32, #tpu.memory_space<vmem>>
    %dma_wait3A_344 = tpu.memref_squeeze %dma_wait3A_343 : memref<1x200xi32, #tpu.memory_space<vmem>> -> memref<200xi32, #tpu.memory_space<vmem>>
    %dma_wait3A_345 = arith.constant 0 : i32
    %dma_wait3A_346 = tpu.memref_slice %arg3[%dma_wait3A_345] : memref<819200xi32, #tpu.memory_space<hbm>> -> memref<200xi32, #tpu.memory_space<hbm>>
    tpu.wait_dma2 semaphore(%dma_wait3A_341 : memref<!tpu.dma_semaphore, #tpu.memory_space<semaphore_mem>>) src(%dma_wait3A_346 : memref<200xi32, #tpu.memory_space<hbm>>) dst(%dma_wait3A_344 : memref<200xi32, #tpu.memory_space<vmem>>)
    %dma_start3A_347 = arith.constant 2 : i32
    %dma_start3A_348 = arith.constant 2 : i32
    %dma_start3A_349 = arith.constant 2 : i32
    %dma_start3A_350 = arith.constant 0 : i32
    %dma_start3A_351 = arith.constant 0 : i32
    %dma_start3A_352 = tpu.memref_slice %arg10[%dma_start3A_348, %dma_start3A_350, %dma_start3A_351] : memref<6x200x64xf32, #tpu.memory_space<vmem>> -> memref<1x40x64xf32, #tpu.memory_space<vmem>>
    %dma_start3A_353 = tpu.memref_squeeze %dma_start3A_352 : memref<1x40x64xf32, #tpu.memory_space<vmem>> -> memref<40x64xf32, #tpu.memory_space<vmem>>
    %dma_start3A_354 = arith.constant 0 : i32
    %dma_start3A_355 = tpu.memref_slice %arg8[%dma_start3A_347, %dma_start3A_354] : memref<6x256xi32, #tpu.memory_space<vmem>> -> memref<1x40xi32, #tpu.memory_space<vmem>>
    %dma_start3A_356 = tpu.memref_squeeze %dma_start3A_355 : memref<1x40xi32, #tpu.memory_space<vmem>> -> memref<40xi32, #tpu.memory_space<vmem>>
    %dma_start3A_357 = arith.constant 0 : i32
    %dma_start3A_358 = arith.constant 0 : i32
    %dma_start3A_359 = tpu.memref_slice %arg4[%dma_start3A_357, %dma_start3A_358] : memref<1000000x64xf32, #tpu.memory_space<hbm>> -> memref<1000000x64xf32, #tpu.memory_space<hbm>>
    %dma_start3A_360 = tpu.memref_slice %arg12[%dma_start3A_349] : memref<6x!tpu.dma_semaphore, #tpu.memory_space<semaphore_mem>> -> memref<1x!tpu.dma_semaphore, #tpu.memory_space<semaphore_mem>>
    %dma_start3A_361 = tpu.memref_squeeze %dma_start3A_360 : memref<1x!tpu.dma_semaphore, #tpu.memory_space<semaphore_mem>> -> memref<!tpu.dma_semaphore, #tpu.memory_space<semaphore_mem>>
    tpu.enqueue_indirect_dma source(%dma_start3A_359 : memref<1000000x64xf32, #tpu.memory_space<hbm>>) target(%dma_start3A_353 : memref<40x64xf32, #tpu.memory_space<vmem>>) offsets(%dma_start3A_356 : memref<40xi32, #tpu.memory_space<vmem>>) semaphore(%dma_start3A_361 : memref<!tpu.dma_semaphore, #tpu.memory_space<semaphore_mem>>)
    %dma_start3A_362 = arith.constant 2 : i32
    %dma_start3A_363 = arith.constant 2 : i32
    %dma_start3A_364 = arith.constant 2 : i32
    %dma_start3A_365 = arith.constant 40 : i32
    %dma_start3A_366 = arith.constant 0 : i32
    %dma_start3A_367 = tpu.memref_slice %arg10[%dma_start3A_363, %dma_start3A_365, %dma_start3A_366] : memref<6x200x64xf32, #tpu.memory_space<vmem>> -> memref<1x40x64xf32, #tpu.memory_space<vmem>>
    %dma_start3A_368 = tpu.memref_squeeze %dma_start3A_367 : memref<1x40x64xf32, #tpu.memory_space<vmem>> -> memref<40x64xf32, #tpu.memory_space<vmem>>
    %dma_start3A_369 = arith.constant 40 : i32
    %dma_start3A_370 = tpu.memref_slice %arg8[%dma_start3A_362, %dma_start3A_369] : memref<6x256xi32, #tpu.memory_space<vmem>> -> memref<1x40xi32, #tpu.memory_space<vmem>>
    %dma_start3A_371 = tpu.memref_squeeze %dma_start3A_370 : memref<1x40xi32, #tpu.memory_space<vmem>> -> memref<40xi32, #tpu.memory_space<vmem>>
    %dma_start3A_372 = arith.constant 0 : i32
    %dma_start3A_373 = arith.constant 0 : i32
    %dma_start3A_374 = tpu.memref_slice %arg4[%dma_start3A_372, %dma_start3A_373] : memref<1000000x64xf32, #tpu.memory_space<hbm>> -> memref<1000000x64xf32, #tpu.memory_space<hbm>>
    %dma_start3A_375 = tpu.memref_slice %arg12[%dma_start3A_364] : memref<6x!tpu.dma_semaphore, #tpu.memory_space<semaphore_mem>> -> memref<1x!tpu.dma_semaphore, #tpu.memory_space<semaphore_mem>>
    %dma_start3A_376 = tpu.memref_squeeze %dma_start3A_375 : memref<1x!tpu.dma_semaphore, #tpu.memory_space<semaphore_mem>> -> memref<!tpu.dma_semaphore, #tpu.memory_space<semaphore_mem>>
    tpu.enqueue_indirect_dma source(%dma_start3A_374 : memref<1000000x64xf32, #tpu.memory_space<hbm>>) target(%dma_start3A_368 : memref<40x64xf32, #tpu.memory_space<vmem>>) offsets(%dma_start3A_371 : memref<40xi32, #tpu.memory_space<vmem>>) semaphore(%dma_start3A_376 : memref<!tpu.dma_semaphore, #tpu.memory_space<semaphore_mem>>)
    %dma_start3A_377 = arith.constant 2 : i32
    %dma_start3A_378 = arith.constant 2 : i32
    %dma_start3A_379 = arith.constant 2 : i32
    %dma_start3A_380 = arith.constant 80 : i32
    %dma_start3A_381 = arith.constant 0 : i32
    %dma_start3A_382 = tpu.memref_slice %arg10[%dma_start3A_378, %dma_start3A_380, %dma_start3A_381] : memref<6x200x64xf32, #tpu.memory_space<vmem>> -> memref<1x40x64xf32, #tpu.memory_space<vmem>>
    %dma_start3A_383 = tpu.memref_squeeze %dma_start3A_382 : memref<1x40x64xf32, #tpu.memory_space<vmem>> -> memref<40x64xf32, #tpu.memory_space<vmem>>
    %dma_start3A_384 = arith.constant 80 : i32
    %dma_start3A_385 = tpu.memref_slice %arg8[%dma_start3A_377, %dma_start3A_384] : memref<6x256xi32, #tpu.memory_space<vmem>> -> memref<1x40xi32, #tpu.memory_space<vmem>>
    %dma_start3A_386 = tpu.memref_squeeze %dma_start3A_385 : memref<1x40xi32, #tpu.memory_space<vmem>> -> memref<40xi32, #tpu.memory_space<vmem>>
    %dma_start3A_387 = arith.constant 0 : i32
    %dma_start3A_388 = arith.constant 0 : i32
    %dma_start3A_389 = tpu.memref_slice %arg4[%dma_start3A_387, %dma_start3A_388] : memref<1000000x64xf32, #tpu.memory_space<hbm>> -> memref<1000000x64xf32, #tpu.memory_space<hbm>>
    %dma_start3A_390 = tpu.memref_slice %arg12[%dma_start3A_379] : memref<6x!tpu.dma_semaphore, #tpu.memory_space<semaphore_mem>> -> memref<1x!tpu.dma_semaphore, #tpu.memory_space<semaphore_mem>>
    %dma_start3A_391 = tpu.memref_squeeze %dma_start3A_390 : memref<1x!tpu.dma_semaphore, #tpu.memory_space<semaphore_mem>> -> memref<!tpu.dma_semaphore, #tpu.memory_space<semaphore_mem>>
    tpu.enqueue_indirect_dma source(%dma_start3A_389 : memref<1000000x64xf32, #tpu.memory_space<hbm>>) target(%dma_start3A_383 : memref<40x64xf32, #tpu.memory_space<vmem>>) offsets(%dma_start3A_386 : memref<40xi32, #tpu.memory_space<vmem>>) semaphore(%dma_start3A_391 : memref<!tpu.dma_semaphore, #tpu.memory_space<semaphore_mem>>)
    %dma_start3A_392 = arith.constant 2 : i32
    %dma_start3A_393 = arith.constant 2 : i32
    %dma_start3A_394 = arith.constant 2 : i32
    %dma_start3A_395 = arith.constant 120 : i32
    %dma_start3A_396 = arith.constant 0 : i32
    %dma_start3A_397 = tpu.memref_slice %arg10[%dma_start3A_393, %dma_start3A_395, %dma_start3A_396] : memref<6x200x64xf32, #tpu.memory_space<vmem>> -> memref<1x40x64xf32, #tpu.memory_space<vmem>>
    %dma_start3A_398 = tpu.memref_squeeze %dma_start3A_397 : memref<1x40x64xf32, #tpu.memory_space<vmem>> -> memref<40x64xf32, #tpu.memory_space<vmem>>
    %dma_start3A_399 = arith.constant 120 : i32
    %dma_start3A_400 = tpu.memref_slice %arg8[%dma_start3A_392, %dma_start3A_399] : memref<6x256xi32, #tpu.memory_space<vmem>> -> memref<1x40xi32, #tpu.memory_space<vmem>>
    %dma_start3A_401 = tpu.memref_squeeze %dma_start3A_400 : memref<1x40xi32, #tpu.memory_space<vmem>> -> memref<40xi32, #tpu.memory_space<vmem>>
    %dma_start3A_402 = arith.constant 0 : i32
    %dma_start3A_403 = arith.constant 0 : i32
    %dma_start3A_404 = tpu.memref_slice %arg4[%dma_start3A_402, %dma_start3A_403] : memref<1000000x64xf32, #tpu.memory_space<hbm>> -> memref<1000000x64xf32, #tpu.memory_space<hbm>>
    %dma_start3A_405 = tpu.memref_slice %arg12[%dma_start3A_394] : memref<6x!tpu.dma_semaphore, #tpu.memory_space<semaphore_mem>> -> memref<1x!tpu.dma_semaphore, #tpu.memory_space<semaphore_mem>>
    %dma_start3A_406 = tpu.memref_squeeze %dma_start3A_405 : memref<1x!tpu.dma_semaphore, #tpu.memory_space<semaphore_mem>> -> memref<!tpu.dma_semaphore, #tpu.memory_space<semaphore_mem>>
    tpu.enqueue_indirect_dma source(%dma_start3A_404 : memref<1000000x64xf32, #tpu.memory_space<hbm>>) target(%dma_start3A_398 : memref<40x64xf32, #tpu.memory_space<vmem>>) offsets(%dma_start3A_401 : memref<40xi32, #tpu.memory_space<vmem>>) semaphore(%dma_start3A_406 : memref<!tpu.dma_semaphore, #tpu.memory_space<semaphore_mem>>)
    %dma_start3A_407 = arith.constant 2 : i32
    %dma_start3A_408 = arith.constant 2 : i32
    %dma_start3A_409 = arith.constant 2 : i32
    %dma_start3A_410 = arith.constant 160 : i32
    %dma_start3A_411 = arith.constant 0 : i32
    %dma_start3A_412 = tpu.memref_slice %arg10[%dma_start3A_408, %dma_start3A_410, %dma_start3A_411] : memref<6x200x64xf32, #tpu.memory_space<vmem>> -> memref<1x40x64xf32, #tpu.memory_space<vmem>>
    %dma_start3A_413 = tpu.memref_squeeze %dma_start3A_412 : memref<1x40x64xf32, #tpu.memory_space<vmem>> -> memref<40x64xf32, #tpu.memory_space<vmem>>
    %dma_start3A_414 = arith.constant 160 : i32
    %dma_start3A_415 = tpu.memref_slice %arg8[%dma_start3A_407, %dma_start3A_414] : memref<6x256xi32, #tpu.memory_space<vmem>> -> memref<1x40xi32, #tpu.memory_space<vmem>>
    %dma_start3A_416 = tpu.memref_squeeze %dma_start3A_415 : memref<1x40xi32, #tpu.memory_space<vmem>> -> memref<40xi32, #tpu.memory_space<vmem>>
    %dma_start3A_417 = arith.constant 0 : i32
    %dma_start3A_418 = arith.constant 0 : i32
    %dma_start3A_419 = tpu.memref_slice %arg4[%dma_start3A_417, %dma_start3A_418] : memref<1000000x64xf32, #tpu.memory_space<hbm>> -> memref<1000000x64xf32, #tpu.memory_space<hbm>>
    %dma_start3A_420 = tpu.memref_slice %arg12[%dma_start3A_409] : memref<6x!tpu.dma_semaphore, #tpu.memory_space<semaphore_mem>> -> memref<1x!tpu.dma_semaphore, #tpu.memory_space<semaphore_mem>>
    %dma_start3A_421 = tpu.memref_squeeze %dma_start3A_420 : memref<1x!tpu.dma_semaphore, #tpu.memory_space<semaphore_mem>> -> memref<!tpu.dma_semaphore, #tpu.memory_space<semaphore_mem>>
    tpu.enqueue_indirect_dma source(%dma_start3A_419 : memref<1000000x64xf32, #tpu.memory_space<hbm>>) target(%dma_start3A_413 : memref<40x64xf32, #tpu.memory_space<vmem>>) offsets(%dma_start3A_416 : memref<40xi32, #tpu.memory_space<vmem>>) semaphore(%dma_start3A_421 : memref<!tpu.dma_semaphore, #tpu.memory_space<semaphore_mem>>)
    %iota3A = tpu.iota {dimensions = array<i32: 0>} : vector<16xi32>
    %scan3A = arith.constant 0 : i32
    %scan3A_422 = arith.constant 0 : i32
    %scan3A_423 = arith.constant 128 : i32
    %scan3A_424 = arith.addi %scan3A_422, %scan3A_423 : i32
    %scan3A_425 = arith.constant 1 : i32
    scf.for %scan3A_564 = %scan3A_422 to %scan3A_424 step %scan3A_425  : i32 {
      %rem3A_565 = arith.constant 6 : i32
      %rem3A_566 = arith.remsi %scan3A_564, %rem3A_565 : i32
      %dma_wait3A_567 = arith.constant 0 : i32
      %dma_wait3A_568 = arith.constant 0 : i32
      %dma_wait3A_569 = tpu.memref_slice %arg10[%rem3A_566, %dma_wait3A_567, %dma_wait3A_568] : memref<6x200x64xf32, #tpu.memory_space<vmem>> -> memref<1x40x64xf32, #tpu.memory_space<vmem>>
      %dma_wait3A_570 = tpu.memref_squeeze %dma_wait3A_569 : memref<1x40x64xf32, #tpu.memory_space<vmem>> -> memref<40x64xf32, #tpu.memory_space<vmem>>
      %dma_wait3A_571 = arith.constant 0 : i32
      %dma_wait3A_572 = tpu.memref_slice %arg8[%rem3A_566, %dma_wait3A_571] : memref<6x256xi32, #tpu.memory_space<vmem>> -> memref<1x40xi32, #tpu.memory_space<vmem>>
      %dma_wait3A_573 = tpu.memref_squeeze %dma_wait3A_572 : memref<1x40xi32, #tpu.memory_space<vmem>> -> memref<40xi32, #tpu.memory_space<vmem>>
      %dma_wait3A_574 = arith.constant 0 : i32
      %dma_wait3A_575 = arith.constant 0 : i32
      %dma_wait3A_576 = tpu.memref_slice %arg4[%dma_wait3A_574, %dma_wait3A_575] : memref<1000000x64xf32, #tpu.memory_space<hbm>> -> memref<1000000x64xf32, #tpu.memory_space<hbm>>
      %dma_wait3A_577 = tpu.memref_slice %arg12[%rem3A_566] : memref<6x!tpu.dma_semaphore, #tpu.memory_space<semaphore_mem>> -> memref<1x!tpu.dma_semaphore, #tpu.memory_space<semaphore_mem>>
      %dma_wait3A_578 = tpu.memref_squeeze %dma_wait3A_577 : memref<1x!tpu.dma_semaphore, #tpu.memory_space<semaphore_mem>> -> memref<!tpu.dma_semaphore, #tpu.memory_space<semaphore_mem>>
      tpu.wait_indirect_dma semaphore(%dma_wait3A_578 : memref<!tpu.dma_semaphore, #tpu.memory_space<semaphore_mem>>) src(%dma_wait3A_576 : memref<1000000x64xf32, #tpu.memory_space<hbm>>) dst(%dma_wait3A_570 : memref<40x64xf32, #tpu.memory_space<vmem>>)
      %dma_wait3A_579 = arith.constant 40 : i32
      %dma_wait3A_580 = arith.constant 0 : i32
      %dma_wait3A_581 = tpu.memref_slice %arg10[%rem3A_566, %dma_wait3A_579, %dma_wait3A_580] : memref<6x200x64xf32, #tpu.memory_space<vmem>> -> memref<1x40x64xf32, #tpu.memory_space<vmem>>
      %dma_wait3A_582 = tpu.memref_squeeze %dma_wait3A_581 : memref<1x40x64xf32, #tpu.memory_space<vmem>> -> memref<40x64xf32, #tpu.memory_space<vmem>>
      %dma_wait3A_583 = arith.constant 40 : i32
      %dma_wait3A_584 = tpu.memref_slice %arg8[%rem3A_566, %dma_wait3A_583] : memref<6x256xi32, #tpu.memory_space<vmem>> -> memref<1x40xi32, #tpu.memory_space<vmem>>
      %dma_wait3A_585 = tpu.memref_squeeze %dma_wait3A_584 : memref<1x40xi32, #tpu.memory_space<vmem>> -> memref<40xi32, #tpu.memory_space<vmem>>
      %dma_wait3A_586 = arith.constant 0 : i32
      %dma_wait3A_587 = arith.constant 0 : i32
      %dma_wait3A_588 = tpu.memref_slice %arg4[%dma_wait3A_586, %dma_wait3A_587] : memref<1000000x64xf32, #tpu.memory_space<hbm>> -> memref<1000000x64xf32, #tpu.memory_space<hbm>>
      %dma_wait3A_589 = tpu.memref_slice %arg12[%rem3A_566] : memref<6x!tpu.dma_semaphore, #tpu.memory_space<semaphore_mem>> -> memref<1x!tpu.dma_semaphore, #tpu.memory_space<semaphore_mem>>
      %dma_wait3A_590 = tpu.memref_squeeze %dma_wait3A_589 : memref<1x!tpu.dma_semaphore, #tpu.memory_space<semaphore_mem>> -> memref<!tpu.dma_semaphore, #tpu.memory_space<semaphore_mem>>
      tpu.wait_indirect_dma semaphore(%dma_wait3A_590 : memref<!tpu.dma_semaphore, #tpu.memory_space<semaphore_mem>>) src(%dma_wait3A_588 : memref<1000000x64xf32, #tpu.memory_space<hbm>>) dst(%dma_wait3A_582 : memref<40x64xf32, #tpu.memory_space<vmem>>)
      %dma_wait3A_591 = arith.constant 80 : i32
      %dma_wait3A_592 = arith.constant 0 : i32
      %dma_wait3A_593 = tpu.memref_slice %arg10[%rem3A_566, %dma_wait3A_591, %dma_wait3A_592] : memref<6x200x64xf32, #tpu.memory_space<vmem>> -> memref<1x40x64xf32, #tpu.memory_space<vmem>>
      %dma_wait3A_594 = tpu.memref_squeeze %dma_wait3A_593 : memref<1x40x64xf32, #tpu.memory_space<vmem>> -> memref<40x64xf32, #tpu.memory_space<vmem>>
      %dma_wait3A_595 = arith.constant 80 : i32
      %dma_wait3A_596 = tpu.memref_slice %arg8[%rem3A_566, %dma_wait3A_595] : memref<6x256xi32, #tpu.memory_space<vmem>> -> memref<1x40xi32, #tpu.memory_space<vmem>>
      %dma_wait3A_597 = tpu.memref_squeeze %dma_wait3A_596 : memref<1x40xi32, #tpu.memory_space<vmem>> -> memref<40xi32, #tpu.memory_space<vmem>>
      %dma_wait3A_598 = arith.constant 0 : i32
      %dma_wait3A_599 = arith.constant 0 : i32
      %dma_wait3A_600 = tpu.memref_slice %arg4[%dma_wait3A_598, %dma_wait3A_599] : memref<1000000x64xf32, #tpu.memory_space<hbm>> -> memref<1000000x64xf32, #tpu.memory_space<hbm>>
      %dma_wait3A_601 = tpu.memref_slice %arg12[%rem3A_566] : memref<6x!tpu.dma_semaphore, #tpu.memory_space<semaphore_mem>> -> memref<1x!tpu.dma_semaphore, #tpu.memory_space<semaphore_mem>>
      %dma_wait3A_602 = tpu.memref_squeeze %dma_wait3A_601 : memref<1x!tpu.dma_semaphore, #tpu.memory_space<semaphore_mem>> -> memref<!tpu.dma_semaphore, #tpu.memory_space<semaphore_mem>>
      tpu.wait_indirect_dma semaphore(%dma_wait3A_602 : memref<!tpu.dma_semaphore, #tpu.memory_space<semaphore_mem>>) src(%dma_wait3A_600 : memref<1000000x64xf32, #tpu.memory_space<hbm>>) dst(%dma_wait3A_594 : memref<40x64xf32, #tpu.memory_space<vmem>>)
      %dma_wait3A_603 = arith.constant 120 : i32
      %dma_wait3A_604 = arith.constant 0 : i32
      %dma_wait3A_605 = tpu.memref_slice %arg10[%rem3A_566, %dma_wait3A_603, %dma_wait3A_604] : memref<6x200x64xf32, #tpu.memory_space<vmem>> -> memref<1x40x64xf32, #tpu.memory_space<vmem>>
      %dma_wait3A_606 = tpu.memref_squeeze %dma_wait3A_605 : memref<1x40x64xf32, #tpu.memory_space<vmem>> -> memref<40x64xf32, #tpu.memory_space<vmem>>
      %dma_wait3A_607 = arith.constant 120 : i32
      %dma_wait3A_608 = tpu.memref_slice %arg8[%rem3A_566, %dma_wait3A_607] : memref<6x256xi32, #tpu.memory_space<vmem>> -> memref<1x40xi32, #tpu.memory_space<vmem>>
      %dma_wait3A_609 = tpu.memref_squeeze %dma_wait3A_608 : memref<1x40xi32, #tpu.memory_space<vmem>> -> memref<40xi32, #tpu.memory_space<vmem>>
      %dma_wait3A_610 = arith.constant 0 : i32
      %dma_wait3A_611 = arith.constant 0 : i32
      %dma_wait3A_612 = tpu.memref_slice %arg4[%dma_wait3A_610, %dma_wait3A_611] : memref<1000000x64xf32, #tpu.memory_space<hbm>> -> memref<1000000x64xf32, #tpu.memory_space<hbm>>
      %dma_wait3A_613 = tpu.memref_slice %arg12[%rem3A_566] : memref<6x!tpu.dma_semaphore, #tpu.memory_space<semaphore_mem>> -> memref<1x!tpu.dma_semaphore, #tpu.memory_space<semaphore_mem>>
      %dma_wait3A_614 = tpu.memref_squeeze %dma_wait3A_613 : memref<1x!tpu.dma_semaphore, #tpu.memory_space<semaphore_mem>> -> memref<!tpu.dma_semaphore, #tpu.memory_space<semaphore_mem>>
      tpu.wait_indirect_dma semaphore(%dma_wait3A_614 : memref<!tpu.dma_semaphore, #tpu.memory_space<semaphore_mem>>) src(%dma_wait3A_612 : memref<1000000x64xf32, #tpu.memory_space<hbm>>) dst(%dma_wait3A_606 : memref<40x64xf32, #tpu.memory_space<vmem>>)
      %dma_wait3A_615 = arith.constant 160 : i32
      %dma_wait3A_616 = arith.constant 0 : i32
      %dma_wait3A_617 = tpu.memref_slice %arg10[%rem3A_566, %dma_wait3A_615, %dma_wait3A_616] : memref<6x200x64xf32, #tpu.memory_space<vmem>> -> memref<1x40x64xf32, #tpu.memory_space<vmem>>
      %dma_wait3A_618 = tpu.memref_squeeze %dma_wait3A_617 : memref<1x40x64xf32, #tpu.memory_space<vmem>> -> memref<40x64xf32, #tpu.memory_space<vmem>>
      %dma_wait3A_619 = arith.constant 160 : i32
      %dma_wait3A_620 = tpu.memref_slice %arg8[%rem3A_566, %dma_wait3A_619] : memref<6x256xi32, #tpu.memory_space<vmem>> -> memref<1x40xi32, #tpu.memory_space<vmem>>
      %dma_wait3A_621 = tpu.memref_squeeze %dma_wait3A_620 : memref<1x40xi32, #tpu.memory_space<vmem>> -> memref<40xi32, #tpu.memory_space<vmem>>
      %dma_wait3A_622 = arith.constant 0 : i32
      %dma_wait3A_623 = arith.constant 0 : i32
      %dma_wait3A_624 = tpu.memref_slice %arg4[%dma_wait3A_622, %dma_wait3A_623] : memref<1000000x64xf32, #tpu.memory_space<hbm>> -> memref<1000000x64xf32, #tpu.memory_space<hbm>>
      %dma_wait3A_625 = tpu.memref_slice %arg12[%rem3A_566] : memref<6x!tpu.dma_semaphore, #tpu.memory_space<semaphore_mem>> -> memref<1x!tpu.dma_semaphore, #tpu.memory_space<semaphore_mem>>
      %dma_wait3A_626 = tpu.memref_squeeze %dma_wait3A_625 : memref<1x!tpu.dma_semaphore, #tpu.memory_space<semaphore_mem>> -> memref<!tpu.dma_semaphore, #tpu.memory_space<semaphore_mem>>
      tpu.wait_indirect_dma semaphore(%dma_wait3A_626 : memref<!tpu.dma_semaphore, #tpu.memory_space<semaphore_mem>>) src(%dma_wait3A_624 : memref<1000000x64xf32, #tpu.memory_space<hbm>>) dst(%dma_wait3A_618 : memref<40x64xf32, #tpu.memory_space<vmem>>)
      %add3A_627 = arith.constant 4 : i32
      %add3A_628 = arith.addi %scan3A_564, %add3A_627 : i32
      %lt3A = arith.constant 128 : i32
      %lt3A_629 = arith.cmpi slt, %add3A_628, %lt3A : i32
      %convert_element_type3A = arith.extui %lt3A_629 : i1 to i32
      %cond3A = arith.constant 0 : i32
      %cond3A_630 = arith.cmpi ne, %convert_element_type3A, %cond3A : i32
      scf.if %cond3A_630 {
        %add3A_1070 = arith.constant 4 : i32
        %add3A_1071 = arith.addi %scan3A_564, %add3A_1070 : i32
        %add3A_1072 = arith.constant 4 : i32
        %add3A_1073 = arith.addi %scan3A_564, %add3A_1072 : i32
        %rem3A_1074 = arith.constant 6 : i32
        %rem3A_1075 = arith.remsi %add3A_1073, %rem3A_1074 : i32
        %add3A_1076 = arith.addi %mul3A_2, %add3A_1071 : i32
        %mul3A_1077 = arith.constant 200 : i32
        %mul3A_1078 = arith.muli %add3A_1076, %mul3A_1077 : i32
        %dma_start3A_1079 = arith.constant 0 : i32
        %dma_start3A_1080 = tpu.memref_slice %arg8[%rem3A_1075, %dma_start3A_1079] : memref<6x256xi32, #tpu.memory_space<vmem>> -> memref<1x200xi32, #tpu.memory_space<vmem>>
        %dma_start3A_1081 = tpu.memref_squeeze %dma_start3A_1080 : memref<1x200xi32, #tpu.memory_space<vmem>> -> memref<200xi32, #tpu.memory_space<vmem>>
        %dma_start3A_1082 = tpu.memref_slice %arg2[%mul3A_1078] : memref<819200xi32, #tpu.memory_space<hbm>> -> memref<200xi32, #tpu.memory_space<hbm>>
        %dma_start3A_1083 = tpu.memref_slice %arg11[%rem3A_1075] : memref<6x!tpu.dma_semaphore, #tpu.memory_space<semaphore_mem>> -> memref<1x!tpu.dma_semaphore, #tpu.memory_space<semaphore_mem>>
        %dma_start3A_1084 = tpu.memref_squeeze %dma_start3A_1083 : memref<1x!tpu.dma_semaphore, #tpu.memory_space<semaphore_mem>> -> memref<!tpu.dma_semaphore, #tpu.memory_space<semaphore_mem>>
        %dma_start3A_1085 = arith.constant 0 : i32
        %dma_start3A_1086 = tpu.memref_slice %arg8[%rem3A_1075, %dma_start3A_1085] : memref<6x256xi32, #tpu.memory_space<vmem>> -> memref<1x200xi32, #tpu.memory_space<vmem>>
        %dma_start3A_1087 = tpu.memref_squeeze %dma_start3A_1086 : memref<1x200xi32, #tpu.memory_space<vmem>> -> memref<200xi32, #tpu.memory_space<vmem>>
        %dma_start3A_1088 = tpu.memref_slice %arg2[%mul3A_1078] : memref<819200xi32, #tpu.memory_space<hbm>> -> memref<200xi32, #tpu.memory_space<hbm>>
        tpu.enqueue_dma source(%dma_start3A_1088 : memref<200xi32, #tpu.memory_space<hbm>>) target(%dma_start3A_1087 : memref<200xi32, #tpu.memory_space<vmem>>) target_semaphore(%dma_start3A_1084 : memref<!tpu.dma_semaphore, #tpu.memory_space<semaphore_mem>>)
        %dma_start3A_1089 = arith.constant 0 : i32
        %dma_start3A_1090 = tpu.memref_slice %arg9[%rem3A_1075, %dma_start3A_1089] : memref<6x256xi32, #tpu.memory_space<vmem>> -> memref<1x200xi32, #tpu.memory_space<vmem>>
        %dma_start3A_1091 = tpu.memref_squeeze %dma_start3A_1090 : memref<1x200xi32, #tpu.memory_space<vmem>> -> memref<200xi32, #tpu.memory_space<vmem>>
        %dma_start3A_1092 = tpu.memref_slice %arg3[%mul3A_1078] : memref<819200xi32, #tpu.memory_space<hbm>> -> memref<200xi32, #tpu.memory_space<hbm>>
        %dma_start3A_1093 = tpu.memref_slice %arg11[%rem3A_1075] : memref<6x!tpu.dma_semaphore, #tpu.memory_space<semaphore_mem>> -> memref<1x!tpu.dma_semaphore, #tpu.memory_space<semaphore_mem>>
        %dma_start3A_1094 = tpu.memref_squeeze %dma_start3A_1093 : memref<1x!tpu.dma_semaphore, #tpu.memory_space<semaphore_mem>> -> memref<!tpu.dma_semaphore, #tpu.memory_space<semaphore_mem>>
        %dma_start3A_1095 = arith.constant 0 : i32
        %dma_start3A_1096 = tpu.memref_slice %arg9[%rem3A_1075, %dma_start3A_1095] : memref<6x256xi32, #tpu.memory_space<vmem>> -> memref<1x200xi32, #tpu.memory_space<vmem>>
        %dma_start3A_1097 = tpu.memref_squeeze %dma_start3A_1096 : memref<1x200xi32, #tpu.memory_space<vmem>> -> memref<200xi32, #tpu.memory_space<vmem>>
        %dma_start3A_1098 = tpu.memref_slice %arg3[%mul3A_1078] : memref<819200xi32, #tpu.memory_space<hbm>> -> memref<200xi32, #tpu.memory_space<hbm>>
        tpu.enqueue_dma source(%dma_start3A_1098 : memref<200xi32, #tpu.memory_space<hbm>>) target(%dma_start3A_1097 : memref<200xi32, #tpu.memory_space<vmem>>) target_semaphore(%dma_start3A_1094 : memref<!tpu.dma_semaphore, #tpu.memory_space<semaphore_mem>>)
      } else {
      }
      %add3A_631 = arith.constant 3 : i32
      %add3A_632 = arith.addi %scan3A_564, %add3A_631 : i32
      %lt3A_633 = arith.constant 128 : i32
      %lt3A_634 = arith.cmpi slt, %add3A_632, %lt3A_633 : i32
      %convert_element_type3A_635 = arith.extui %lt3A_634 : i1 to i32
      %cond3A_636 = arith.constant 0 : i32
      %cond3A_637 = arith.cmpi ne, %convert_element_type3A_635, %cond3A_636 : i32
      scf.if %cond3A_637 {
        %add3A_1070 = arith.constant 3 : i32
        %add3A_1071 = arith.addi %scan3A_564, %add3A_1070 : i32
        %rem3A_1072 = arith.constant 6 : i32
        %rem3A_1073 = arith.remsi %add3A_1071, %rem3A_1072 : i32
        %ge3A = arith.constant 3 : i32
        %ge3A_1074 = arith.cmpi sge, %scan3A_564, %ge3A : i32
        %convert_element_type3A_1075 = arith.extui %ge3A_1074 : i1 to i32
        %cond3A_1076 = arith.constant 0 : i32
        %cond3A_1077 = arith.cmpi ne, %convert_element_type3A_1075, %cond3A_1076 : i32
        scf.if %cond3A_1077 {
          %sub3A = arith.constant 3 : i32
          %sub3A_1162 = arith.subi %scan3A_564, %sub3A : i32
          %add3A_1163 = arith.addi %mul3A_2, %sub3A_1162 : i32
          %dma_wait3A_1164 = arith.constant 0 : i32
          %dma_wait3A_1165 = arith.constant 0 : i32
          %dma_wait3A_1166 = tpu.memref_slice %arg10[%rem3A_1073, %dma_wait3A_1164, %dma_wait3A_1165] : memref<6x200x64xf32, #tpu.memory_space<vmem>> -> memref<1x200x64xf32, #tpu.memory_space<vmem>>
          %dma_wait3A_1167 = tpu.memref_squeeze %dma_wait3A_1166 : memref<1x200x64xf32, #tpu.memory_space<vmem>> -> memref<200x64xf32, #tpu.memory_space<vmem>>
          %dma_wait3A_1168 = arith.constant 0 : i32
          %dma_wait3A_1169 = arith.constant 0 : i32
          %dma_wait3A_1170 = tpu.memref_slice %arg6[%add3A_1163, %dma_wait3A_1168, %dma_wait3A_1169] : memref<4096x200x64xf32, #tpu.memory_space<hbm>> -> memref<1x200x64xf32, #tpu.memory_space<hbm>>
          %dma_wait3A_1171 = tpu.memref_squeeze %dma_wait3A_1170 : memref<1x200x64xf32, #tpu.memory_space<hbm>> -> memref<200x64xf32, #tpu.memory_space<hbm>>
          %dma_wait3A_1172 = tpu.memref_slice %arg13[%rem3A_1073] : memref<6x!tpu.dma_semaphore, #tpu.memory_space<semaphore_mem>> -> memref<1x!tpu.dma_semaphore, #tpu.memory_space<semaphore_mem>>
          %dma_wait3A_1173 = tpu.memref_squeeze %dma_wait3A_1172 : memref<1x!tpu.dma_semaphore, #tpu.memory_space<semaphore_mem>> -> memref<!tpu.dma_semaphore, #tpu.memory_space<semaphore_mem>>
          %dma_wait3A_1174 = arith.constant 0 : i32
          %dma_wait3A_1175 = arith.constant 0 : i32
          %dma_wait3A_1176 = tpu.memref_slice %arg6[%add3A_1163, %dma_wait3A_1174, %dma_wait3A_1175] : memref<4096x200x64xf32, #tpu.memory_space<hbm>> -> memref<1x200x64xf32, #tpu.memory_space<hbm>>
          %dma_wait3A_1177 = tpu.memref_squeeze %dma_wait3A_1176 : memref<1x200x64xf32, #tpu.memory_space<hbm>> -> memref<200x64xf32, #tpu.memory_space<hbm>>
          %dma_wait3A_1178 = arith.constant 0 : i32
          %dma_wait3A_1179 = arith.constant 0 : i32
          %dma_wait3A_1180 = tpu.memref_slice %arg10[%rem3A_1073, %dma_wait3A_1178, %dma_wait3A_1179] : memref<6x200x64xf32, #tpu.memory_space<vmem>> -> memref<1x200x64xf32, #tpu.memory_space<vmem>>
          %dma_wait3A_1181 = tpu.memref_squeeze %dma_wait3A_1180 : memref<1x200x64xf32, #tpu.memory_space<vmem>> -> memref<200x64xf32, #tpu.memory_space<vmem>>
          tpu.wait_dma2 semaphore(%dma_wait3A_1173 : memref<!tpu.dma_semaphore, #tpu.memory_space<semaphore_mem>>) src(%dma_wait3A_1181 : memref<200x64xf32, #tpu.memory_space<vmem>>) dst(%dma_wait3A_1177 : memref<200x64xf32, #tpu.memory_space<hbm>>)
        } else {
        }
        %dma_wait3A_1078 = arith.constant 0 : i32
        %dma_wait3A_1079 = tpu.memref_slice %arg8[%rem3A_1073, %dma_wait3A_1078] : memref<6x256xi32, #tpu.memory_space<vmem>> -> memref<1x200xi32, #tpu.memory_space<vmem>>
        %dma_wait3A_1080 = tpu.memref_squeeze %dma_wait3A_1079 : memref<1x200xi32, #tpu.memory_space<vmem>> -> memref<200xi32, #tpu.memory_space<vmem>>
        %dma_wait3A_1081 = arith.constant 0 : i32
        %dma_wait3A_1082 = tpu.memref_slice %arg2[%dma_wait3A_1081] : memref<819200xi32, #tpu.memory_space<hbm>> -> memref<200xi32, #tpu.memory_space<hbm>>
        %dma_wait3A_1083 = tpu.memref_slice %arg11[%rem3A_1073] : memref<6x!tpu.dma_semaphore, #tpu.memory_space<semaphore_mem>> -> memref<1x!tpu.dma_semaphore, #tpu.memory_space<semaphore_mem>>
        %dma_wait3A_1084 = tpu.memref_squeeze %dma_wait3A_1083 : memref<1x!tpu.dma_semaphore, #tpu.memory_space<semaphore_mem>> -> memref<!tpu.dma_semaphore, #tpu.memory_space<semaphore_mem>>
        %dma_wait3A_1085 = arith.constant 0 : i32
        %dma_wait3A_1086 = tpu.memref_slice %arg8[%rem3A_1073, %dma_wait3A_1085] : memref<6x256xi32, #tpu.memory_space<vmem>> -> memref<1x200xi32, #tpu.memory_space<vmem>>
        %dma_wait3A_1087 = tpu.memref_squeeze %dma_wait3A_1086 : memref<1x200xi32, #tpu.memory_space<vmem>> -> memref<200xi32, #tpu.memory_space<vmem>>
        %dma_wait3A_1088 = arith.constant 0 : i32
        %dma_wait3A_1089 = tpu.memref_slice %arg2[%dma_wait3A_1088] : memref<819200xi32, #tpu.memory_space<hbm>> -> memref<200xi32, #tpu.memory_space<hbm>>
        tpu.wait_dma2 semaphore(%dma_wait3A_1084 : memref<!tpu.dma_semaphore, #tpu.memory_space<semaphore_mem>>) src(%dma_wait3A_1089 : memref<200xi32, #tpu.memory_space<hbm>>) dst(%dma_wait3A_1087 : memref<200xi32, #tpu.memory_space<vmem>>)
        %dma_wait3A_1090 = arith.constant 0 : i32
        %dma_wait3A_1091 = tpu.memref_slice %arg9[%rem3A_1073, %dma_wait3A_1090] : memref<6x256xi32, #tpu.memory_space<vmem>> -> memref<1x200xi32, #tpu.memory_space<vmem>>
        %dma_wait3A_1092 = tpu.memref_squeeze %dma_wait3A_1091 : memref<1x200xi32, #tpu.memory_space<vmem>> -> memref<200xi32, #tpu.memory_space<vmem>>
        %dma_wait3A_1093 = arith.constant 0 : i32
        %dma_wait3A_1094 = tpu.memref_slice %arg3[%dma_wait3A_1093] : memref<819200xi32, #tpu.memory_space<hbm>> -> memref<200xi32, #tpu.memory_space<hbm>>
        %dma_wait3A_1095 = tpu.memref_slice %arg11[%rem3A_1073] : memref<6x!tpu.dma_semaphore, #tpu.memory_space<semaphore_mem>> -> memref<1x!tpu.dma_semaphore, #tpu.memory_space<semaphore_mem>>
        %dma_wait3A_1096 = tpu.memref_squeeze %dma_wait3A_1095 : memref<1x!tpu.dma_semaphore, #tpu.memory_space<semaphore_mem>> -> memref<!tpu.dma_semaphore, #tpu.memory_space<semaphore_mem>>
        %dma_wait3A_1097 = arith.constant 0 : i32
        %dma_wait3A_1098 = tpu.memref_slice %arg9[%rem3A_1073, %dma_wait3A_1097] : memref<6x256xi32, #tpu.memory_space<vmem>> -> memref<1x200xi32, #tpu.memory_space<vmem>>
        %dma_wait3A_1099 = tpu.memref_squeeze %dma_wait3A_1098 : memref<1x200xi32, #tpu.memory_space<vmem>> -> memref<200xi32, #tpu.memory_space<vmem>>
        %dma_wait3A_1100 = arith.constant 0 : i32
        %dma_wait3A_1101 = tpu.memref_slice %arg3[%dma_wait3A_1100] : memref<819200xi32, #tpu.memory_space<hbm>> -> memref<200xi32, #tpu.memory_space<hbm>>
        tpu.wait_dma2 semaphore(%dma_wait3A_1096 : memref<!tpu.dma_semaphore, #tpu.memory_space<semaphore_mem>>) src(%dma_wait3A_1101 : memref<200xi32, #tpu.memory_space<hbm>>) dst(%dma_wait3A_1099 : memref<200xi32, #tpu.memory_space<vmem>>)
        %dma_start3A_1102 = arith.constant 0 : i32
        %dma_start3A_1103 = arith.constant 0 : i32
        %dma_start3A_1104 = tpu.memref_slice %arg10[%rem3A_1073, %dma_start3A_1102, %dma_start3A_1103] : memref<6x200x64xf32, #tpu.memory_space<vmem>> -> memref<1x40x64xf32, #tpu.memory_space<vmem>>
        %dma_start3A_1105 = tpu.memref_squeeze %dma_start3A_1104 : memref<1x40x64xf32, #tpu.memory_space<vmem>> -> memref<40x64xf32, #tpu.memory_space<vmem>>
        %dma_start3A_1106 = arith.constant 0 : i32
        %dma_start3A_1107 = tpu.memref_slice %arg8[%rem3A_1073, %dma_start3A_1106] : memref<6x256xi32, #tpu.memory_space<vmem>> -> memref<1x40xi32, #tpu.memory_space<vmem>>
        %dma_start3A_1108 = tpu.memref_squeeze %dma_start3A_1107 : memref<1x40xi32, #tpu.memory_space<vmem>> -> memref<40xi32, #tpu.memory_space<vmem>>
        %dma_start3A_1109 = arith.constant 0 : i32
        %dma_start3A_1110 = arith.constant 0 : i32
        %dma_start3A_1111 = tpu.memref_slice %arg4[%dma_start3A_1109, %dma_start3A_1110] : memref<1000000x64xf32, #tpu.memory_space<hbm>> -> memref<1000000x64xf32, #tpu.memory_space<hbm>>
        %dma_start3A_1112 = tpu.memref_slice %arg12[%rem3A_1073] : memref<6x!tpu.dma_semaphore, #tpu.memory_space<semaphore_mem>> -> memref<1x!tpu.dma_semaphore, #tpu.memory_space<semaphore_mem>>
        %dma_start3A_1113 = tpu.memref_squeeze %dma_start3A_1112 : memref<1x!tpu.dma_semaphore, #tpu.memory_space<semaphore_mem>> -> memref<!tpu.dma_semaphore, #tpu.memory_space<semaphore_mem>>
        tpu.enqueue_indirect_dma source(%dma_start3A_1111 : memref<1000000x64xf32, #tpu.memory_space<hbm>>) target(%dma_start3A_1105 : memref<40x64xf32, #tpu.memory_space<vmem>>) offsets(%dma_start3A_1108 : memref<40xi32, #tpu.memory_space<vmem>>) semaphore(%dma_start3A_1113 : memref<!tpu.dma_semaphore, #tpu.memory_space<semaphore_mem>>)
        %dma_start3A_1114 = arith.constant 40 : i32
        %dma_start3A_1115 = arith.constant 0 : i32
        %dma_start3A_1116 = tpu.memref_slice %arg10[%rem3A_1073, %dma_start3A_1114, %dma_start3A_1115] : memref<6x200x64xf32, #tpu.memory_space<vmem>> -> memref<1x40x64xf32, #tpu.memory_space<vmem>>
        %dma_start3A_1117 = tpu.memref_squeeze %dma_start3A_1116 : memref<1x40x64xf32, #tpu.memory_space<vmem>> -> memref<40x64xf32, #tpu.memory_space<vmem>>
        %dma_start3A_1118 = arith.constant 40 : i32
        %dma_start3A_1119 = tpu.memref_slice %arg8[%rem3A_1073, %dma_start3A_1118] : memref<6x256xi32, #tpu.memory_space<vmem>> -> memref<1x40xi32, #tpu.memory_space<vmem>>
        %dma_start3A_1120 = tpu.memref_squeeze %dma_start3A_1119 : memref<1x40xi32, #tpu.memory_space<vmem>> -> memref<40xi32, #tpu.memory_space<vmem>>
        %dma_start3A_1121 = arith.constant 0 : i32
        %dma_start3A_1122 = arith.constant 0 : i32
        %dma_start3A_1123 = tpu.memref_slice %arg4[%dma_start3A_1121, %dma_start3A_1122] : memref<1000000x64xf32, #tpu.memory_space<hbm>> -> memref<1000000x64xf32, #tpu.memory_space<hbm>>
        %dma_start3A_1124 = tpu.memref_slice %arg12[%rem3A_1073] : memref<6x!tpu.dma_semaphore, #tpu.memory_space<semaphore_mem>> -> memref<1x!tpu.dma_semaphore, #tpu.memory_space<semaphore_mem>>
        %dma_start3A_1125 = tpu.memref_squeeze %dma_start3A_1124 : memref<1x!tpu.dma_semaphore, #tpu.memory_space<semaphore_mem>> -> memref<!tpu.dma_semaphore, #tpu.memory_space<semaphore_mem>>
        tpu.enqueue_indirect_dma source(%dma_start3A_1123 : memref<1000000x64xf32, #tpu.memory_space<hbm>>) target(%dma_start3A_1117 : memref<40x64xf32, #tpu.memory_space<vmem>>) offsets(%dma_start3A_1120 : memref<40xi32, #tpu.memory_space<vmem>>) semaphore(%dma_start3A_1125 : memref<!tpu.dma_semaphore, #tpu.memory_space<semaphore_mem>>)
        %dma_start3A_1126 = arith.constant 80 : i32
        %dma_start3A_1127 = arith.constant 0 : i32
        %dma_start3A_1128 = tpu.memref_slice %arg10[%rem3A_1073, %dma_start3A_1126, %dma_start3A_1127] : memref<6x200x64xf32, #tpu.memory_space<vmem>> -> memref<1x40x64xf32, #tpu.memory_space<vmem>>
        %dma_start3A_1129 = tpu.memref_squeeze %dma_start3A_1128 : memref<1x40x64xf32, #tpu.memory_space<vmem>> -> memref<40x64xf32, #tpu.memory_space<vmem>>
        %dma_start3A_1130 = arith.constant 80 : i32
        %dma_start3A_1131 = tpu.memref_slice %arg8[%rem3A_1073, %dma_start3A_1130] : memref<6x256xi32, #tpu.memory_space<vmem>> -> memref<1x40xi32, #tpu.memory_space<vmem>>
        %dma_start3A_1132 = tpu.memref_squeeze %dma_start3A_1131 : memref<1x40xi32, #tpu.memory_space<vmem>> -> memref<40xi32, #tpu.memory_space<vmem>>
        %dma_start3A_1133 = arith.constant 0 : i32
        %dma_start3A_1134 = arith.constant 0 : i32
        %dma_start3A_1135 = tpu.memref_slice %arg4[%dma_start3A_1133, %dma_start3A_1134] : memref<1000000x64xf32, #tpu.memory_space<hbm>> -> memref<1000000x64xf32, #tpu.memory_space<hbm>>
        %dma_start3A_1136 = tpu.memref_slice %arg12[%rem3A_1073] : memref<6x!tpu.dma_semaphore, #tpu.memory_space<semaphore_mem>> -> memref<1x!tpu.dma_semaphore, #tpu.memory_space<semaphore_mem>>
        %dma_start3A_1137 = tpu.memref_squeeze %dma_start3A_1136 : memref<1x!tpu.dma_semaphore, #tpu.memory_space<semaphore_mem>> -> memref<!tpu.dma_semaphore, #tpu.memory_space<semaphore_mem>>
        tpu.enqueue_indirect_dma source(%dma_start3A_1135 : memref<1000000x64xf32, #tpu.memory_space<hbm>>) target(%dma_start3A_1129 : memref<40x64xf32, #tpu.memory_space<vmem>>) offsets(%dma_start3A_1132 : memref<40xi32, #tpu.memory_space<vmem>>) semaphore(%dma_start3A_1137 : memref<!tpu.dma_semaphore, #tpu.memory_space<semaphore_mem>>)
        %dma_start3A_1138 = arith.constant 120 : i32
        %dma_start3A_1139 = arith.constant 0 : i32
        %dma_start3A_1140 = tpu.memref_slice %arg10[%rem3A_1073, %dma_start3A_1138, %dma_start3A_1139] : memref<6x200x64xf32, #tpu.memory_space<vmem>> -> memref<1x40x64xf32, #tpu.memory_space<vmem>>
        %dma_start3A_1141 = tpu.memref_squeeze %dma_start3A_1140 : memref<1x40x64xf32, #tpu.memory_space<vmem>> -> memref<40x64xf32, #tpu.memory_space<vmem>>
        %dma_start3A_1142 = arith.constant 120 : i32
        %dma_start3A_1143 = tpu.memref_slice %arg8[%rem3A_1073, %dma_start3A_1142] : memref<6x256xi32, #tpu.memory_space<vmem>> -> memref<1x40xi32, #tpu.memory_space<vmem>>
        %dma_start3A_1144 = tpu.memref_squeeze %dma_start3A_1143 : memref<1x40xi32, #tpu.memory_space<vmem>> -> memref<40xi32, #tpu.memory_space<vmem>>
        %dma_start3A_1145 = arith.constant 0 : i32
        %dma_start3A_1146 = arith.constant 0 : i32
        %dma_start3A_1147 = tpu.memref_slice %arg4[%dma_start3A_1145, %dma_start3A_1146] : memref<1000000x64xf32, #tpu.memory_space<hbm>> -> memref<1000000x64xf32, #tpu.memory_space<hbm>>
        %dma_start3A_1148 = tpu.memref_slice %arg12[%rem3A_1073] : memref<6x!tpu.dma_semaphore, #tpu.memory_space<semaphore_mem>> -> memref<1x!tpu.dma_semaphore, #tpu.memory_space<semaphore_mem>>
        %dma_start3A_1149 = tpu.memref_squeeze %dma_start3A_1148 : memref<1x!tpu.dma_semaphore, #tpu.memory_space<semaphore_mem>> -> memref<!tpu.dma_semaphore, #tpu.memory_space<semaphore_mem>>
        tpu.enqueue_indirect_dma source(%dma_start3A_1147 : memref<1000000x64xf32, #tpu.memory_space<hbm>>) target(%dma_start3A_1141 : memref<40x64xf32, #tpu.memory_space<vmem>>) offsets(%dma_start3A_1144 : memref<40xi32, #tpu.memory_space<vmem>>) semaphore(%dma_start3A_1149 : memref<!tpu.dma_semaphore, #tpu.memory_space<semaphore_mem>>)
        %dma_start3A_1150 = arith.constant 160 : i32
        %dma_start3A_1151 = arith.constant 0 : i32
        %dma_start3A_1152 = tpu.memref_slice %arg10[%rem3A_1073, %dma_start3A_1150, %dma_start3A_1151] : memref<6x200x64xf32, #tpu.memory_space<vmem>> -> memref<1x40x64xf32, #tpu.memory_space<vmem>>
        %dma_start3A_1153 = tpu.memref_squeeze %dma_start3A_1152 : memref<1x40x64xf32, #tpu.memory_space<vmem>> -> memref<40x64xf32, #tpu.memory_space<vmem>>
        %dma_start3A_1154 = arith.constant 160 : i32
        %dma_start3A_1155 = tpu.memref_slice %arg8[%rem3A_1073, %dma_start3A_1154] : memref<6x256xi32, #tpu.memory_space<vmem>> -> memref<1x40xi32, #tpu.memory_space<vmem>>
        %dma_start3A_1156 = tpu.memref_squeeze %dma_start3A_1155 : memref<1x40xi32, #tpu.memory_space<vmem>> -> memref<40xi32, #tpu.memory_space<vmem>>
        %dma_start3A_1157 = arith.constant 0 : i32
        %dma_start3A_1158 = arith.constant 0 : i32
        %dma_start3A_1159 = tpu.memref_slice %arg4[%dma_start3A_1157, %dma_start3A_1158] : memref<1000000x64xf32, #tpu.memory_space<hbm>> -> memref<1000000x64xf32, #tpu.memory_space<hbm>>
        %dma_start3A_1160 = tpu.memref_slice %arg12[%rem3A_1073] : memref<6x!tpu.dma_semaphore, #tpu.memory_space<semaphore_mem>> -> memref<1x!tpu.dma_semaphore, #tpu.memory_space<semaphore_mem>>
        %dma_start3A_1161 = tpu.memref_squeeze %dma_start3A_1160 : memref<1x!tpu.dma_semaphore, #tpu.memory_space<semaphore_mem>> -> memref<!tpu.dma_semaphore, #tpu.memory_space<semaphore_mem>>
        tpu.enqueue_indirect_dma source(%dma_start3A_1159 : memref<1000000x64xf32, #tpu.memory_space<hbm>>) target(%dma_start3A_1153 : memref<40x64xf32, #tpu.memory_space<vmem>>) offsets(%dma_start3A_1156 : memref<40xi32, #tpu.memory_space<vmem>>) semaphore(%dma_start3A_1161 : memref<!tpu.dma_semaphore, #tpu.memory_space<semaphore_mem>>)
      } else {
      }
      %scan3A_638 = arith.constant 0 : i32
      %scan3A_639 = arith.constant 0 : i32
      %scan3A_640 = arith.constant 12 : i32
      %scan3A_641 = arith.addi %scan3A_639, %scan3A_640 : i32
      %scan3A_642 = arith.constant 1 : i32
      scf.for %scan3A_1070 = %scan3A_639 to %scan3A_641 step %scan3A_642  : i32 {
        %mul3A_1071 = arith.constant 16 : i32
        %mul3A_1072 = arith.muli %scan3A_1070, %mul3A_1071 : i32
        %get3A_1073 = arith.constant 0 : i32
        %get3A_1074 = tpu.memref_slice %arg9[%rem3A_566, %get3A_1073] : memref<6x256xi32, #tpu.memory_space<vmem>> -> memref<1x256xi32, #tpu.memory_space<vmem>>
        %get3A_1075 = tpu.memref_squeeze %get3A_1074 : memref<1x256xi32, #tpu.memory_space<vmem>> -> memref<256xi32, #tpu.memory_space<vmem>>
        %get3A_1076 = arith.index_cast %mul3A_1072 : i32 to index
        %get3A_1077 = tpu.vector_load %get3A_1075[%get3A_1076] {strides = array<i32>} : memref<256xi32, #tpu.memory_space<vmem>>, vector<16xi32>,
        %slice3A_1078 = vector.extract_strided_slice %get3A_1077 {offsets = [0], sizes = [1], strides = [1]} : vector<16xi32> to vector<1xi32>
        %squeeze3A_1079 = vector.extract %slice3A_1078[0] : i32 from vector<1xi32>
        %broadcast_in_dim3A_1080 = vector.broadcast %squeeze3A_1079 : i32 to vector<16xi32>
        %add3A_1081 = arith.constant 0 : i32
        %add3A_1082 = arith.addi %mul3A_1072, %add3A_1081 : i32
        %add3A_1083 = arith.constant 0 : i32
        %add3A_1084 = vector.broadcast %add3A_1083 : i32 to vector<16xi32>
        %add3A_1085 = arith.addi %iota3A, %add3A_1084 : vector<16xi32>
        %gather3A_1086 = tpu.vector_load_idx %arg7[%broadcast_in_dim3A_1080, %add3A_1085] : memref<512x64xf32, #tpu.memory_space<vmem>>[vector<16xi32>, vector<16xi32>], vector<16xf32>,
        %swap3A_1087 = arith.constant 0 : i32
        %swap3A_1088 = arith.constant 0 : i32
        %swap3A_1089 = tpu.memref_slice %arg10[%rem3A_566, %swap3A_1087, %swap3A_1088] : memref<6x200x64xf32, #tpu.memory_space<vmem>> -> memref<1x200x64xf32, #tpu.memory_space<vmem>>
        %swap3A_1090 = tpu.memref_squeeze %swap3A_1089 : memref<1x200x64xf32, #tpu.memory_space<vmem>> -> memref<200x64xf32, #tpu.memory_space<vmem>>
        %swap3A_1091 = arith.index_cast %add3A_1082 : i32 to index
        %swap3A_1092 = arith.constant 0 : index
        %swap3A_1093 = tpu.vector_load %swap3A_1090[%swap3A_1091, %swap3A_1092] {strides = array<i32>} : memref<200x64xf32, #tpu.memory_space<vmem>>, vector<16xf32>,
        tpu.vector_store %swap3A_1090[%swap3A_1091, %swap3A_1092], %gather3A_1086 {add = true, strides = array<i32>} : memref<200x64xf32, #tpu.memory_space<vmem>>, vector<16xf32>,
        %add3A_1094 = arith.constant 16 : i32
        %add3A_1095 = vector.broadcast %add3A_1094 : i32 to vector<16xi32>
        %add3A_1096 = arith.addi %iota3A, %add3A_1095 : vector<16xi32>
        %gather3A_1097 = tpu.vector_load_idx %arg7[%broadcast_in_dim3A_1080, %add3A_1096] : memref<512x64xf32, #tpu.memory_space<vmem>>[vector<16xi32>, vector<16xi32>], vector<16xf32>,
        %swap3A_1098 = arith.constant 0 : i32
        %swap3A_1099 = arith.constant 0 : i32
        %swap3A_1100 = tpu.memref_slice %arg10[%rem3A_566, %swap3A_1098, %swap3A_1099] : memref<6x200x64xf32, #tpu.memory_space<vmem>> -> memref<1x200x64xf32, #tpu.memory_space<vmem>>
        %swap3A_1101 = tpu.memref_squeeze %swap3A_1100 : memref<1x200x64xf32, #tpu.memory_space<vmem>> -> memref<200x64xf32, #tpu.memory_space<vmem>>
        %swap3A_1102 = arith.index_cast %add3A_1082 : i32 to index
        %swap3A_1103 = arith.constant 16 : index
        %swap3A_1104 = tpu.vector_load %swap3A_1101[%swap3A_1102, %swap3A_1103] {strides = array<i32>} : memref<200x64xf32, #tpu.memory_space<vmem>>, vector<16xf32>,
        tpu.vector_store %swap3A_1101[%swap3A_1102, %swap3A_1103], %gather3A_1097 {add = true, strides = array<i32>} : memref<200x64xf32, #tpu.memory_space<vmem>>, vector<16xf32>,
        %add3A_1105 = arith.constant 32 : i32
        %add3A_1106 = vector.broadcast %add3A_1105 : i32 to vector<16xi32>
        %add3A_1107 = arith.addi %iota3A, %add3A_1106 : vector<16xi32>
        %gather3A_1108 = tpu.vector_load_idx %arg7[%broadcast_in_dim3A_1080, %add3A_1107] : memref<512x64xf32, #tpu.memory_space<vmem>>[vector<16xi32>, vector<16xi32>], vector<16xf32>,
        %swap3A_1109 = arith.constant 0 : i32
        %swap3A_1110 = arith.constant 0 : i32
        %swap3A_1111 = tpu.memref_slice %arg10[%rem3A_566, %swap3A_1109, %swap3A_1110] : memref<6x200x64xf32, #tpu.memory_space<vmem>> -> memref<1x200x64xf32, #tpu.memory_space<vmem>>
        %swap3A_1112 = tpu.memref_squeeze %swap3A_1111 : memref<1x200x64xf32, #tpu.memory_space<vmem>> -> memref<200x64xf32, #tpu.memory_space<vmem>>
        %swap3A_1113 = arith.index_cast %add3A_1082 : i32 to index
        %swap3A_1114 = arith.constant 32 : index
        %swap3A_1115 = tpu.vector_load %swap3A_1112[%swap3A_1113, %swap3A_1114] {strides = array<i32>} : memref<200x64xf32, #tpu.memory_space<vmem>>, vector<16xf32>,
        tpu.vector_store %swap3A_1112[%swap3A_1113, %swap3A_1114], %gather3A_1108 {add = true, strides = array<i32>} : memref<200x64xf32, #tpu.memory_space<vmem>>, vector<16xf32>,
        %add3A_1116 = arith.constant 48 : i32
        %add3A_1117 = vector.broadcast %add3A_1116 : i32 to vector<16xi32>
        %add3A_1118 = arith.addi %iota3A, %add3A_1117 : vector<16xi32>
        %gather3A_1119 = tpu.vector_load_idx %arg7[%broadcast_in_dim3A_1080, %add3A_1118] : memref<512x64xf32, #tpu.memory_space<vmem>>[vector<16xi32>, vector<16xi32>], vector<16xf32>,
        %swap3A_1120 = arith.constant 0 : i32
        %swap3A_1121 = arith.constant 0 : i32
        %swap3A_1122 = tpu.memref_slice %arg10[%rem3A_566, %swap3A_1120, %swap3A_1121] : memref<6x200x64xf32, #tpu.memory_space<vmem>> -> memref<1x200x64xf32, #tpu.memory_space<vmem>>
        %swap3A_1123 = tpu.memref_squeeze %swap3A_1122 : memref<1x200x64xf32, #tpu.memory_space<vmem>> -> memref<200x64xf32, #tpu.memory_space<vmem>>
        %swap3A_1124 = arith.index_cast %add3A_1082 : i32 to index
        %swap3A_1125 = arith.constant 48 : index
        %swap3A_1126 = tpu.vector_load %swap3A_1123[%swap3A_1124, %swap3A_1125] {strides = array<i32>} : memref<200x64xf32, #tpu.memory_space<vmem>>, vector<16xf32>,
        tpu.vector_store %swap3A_1123[%swap3A_1124, %swap3A_1125], %gather3A_1119 {add = true, strides = array<i32>} : memref<200x64xf32, #tpu.memory_space<vmem>>, vector<16xf32>,
        %slice3A_1127 = vector.extract_strided_slice %get3A_1077 {offsets = [1], sizes = [1], strides = [1]} : vector<16xi32> to vector<1xi32>
        %squeeze3A_1128 = vector.extract %slice3A_1127[0] : i32 from vector<1xi32>
        %broadcast_in_dim3A_1129 = vector.broadcast %squeeze3A_1128 : i32 to vector<16xi32>
        %add3A_1130 = arith.constant 1 : i32
        %add3A_1131 = arith.addi %mul3A_1072, %add3A_1130 : i32
        %add3A_1132 = arith.constant 0 : i32
        %add3A_1133 = vector.broadcast %add3A_1132 : i32 to vector<16xi32>
        %add3A_1134 = arith.addi %iota3A, %add3A_1133 : vector<16xi32>
        %gather3A_1135 = tpu.vector_load_idx %arg7[%broadcast_in_dim3A_1129, %add3A_1134] : memref<512x64xf32, #tpu.memory_space<vmem>>[vector<16xi32>, vector<16xi32>], vector<16xf32>,
        %swap3A_1136 = arith.constant 0 : i32
        %swap3A_1137 = arith.constant 0 : i32
        %swap3A_1138 = tpu.memref_slice %arg10[%rem3A_566, %swap3A_1136, %swap3A_1137] : memref<6x200x64xf32, #tpu.memory_space<vmem>> -> memref<1x200x64xf32, #tpu.memory_space<vmem>>
        %swap3A_1139 = tpu.memref_squeeze %swap3A_1138 : memref<1x200x64xf32, #tpu.memory_space<vmem>> -> memref<200x64xf32, #tpu.memory_space<vmem>>
        %swap3A_1140 = arith.index_cast %add3A_1131 : i32 to index
        %swap3A_1141 = arith.constant 0 : index
        %swap3A_1142 = tpu.vector_load %swap3A_1139[%swap3A_1140, %swap3A_1141] {strides = array<i32>} : memref<200x64xf32, #tpu.memory_space<vmem>>, vector<16xf32>,
        tpu.vector_store %swap3A_1139[%swap3A_1140, %swap3A_1141], %gather3A_1135 {add = true, strides = array<i32>} : memref<200x64xf32, #tpu.memory_space<vmem>>, vector<16xf32>,
        %add3A_1143 = arith.constant 16 : i32
        %add3A_1144 = vector.broadcast %add3A_1143 : i32 to vector<16xi32>
        %add3A_1145 = arith.addi %iota3A, %add3A_1144 : vector<16xi32>
        %gather3A_1146 = tpu.vector_load_idx %arg7[%broadcast_in_dim3A_1129, %add3A_1145] : memref<512x64xf32, #tpu.memory_space<vmem>>[vector<16xi32>, vector<16xi32>], vector<16xf32>,
        %swap3A_1147 = arith.constant 0 : i32
        %swap3A_1148 = arith.constant 0 : i32
        %swap3A_1149 = tpu.memref_slice %arg10[%rem3A_566, %swap3A_1147, %swap3A_1148] : memref<6x200x64xf32, #tpu.memory_space<vmem>> -> memref<1x200x64xf32, #tpu.memory_space<vmem>>
        %swap3A_1150 = tpu.memref_squeeze %swap3A_1149 : memref<1x200x64xf32, #tpu.memory_space<vmem>> -> memref<200x64xf32, #tpu.memory_space<vmem>>
        %swap3A_1151 = arith.index_cast %add3A_1131 : i32 to index
        %swap3A_1152 = arith.constant 16 : index
        %swap3A_1153 = tpu.vector_load %swap3A_1150[%swap3A_1151, %swap3A_1152] {strides = array<i32>} : memref<200x64xf32, #tpu.memory_space<vmem>>, vector<16xf32>,
        tpu.vector_store %swap3A_1150[%swap3A_1151, %swap3A_1152], %gather3A_1146 {add = true, strides = array<i32>} : memref<200x64xf32, #tpu.memory_space<vmem>>, vector<16xf32>,
        %add3A_1154 = arith.constant 32 : i32
        %add3A_1155 = vector.broadcast %add3A_1154 : i32 to vector<16xi32>
        %add3A_1156 = arith.addi %iota3A, %add3A_1155 : vector<16xi32>
        %gather3A_1157 = tpu.vector_load_idx %arg7[%broadcast_in_dim3A_1129, %add3A_1156] : memref<512x64xf32, #tpu.memory_space<vmem>>[vector<16xi32>, vector<16xi32>], vector<16xf32>,
        %swap3A_1158 = arith.constant 0 : i32
        %swap3A_1159 = arith.constant 0 : i32
        %swap3A_1160 = tpu.memref_slice %arg10[%rem3A_566, %swap3A_1158, %swap3A_1159] : memref<6x200x64xf32, #tpu.memory_space<vmem>> -> memref<1x200x64xf32, #tpu.memory_space<vmem>>
        %swap3A_1161 = tpu.memref_squeeze %swap3A_1160 : memref<1x200x64xf32, #tpu.memory_space<vmem>> -> memref<200x64xf32, #tpu.memory_space<vmem>>
        %swap3A_1162 = arith.index_cast %add3A_1131 : i32 to index
        %swap3A_1163 = arith.constant 32 : index
        %swap3A_1164 = tpu.vector_load %swap3A_1161[%swap3A_1162, %swap3A_1163] {strides = array<i32>} : memref<200x64xf32, #tpu.memory_space<vmem>>, vector<16xf32>,
        tpu.vector_store %swap3A_1161[%swap3A_1162, %swap3A_1163], %gather3A_1157 {add = true, strides = array<i32>} : memref<200x64xf32, #tpu.memory_space<vmem>>, vector<16xf32>,
        %add3A_1165 = arith.constant 48 : i32
        %add3A_1166 = vector.broadcast %add3A_1165 : i32 to vector<16xi32>
        %add3A_1167 = arith.addi %iota3A, %add3A_1166 : vector<16xi32>
        %gather3A_1168 = tpu.vector_load_idx %arg7[%broadcast_in_dim3A_1129, %add3A_1167] : memref<512x64xf32, #tpu.memory_space<vmem>>[vector<16xi32>, vector<16xi32>], vector<16xf32>,
        %swap3A_1169 = arith.constant 0 : i32
        %swap3A_1170 = arith.constant 0 : i32
        %swap3A_1171 = tpu.memref_slice %arg10[%rem3A_566, %swap3A_1169, %swap3A_1170] : memref<6x200x64xf32, #tpu.memory_space<vmem>> -> memref<1x200x64xf32, #tpu.memory_space<vmem>>
        %swap3A_1172 = tpu.memref_squeeze %swap3A_1171 : memref<1x200x64xf32, #tpu.memory_space<vmem>> -> memref<200x64xf32, #tpu.memory_space<vmem>>
        %swap3A_1173 = arith.index_cast %add3A_1131 : i32 to index
        %swap3A_1174 = arith.constant 48 : index
        %swap3A_1175 = tpu.vector_load %swap3A_1172[%swap3A_1173, %swap3A_1174] {strides = array<i32>} : memref<200x64xf32, #tpu.memory_space<vmem>>, vector<16xf32>,
        tpu.vector_store %swap3A_1172[%swap3A_1173, %swap3A_1174], %gather3A_1168 {add = true, strides = array<i32>} : memref<200x64xf32, #tpu.memory_space<vmem>>, vector<16xf32>,
        %slice3A_1176 = vector.extract_strided_slice %get3A_1077 {offsets = [2], sizes = [1], strides = [1]} : vector<16xi32> to vector<1xi32>
        %squeeze3A_1177 = vector.extract %slice3A_1176[0] : i32 from vector<1xi32>
        %broadcast_in_dim3A_1178 = vector.broadcast %squeeze3A_1177 : i32 to vector<16xi32>
        %add3A_1179 = arith.constant 2 : i32
        %add3A_1180 = arith.addi %mul3A_1072, %add3A_1179 : i32
        %add3A_1181 = arith.constant 0 : i32
        %add3A_1182 = vector.broadcast %add3A_1181 : i32 to vector<16xi32>
        %add3A_1183 = arith.addi %iota3A, %add3A_1182 : vector<16xi32>
        %gather3A_1184 = tpu.vector_load_idx %arg7[%broadcast_in_dim3A_1178, %add3A_1183] : memref<512x64xf32, #tpu.memory_space<vmem>>[vector<16xi32>, vector<16xi32>], vector<16xf32>,
        %swap3A_1185 = arith.constant 0 : i32
        %swap3A_1186 = arith.constant 0 : i32
        %swap3A_1187 = tpu.memref_slice %arg10[%rem3A_566, %swap3A_1185, %swap3A_1186] : memref<6x200x64xf32, #tpu.memory_space<vmem>> -> memref<1x200x64xf32, #tpu.memory_space<vmem>>
        %swap3A_1188 = tpu.memref_squeeze %swap3A_1187 : memref<1x200x64xf32, #tpu.memory_space<vmem>> -> memref<200x64xf32, #tpu.memory_space<vmem>>
        %swap3A_1189 = arith.index_cast %add3A_1180 : i32 to index
        %swap3A_1190 = arith.constant 0 : index
        %swap3A_1191 = tpu.vector_load %swap3A_1188[%swap3A_1189, %swap3A_1190] {strides = array<i32>} : memref<200x64xf32, #tpu.memory_space<vmem>>, vector<16xf32>,
        tpu.vector_store %swap3A_1188[%swap3A_1189, %swap3A_1190], %gather3A_1184 {add = true, strides = array<i32>} : memref<200x64xf32, #tpu.memory_space<vmem>>, vector<16xf32>,
        %add3A_1192 = arith.constant 16 : i32
        %add3A_1193 = vector.broadcast %add3A_1192 : i32 to vector<16xi32>
        %add3A_1194 = arith.addi %iota3A, %add3A_1193 : vector<16xi32>
        %gather3A_1195 = tpu.vector_load_idx %arg7[%broadcast_in_dim3A_1178, %add3A_1194] : memref<512x64xf32, #tpu.memory_space<vmem>>[vector<16xi32>, vector<16xi32>], vector<16xf32>,
        %swap3A_1196 = arith.constant 0 : i32
        %swap3A_1197 = arith.constant 0 : i32
        %swap3A_1198 = tpu.memref_slice %arg10[%rem3A_566, %swap3A_1196, %swap3A_1197] : memref<6x200x64xf32, #tpu.memory_space<vmem>> -> memref<1x200x64xf32, #tpu.memory_space<vmem>>
        %swap3A_1199 = tpu.memref_squeeze %swap3A_1198 : memref<1x200x64xf32, #tpu.memory_space<vmem>> -> memref<200x64xf32, #tpu.memory_space<vmem>>
        %swap3A_1200 = arith.index_cast %add3A_1180 : i32 to index
        %swap3A_1201 = arith.constant 16 : index
        %swap3A_1202 = tpu.vector_load %swap3A_1199[%swap3A_1200, %swap3A_1201] {strides = array<i32>} : memref<200x64xf32, #tpu.memory_space<vmem>>, vector<16xf32>,
        tpu.vector_store %swap3A_1199[%swap3A_1200, %swap3A_1201], %gather3A_1195 {add = true, strides = array<i32>} : memref<200x64xf32, #tpu.memory_space<vmem>>, vector<16xf32>,
        %add3A_1203 = arith.constant 32 : i32
        %add3A_1204 = vector.broadcast %add3A_1203 : i32 to vector<16xi32>
        %add3A_1205 = arith.addi %iota3A, %add3A_1204 : vector<16xi32>
        %gather3A_1206 = tpu.vector_load_idx %arg7[%broadcast_in_dim3A_1178, %add3A_1205] : memref<512x64xf32, #tpu.memory_space<vmem>>[vector<16xi32>, vector<16xi32>], vector<16xf32>,
        %swap3A_1207 = arith.constant 0 : i32
        %swap3A_1208 = arith.constant 0 : i32
        %swap3A_1209 = tpu.memref_slice %arg10[%rem3A_566, %swap3A_1207, %swap3A_1208] : memref<6x200x64xf32, #tpu.memory_space<vmem>> -> memref<1x200x64xf32, #tpu.memory_space<vmem>>
        %swap3A_1210 = tpu.memref_squeeze %swap3A_1209 : memref<1x200x64xf32, #tpu.memory_space<vmem>> -> memref<200x64xf32, #tpu.memory_space<vmem>>
        %swap3A_1211 = arith.index_cast %add3A_1180 : i32 to index
        %swap3A_1212 = arith.constant 32 : index
        %swap3A_1213 = tpu.vector_load %swap3A_1210[%swap3A_1211, %swap3A_1212] {strides = array<i32>} : memref<200x64xf32, #tpu.memory_space<vmem>>, vector<16xf32>,
        tpu.vector_store %swap3A_1210[%swap3A_1211, %swap3A_1212], %gather3A_1206 {add = true, strides = array<i32>} : memref<200x64xf32, #tpu.memory_space<vmem>>, vector<16xf32>,
        %add3A_1214 = arith.constant 48 : i32
        %add3A_1215 = vector.broadcast %add3A_1214 : i32 to vector<16xi32>
        %add3A_1216 = arith.addi %iota3A, %add3A_1215 : vector<16xi32>
        %gather3A_1217 = tpu.vector_load_idx %arg7[%broadcast_in_dim3A_1178, %add3A_1216] : memref<512x64xf32, #tpu.memory_space<vmem>>[vector<16xi32>, vector<16xi32>], vector<16xf32>,
        %swap3A_1218 = arith.constant 0 : i32
        %swap3A_1219 = arith.constant 0 : i32
        %swap3A_1220 = tpu.memref_slice %arg10[%rem3A_566, %swap3A_1218, %swap3A_1219] : memref<6x200x64xf32, #tpu.memory_space<vmem>> -> memref<1x200x64xf32, #tpu.memory_space<vmem>>
        %swap3A_1221 = tpu.memref_squeeze %swap3A_1220 : memref<1x200x64xf32, #tpu.memory_space<vmem>> -> memref<200x64xf32, #tpu.memory_space<vmem>>
        %swap3A_1222 = arith.index_cast %add3A_1180 : i32 to index
        %swap3A_1223 = arith.constant 48 : index
        %swap3A_1224 = tpu.vector_load %swap3A_1221[%swap3A_1222, %swap3A_1223] {strides = array<i32>} : memref<200x64xf32, #tpu.memory_space<vmem>>, vector<16xf32>,
        tpu.vector_store %swap3A_1221[%swap3A_1222, %swap3A_1223], %gather3A_1217 {add = true, strides = array<i32>} : memref<200x64xf32, #tpu.memory_space<vmem>>, vector<16xf32>,
        %slice3A_1225 = vector.extract_strided_slice %get3A_1077 {offsets = [3], sizes = [1], strides = [1]} : vector<16xi32> to vector<1xi32>
        %squeeze3A_1226 = vector.extract %slice3A_1225[0] : i32 from vector<1xi32>
        %broadcast_in_dim3A_1227 = vector.broadcast %squeeze3A_1226 : i32 to vector<16xi32>
        %add3A_1228 = arith.constant 3 : i32
        %add3A_1229 = arith.addi %mul3A_1072, %add3A_1228 : i32
        %add3A_1230 = arith.constant 0 : i32
        %add3A_1231 = vector.broadcast %add3A_1230 : i32 to vector<16xi32>
        %add3A_1232 = arith.addi %iota3A, %add3A_1231 : vector<16xi32>
        %gather3A_1233 = tpu.vector_load_idx %arg7[%broadcast_in_dim3A_1227, %add3A_1232] : memref<512x64xf32, #tpu.memory_space<vmem>>[vector<16xi32>, vector<16xi32>], vector<16xf32>,
        %swap3A_1234 = arith.constant 0 : i32
        %swap3A_1235 = arith.constant 0 : i32
        %swap3A_1236 = tpu.memref_slice %arg10[%rem3A_566, %swap3A_1234, %swap3A_1235] : memref<6x200x64xf32, #tpu.memory_space<vmem>> -> memref<1x200x64xf32, #tpu.memory_space<vmem>>
        %swap3A_1237 = tpu.memref_squeeze %swap3A_1236 : memref<1x200x64xf32, #tpu.memory_space<vmem>> -> memref<200x64xf32, #tpu.memory_space<vmem>>
        %swap3A_1238 = arith.index_cast %add3A_1229 : i32 to index
        %swap3A_1239 = arith.constant 0 : index
        %swap3A_1240 = tpu.vector_load %swap3A_1237[%swap3A_1238, %swap3A_1239] {strides = array<i32>} : memref<200x64xf32, #tpu.memory_space<vmem>>, vector<16xf32>,
        tpu.vector_store %swap3A_1237[%swap3A_1238, %swap3A_1239], %gather3A_1233 {add = true, strides = array<i32>} : memref<200x64xf32, #tpu.memory_space<vmem>>, vector<16xf32>,
        %add3A_1241 = arith.constant 16 : i32
        %add3A_1242 = vector.broadcast %add3A_1241 : i32 to vector<16xi32>
        %add3A_1243 = arith.addi %iota3A, %add3A_1242 : vector<16xi32>
        %gather3A_1244 = tpu.vector_load_idx %arg7[%broadcast_in_dim3A_1227, %add3A_1243] : memref<512x64xf32, #tpu.memory_space<vmem>>[vector<16xi32>, vector<16xi32>], vector<16xf32>,
        %swap3A_1245 = arith.constant 0 : i32
        %swap3A_1246 = arith.constant 0 : i32
        %swap3A_1247 = tpu.memref_slice %arg10[%rem3A_566, %swap3A_1245, %swap3A_1246] : memref<6x200x64xf32, #tpu.memory_space<vmem>> -> memref<1x200x64xf32, #tpu.memory_space<vmem>>
        %swap3A_1248 = tpu.memref_squeeze %swap3A_1247 : memref<1x200x64xf32, #tpu.memory_space<vmem>> -> memref<200x64xf32, #tpu.memory_space<vmem>>
        %swap3A_1249 = arith.index_cast %add3A_1229 : i32 to index
        %swap3A_1250 = arith.constant 16 : index
        %swap3A_1251 = tpu.vector_load %swap3A_1248[%swap3A_1249, %swap3A_1250] {strides = array<i32>} : memref<200x64xf32, #tpu.memory_space<vmem>>, vector<16xf32>,
        tpu.vector_store %swap3A_1248[%swap3A_1249, %swap3A_1250], %gather3A_1244 {add = true, strides = array<i32>} : memref<200x64xf32, #tpu.memory_space<vmem>>, vector<16xf32>,
        %add3A_1252 = arith.constant 32 : i32
        %add3A_1253 = vector.broadcast %add3A_1252 : i32 to vector<16xi32>
        %add3A_1254 = arith.addi %iota3A, %add3A_1253 : vector<16xi32>
        %gather3A_1255 = tpu.vector_load_idx %arg7[%broadcast_in_dim3A_1227, %add3A_1254] : memref<512x64xf32, #tpu.memory_space<vmem>>[vector<16xi32>, vector<16xi32>], vector<16xf32>,
        %swap3A_1256 = arith.constant 0 : i32
        %swap3A_1257 = arith.constant 0 : i32
        %swap3A_1258 = tpu.memref_slice %arg10[%rem3A_566, %swap3A_1256, %swap3A_1257] : memref<6x200x64xf32, #tpu.memory_space<vmem>> -> memref<1x200x64xf32, #tpu.memory_space<vmem>>
        %swap3A_1259 = tpu.memref_squeeze %swap3A_1258 : memref<1x200x64xf32, #tpu.memory_space<vmem>> -> memref<200x64xf32, #tpu.memory_space<vmem>>
        %swap3A_1260 = arith.index_cast %add3A_1229 : i32 to index
        %swap3A_1261 = arith.constant 32 : index
        %swap3A_1262 = tpu.vector_load %swap3A_1259[%swap3A_1260, %swap3A_1261] {strides = array<i32>} : memref<200x64xf32, #tpu.memory_space<vmem>>, vector<16xf32>,
        tpu.vector_store %swap3A_1259[%swap3A_1260, %swap3A_1261], %gather3A_1255 {add = true, strides = array<i32>} : memref<200x64xf32, #tpu.memory_space<vmem>>, vector<16xf32>,
        %add3A_1263 = arith.constant 48 : i32
        %add3A_1264 = vector.broadcast %add3A_1263 : i32 to vector<16xi32>
        %add3A_1265 = arith.addi %iota3A, %add3A_1264 : vector<16xi32>
        %gather3A_1266 = tpu.vector_load_idx %arg7[%broadcast_in_dim3A_1227, %add3A_1265] : memref<512x64xf32, #tpu.memory_space<vmem>>[vector<16xi32>, vector<16xi32>], vector<16xf32>,
        %swap3A_1267 = arith.constant 0 : i32
        %swap3A_1268 = arith.constant 0 : i32
        %swap3A_1269 = tpu.memref_slice %arg10[%rem3A_566, %swap3A_1267, %swap3A_1268] : memref<6x200x64xf32, #tpu.memory_space<vmem>> -> memref<1x200x64xf32, #tpu.memory_space<vmem>>
        %swap3A_1270 = tpu.memref_squeeze %swap3A_1269 : memref<1x200x64xf32, #tpu.memory_space<vmem>> -> memref<200x64xf32, #tpu.memory_space<vmem>>
        %swap3A_1271 = arith.index_cast %add3A_1229 : i32 to index
        %swap3A_1272 = arith.constant 48 : index
        %swap3A_1273 = tpu.vector_load %swap3A_1270[%swap3A_1271, %swap3A_1272] {strides = array<i32>} : memref<200x64xf32, #tpu.memory_space<vmem>>, vector<16xf32>,
        tpu.vector_store %swap3A_1270[%swap3A_1271, %swap3A_1272], %gather3A_1266 {add = true, strides = array<i32>} : memref<200x64xf32, #tpu.memory_space<vmem>>, vector<16xf32>,
        %slice3A_1274 = vector.extract_strided_slice %get3A_1077 {offsets = [4], sizes = [1], strides = [1]} : vector<16xi32> to vector<1xi32>
        %squeeze3A_1275 = vector.extract %slice3A_1274[0] : i32 from vector<1xi32>
        %broadcast_in_dim3A_1276 = vector.broadcast %squeeze3A_1275 : i32 to vector<16xi32>
        %add3A_1277 = arith.constant 4 : i32
        %add3A_1278 = arith.addi %mul3A_1072, %add3A_1277 : i32
        %add3A_1279 = arith.constant 0 : i32
        %add3A_1280 = vector.broadcast %add3A_1279 : i32 to vector<16xi32>
        %add3A_1281 = arith.addi %iota3A, %add3A_1280 : vector<16xi32>
        %gather3A_1282 = tpu.vector_load_idx %arg7[%broadcast_in_dim3A_1276, %add3A_1281] : memref<512x64xf32, #tpu.memory_space<vmem>>[vector<16xi32>, vector<16xi32>], vector<16xf32>,
        %swap3A_1283 = arith.constant 0 : i32
        %swap3A_1284 = arith.constant 0 : i32
        %swap3A_1285 = tpu.memref_slice %arg10[%rem3A_566, %swap3A_1283, %swap3A_1284] : memref<6x200x64xf32, #tpu.memory_space<vmem>> -> memref<1x200x64xf32, #tpu.memory_space<vmem>>
        %swap3A_1286 = tpu.memref_squeeze %swap3A_1285 : memref<1x200x64xf32, #tpu.memory_space<vmem>> -> memref<200x64xf32, #tpu.memory_space<vmem>>
        %swap3A_1287 = arith.index_cast %add3A_1278 : i32 to index
        %swap3A_1288 = arith.constant 0 : index
        %swap3A_1289 = tpu.vector_load %swap3A_1286[%swap3A_1287, %swap3A_1288] {strides = array<i32>} : memref<200x64xf32, #tpu.memory_space<vmem>>, vector<16xf32>,
        tpu.vector_store %swap3A_1286[%swap3A_1287, %swap3A_1288], %gather3A_1282 {add = true, strides = array<i32>} : memref<200x64xf32, #tpu.memory_space<vmem>>, vector<16xf32>,
        %add3A_1290 = arith.constant 16 : i32
        %add3A_1291 = vector.broadcast %add3A_1290 : i32 to vector<16xi32>
        %add3A_1292 = arith.addi %iota3A, %add3A_1291 : vector<16xi32>
        %gather3A_1293 = tpu.vector_load_idx %arg7[%broadcast_in_dim3A_1276, %add3A_1292] : memref<512x64xf32, #tpu.memory_space<vmem>>[vector<16xi32>, vector<16xi32>], vector<16xf32>,
        %swap3A_1294 = arith.constant 0 : i32
        %swap3A_1295 = arith.constant 0 : i32
        %swap3A_1296 = tpu.memref_slice %arg10[%rem3A_566, %swap3A_1294, %swap3A_1295] : memref<6x200x64xf32, #tpu.memory_space<vmem>> -> memref<1x200x64xf32, #tpu.memory_space<vmem>>
        %swap3A_1297 = tpu.memref_squeeze %swap3A_1296 : memref<1x200x64xf32, #tpu.memory_space<vmem>> -> memref<200x64xf32, #tpu.memory_space<vmem>>
        %swap3A_1298 = arith.index_cast %add3A_1278 : i32 to index
        %swap3A_1299 = arith.constant 16 : index
        %swap3A_1300 = tpu.vector_load %swap3A_1297[%swap3A_1298, %swap3A_1299] {strides = array<i32>} : memref<200x64xf32, #tpu.memory_space<vmem>>, vector<16xf32>,
        tpu.vector_store %swap3A_1297[%swap3A_1298, %swap3A_1299], %gather3A_1293 {add = true, strides = array<i32>} : memref<200x64xf32, #tpu.memory_space<vmem>>, vector<16xf32>,
        %add3A_1301 = arith.constant 32 : i32
        %add3A_1302 = vector.broadcast %add3A_1301 : i32 to vector<16xi32>
        %add3A_1303 = arith.addi %iota3A, %add3A_1302 : vector<16xi32>
        %gather3A_1304 = tpu.vector_load_idx %arg7[%broadcast_in_dim3A_1276, %add3A_1303] : memref<512x64xf32, #tpu.memory_space<vmem>>[vector<16xi32>, vector<16xi32>], vector<16xf32>,
        %swap3A_1305 = arith.constant 0 : i32
        %swap3A_1306 = arith.constant 0 : i32
        %swap3A_1307 = tpu.memref_slice %arg10[%rem3A_566, %swap3A_1305, %swap3A_1306] : memref<6x200x64xf32, #tpu.memory_space<vmem>> -> memref<1x200x64xf32, #tpu.memory_space<vmem>>
        %swap3A_1308 = tpu.memref_squeeze %swap3A_1307 : memref<1x200x64xf32, #tpu.memory_space<vmem>> -> memref<200x64xf32, #tpu.memory_space<vmem>>
        %swap3A_1309 = arith.index_cast %add3A_1278 : i32 to index
        %swap3A_1310 = arith.constant 32 : index
        %swap3A_1311 = tpu.vector_load %swap3A_1308[%swap3A_1309, %swap3A_1310] {strides = array<i32>} : memref<200x64xf32, #tpu.memory_space<vmem>>, vector<16xf32>,
        tpu.vector_store %swap3A_1308[%swap3A_1309, %swap3A_1310], %gather3A_1304 {add = true, strides = array<i32>} : memref<200x64xf32, #tpu.memory_space<vmem>>, vector<16xf32>,
        %add3A_1312 = arith.constant 48 : i32
        %add3A_1313 = vector.broadcast %add3A_1312 : i32 to vector<16xi32>
        %add3A_1314 = arith.addi %iota3A, %add3A_1313 : vector<16xi32>
        %gather3A_1315 = tpu.vector_load_idx %arg7[%broadcast_in_dim3A_1276, %add3A_1314] : memref<512x64xf32, #tpu.memory_space<vmem>>[vector<16xi32>, vector<16xi32>], vector<16xf32>,
        %swap3A_1316 = arith.constant 0 : i32
        %swap3A_1317 = arith.constant 0 : i32
        %swap3A_1318 = tpu.memref_slice %arg10[%rem3A_566, %swap3A_1316, %swap3A_1317] : memref<6x200x64xf32, #tpu.memory_space<vmem>> -> memref<1x200x64xf32, #tpu.memory_space<vmem>>
        %swap3A_1319 = tpu.memref_squeeze %swap3A_1318 : memref<1x200x64xf32, #tpu.memory_space<vmem>> -> memref<200x64xf32, #tpu.memory_space<vmem>>
        %swap3A_1320 = arith.index_cast %add3A_1278 : i32 to index
        %swap3A_1321 = arith.constant 48 : index
        %swap3A_1322 = tpu.vector_load %swap3A_1319[%swap3A_1320, %swap3A_1321] {strides = array<i32>} : memref<200x64xf32, #tpu.memory_space<vmem>>, vector<16xf32>,
        tpu.vector_store %swap3A_1319[%swap3A_1320, %swap3A_1321], %gather3A_1315 {add = true, strides = array<i32>} : memref<200x64xf32, #tpu.memory_space<vmem>>, vector<16xf32>,
        %slice3A_1323 = vector.extract_strided_slice %get3A_1077 {offsets = [5], sizes = [1], strides = [1]} : vector<16xi32> to vector<1xi32>
        %squeeze3A_1324 = vector.extract %slice3A_1323[0] : i32 from vector<1xi32>
        %broadcast_in_dim3A_1325 = vector.broadcast %squeeze3A_1324 : i32 to vector<16xi32>
        %add3A_1326 = arith.constant 5 : i32
        %add3A_1327 = arith.addi %mul3A_1072, %add3A_1326 : i32
        %add3A_1328 = arith.constant 0 : i32
        %add3A_1329 = vector.broadcast %add3A_1328 : i32 to vector<16xi32>
        %add3A_1330 = arith.addi %iota3A, %add3A_1329 : vector<16xi32>
        %gather3A_1331 = tpu.vector_load_idx %arg7[%broadcast_in_dim3A_1325, %add3A_1330] : memref<512x64xf32, #tpu.memory_space<vmem>>[vector<16xi32>, vector<16xi32>], vector<16xf32>,
        %swap3A_1332 = arith.constant 0 : i32
        %swap3A_1333 = arith.constant 0 : i32
        %swap3A_1334 = tpu.memref_slice %arg10[%rem3A_566, %swap3A_1332, %swap3A_1333] : memref<6x200x64xf32, #tpu.memory_space<vmem>> -> memref<1x200x64xf32, #tpu.memory_space<vmem>>
        %swap3A_1335 = tpu.memref_squeeze %swap3A_1334 : memref<1x200x64xf32, #tpu.memory_space<vmem>> -> memref<200x64xf32, #tpu.memory_space<vmem>>
        %swap3A_1336 = arith.index_cast %add3A_1327 : i32 to index
        %swap3A_1337 = arith.constant 0 : index
        %swap3A_1338 = tpu.vector_load %swap3A_1335[%swap3A_1336, %swap3A_1337] {strides = array<i32>} : memref<200x64xf32, #tpu.memory_space<vmem>>, vector<16xf32>,
        tpu.vector_store %swap3A_1335[%swap3A_1336, %swap3A_1337], %gather3A_1331 {add = true, strides = array<i32>} : memref<200x64xf32, #tpu.memory_space<vmem>>, vector<16xf32>,
        %add3A_1339 = arith.constant 16 : i32
        %add3A_1340 = vector.broadcast %add3A_1339 : i32 to vector<16xi32>
        %add3A_1341 = arith.addi %iota3A, %add3A_1340 : vector<16xi32>
        %gather3A_1342 = tpu.vector_load_idx %arg7[%broadcast_in_dim3A_1325, %add3A_1341] : memref<512x64xf32, #tpu.memory_space<vmem>>[vector<16xi32>, vector<16xi32>], vector<16xf32>,
        %swap3A_1343 = arith.constant 0 : i32
        %swap3A_1344 = arith.constant 0 : i32
        %swap3A_1345 = tpu.memref_slice %arg10[%rem3A_566, %swap3A_1343, %swap3A_1344] : memref<6x200x64xf32, #tpu.memory_space<vmem>> -> memref<1x200x64xf32, #tpu.memory_space<vmem>>
        %swap3A_1346 = tpu.memref_squeeze %swap3A_1345 : memref<1x200x64xf32, #tpu.memory_space<vmem>> -> memref<200x64xf32, #tpu.memory_space<vmem>>
        %swap3A_1347 = arith.index_cast %add3A_1327 : i32 to index
        %swap3A_1348 = arith.constant 16 : index
        %swap3A_1349 = tpu.vector_load %swap3A_1346[%swap3A_1347, %swap3A_1348] {strides = array<i32>} : memref<200x64xf32, #tpu.memory_space<vmem>>, vector<16xf32>,
        tpu.vector_store %swap3A_1346[%swap3A_1347, %swap3A_1348], %gather3A_1342 {add = true, strides = array<i32>} : memref<200x64xf32, #tpu.memory_space<vmem>>, vector<16xf32>,
        %add3A_1350 = arith.constant 32 : i32
        %add3A_1351 = vector.broadcast %add3A_1350 : i32 to vector<16xi32>
        %add3A_1352 = arith.addi %iota3A, %add3A_1351 : vector<16xi32>
        %gather3A_1353 = tpu.vector_load_idx %arg7[%broadcast_in_dim3A_1325, %add3A_1352] : memref<512x64xf32, #tpu.memory_space<vmem>>[vector<16xi32>, vector<16xi32>], vector<16xf32>,
        %swap3A_1354 = arith.constant 0 : i32
        %swap3A_1355 = arith.constant 0 : i32
        %swap3A_1356 = tpu.memref_slice %arg10[%rem3A_566, %swap3A_1354, %swap3A_1355] : memref<6x200x64xf32, #tpu.memory_space<vmem>> -> memref<1x200x64xf32, #tpu.memory_space<vmem>>
        %swap3A_1357 = tpu.memref_squeeze %swap3A_1356 : memref<1x200x64xf32, #tpu.memory_space<vmem>> -> memref<200x64xf32, #tpu.memory_space<vmem>>
        %swap3A_1358 = arith.index_cast %add3A_1327 : i32 to index
        %swap3A_1359 = arith.constant 32 : index
        %swap3A_1360 = tpu.vector_load %swap3A_1357[%swap3A_1358, %swap3A_1359] {strides = array<i32>} : memref<200x64xf32, #tpu.memory_space<vmem>>, vector<16xf32>,
        tpu.vector_store %swap3A_1357[%swap3A_1358, %swap3A_1359], %gather3A_1353 {add = true, strides = array<i32>} : memref<200x64xf32, #tpu.memory_space<vmem>>, vector<16xf32>,
        %add3A_1361 = arith.constant 48 : i32
        %add3A_1362 = vector.broadcast %add3A_1361 : i32 to vector<16xi32>
        %add3A_1363 = arith.addi %iota3A, %add3A_1362 : vector<16xi32>
        %gather3A_1364 = tpu.vector_load_idx %arg7[%broadcast_in_dim3A_1325, %add3A_1363] : memref<512x64xf32, #tpu.memory_space<vmem>>[vector<16xi32>, vector<16xi32>], vector<16xf32>,
        %swap3A_1365 = arith.constant 0 : i32
        %swap3A_1366 = arith.constant 0 : i32
        %swap3A_1367 = tpu.memref_slice %arg10[%rem3A_566, %swap3A_1365, %swap3A_1366] : memref<6x200x64xf32, #tpu.memory_space<vmem>> -> memref<1x200x64xf32, #tpu.memory_space<vmem>>
        %swap3A_1368 = tpu.memref_squeeze %swap3A_1367 : memref<1x200x64xf32, #tpu.memory_space<vmem>> -> memref<200x64xf32, #tpu.memory_space<vmem>>
        %swap3A_1369 = arith.index_cast %add3A_1327 : i32 to index
        %swap3A_1370 = arith.constant 48 : index
        %swap3A_1371 = tpu.vector_load %swap3A_1368[%swap3A_1369, %swap3A_1370] {strides = array<i32>} : memref<200x64xf32, #tpu.memory_space<vmem>>, vector<16xf32>,
        tpu.vector_store %swap3A_1368[%swap3A_1369, %swap3A_1370], %gather3A_1364 {add = true, strides = array<i32>} : memref<200x64xf32, #tpu.memory_space<vmem>>, vector<16xf32>,
        %slice3A_1372 = vector.extract_strided_slice %get3A_1077 {offsets = [6], sizes = [1], strides = [1]} : vector<16xi32> to vector<1xi32>
        %squeeze3A_1373 = vector.extract %slice3A_1372[0] : i32 from vector<1xi32>
        %broadcast_in_dim3A_1374 = vector.broadcast %squeeze3A_1373 : i32 to vector<16xi32>
        %add3A_1375 = arith.constant 6 : i32
        %add3A_1376 = arith.addi %mul3A_1072, %add3A_1375 : i32
        %add3A_1377 = arith.constant 0 : i32
        %add3A_1378 = vector.broadcast %add3A_1377 : i32 to vector<16xi32>
        %add3A_1379 = arith.addi %iota3A, %add3A_1378 : vector<16xi32>
        %gather3A_1380 = tpu.vector_load_idx %arg7[%broadcast_in_dim3A_1374, %add3A_1379] : memref<512x64xf32, #tpu.memory_space<vmem>>[vector<16xi32>, vector<16xi32>], vector<16xf32>,
        %swap3A_1381 = arith.constant 0 : i32
        %swap3A_1382 = arith.constant 0 : i32
        %swap3A_1383 = tpu.memref_slice %arg10[%rem3A_566, %swap3A_1381, %swap3A_1382] : memref<6x200x64xf32, #tpu.memory_space<vmem>> -> memref<1x200x64xf32, #tpu.memory_space<vmem>>
        %swap3A_1384 = tpu.memref_squeeze %swap3A_1383 : memref<1x200x64xf32, #tpu.memory_space<vmem>> -> memref<200x64xf32, #tpu.memory_space<vmem>>
        %swap3A_1385 = arith.index_cast %add3A_1376 : i32 to index
        %swap3A_1386 = arith.constant 0 : index
        %swap3A_1387 = tpu.vector_load %swap3A_1384[%swap3A_1385, %swap3A_1386] {strides = array<i32>} : memref<200x64xf32, #tpu.memory_space<vmem>>, vector<16xf32>,
        tpu.vector_store %swap3A_1384[%swap3A_1385, %swap3A_1386], %gather3A_1380 {add = true, strides = array<i32>} : memref<200x64xf32, #tpu.memory_space<vmem>>, vector<16xf32>,
        %add3A_1388 = arith.constant 16 : i32
        %add3A_1389 = vector.broadcast %add3A_1388 : i32 to vector<16xi32>
        %add3A_1390 = arith.addi %iota3A, %add3A_1389 : vector<16xi32>
        %gather3A_1391 = tpu.vector_load_idx %arg7[%broadcast_in_dim3A_1374, %add3A_1390] : memref<512x64xf32, #tpu.memory_space<vmem>>[vector<16xi32>, vector<16xi32>], vector<16xf32>,
        %swap3A_1392 = arith.constant 0 : i32
        %swap3A_1393 = arith.constant 0 : i32
        %swap3A_1394 = tpu.memref_slice %arg10[%rem3A_566, %swap3A_1392, %swap3A_1393] : memref<6x200x64xf32, #tpu.memory_space<vmem>> -> memref<1x200x64xf32, #tpu.memory_space<vmem>>
        %swap3A_1395 = tpu.memref_squeeze %swap3A_1394 : memref<1x200x64xf32, #tpu.memory_space<vmem>> -> memref<200x64xf32, #tpu.memory_space<vmem>>
        %swap3A_1396 = arith.index_cast %add3A_1376 : i32 to index
        %swap3A_1397 = arith.constant 16 : index
        %swap3A_1398 = tpu.vector_load %swap3A_1395[%swap3A_1396, %swap3A_1397] {strides = array<i32>} : memref<200x64xf32, #tpu.memory_space<vmem>>, vector<16xf32>,
        tpu.vector_store %swap3A_1395[%swap3A_1396, %swap3A_1397], %gather3A_1391 {add = true, strides = array<i32>} : memref<200x64xf32, #tpu.memory_space<vmem>>, vector<16xf32>,
        %add3A_1399 = arith.constant 32 : i32
        %add3A_1400 = vector.broadcast %add3A_1399 : i32 to vector<16xi32>
        %add3A_1401 = arith.addi %iota3A, %add3A_1400 : vector<16xi32>
        %gather3A_1402 = tpu.vector_load_idx %arg7[%broadcast_in_dim3A_1374, %add3A_1401] : memref<512x64xf32, #tpu.memory_space<vmem>>[vector<16xi32>, vector<16xi32>], vector<16xf32>,
        %swap3A_1403 = arith.constant 0 : i32
        %swap3A_1404 = arith.constant 0 : i32
        %swap3A_1405 = tpu.memref_slice %arg10[%rem3A_566, %swap3A_1403, %swap3A_1404] : memref<6x200x64xf32, #tpu.memory_space<vmem>> -> memref<1x200x64xf32, #tpu.memory_space<vmem>>
        %swap3A_1406 = tpu.memref_squeeze %swap3A_1405 : memref<1x200x64xf32, #tpu.memory_space<vmem>> -> memref<200x64xf32, #tpu.memory_space<vmem>>
        %swap3A_1407 = arith.index_cast %add3A_1376 : i32 to index
        %swap3A_1408 = arith.constant 32 : index
        %swap3A_1409 = tpu.vector_load %swap3A_1406[%swap3A_1407, %swap3A_1408] {strides = array<i32>} : memref<200x64xf32, #tpu.memory_space<vmem>>, vector<16xf32>,
        tpu.vector_store %swap3A_1406[%swap3A_1407, %swap3A_1408], %gather3A_1402 {add = true, strides = array<i32>} : memref<200x64xf32, #tpu.memory_space<vmem>>, vector<16xf32>,
        %add3A_1410 = arith.constant 48 : i32
        %add3A_1411 = vector.broadcast %add3A_1410 : i32 to vector<16xi32>
        %add3A_1412 = arith.addi %iota3A, %add3A_1411 : vector<16xi32>
        %gather3A_1413 = tpu.vector_load_idx %arg7[%broadcast_in_dim3A_1374, %add3A_1412] : memref<512x64xf32, #tpu.memory_space<vmem>>[vector<16xi32>, vector<16xi32>], vector<16xf32>,
        %swap3A_1414 = arith.constant 0 : i32
        %swap3A_1415 = arith.constant 0 : i32
        %swap3A_1416 = tpu.memref_slice %arg10[%rem3A_566, %swap3A_1414, %swap3A_1415] : memref<6x200x64xf32, #tpu.memory_space<vmem>> -> memref<1x200x64xf32, #tpu.memory_space<vmem>>
        %swap3A_1417 = tpu.memref_squeeze %swap3A_1416 : memref<1x200x64xf32, #tpu.memory_space<vmem>> -> memref<200x64xf32, #tpu.memory_space<vmem>>
        %swap3A_1418 = arith.index_cast %add3A_1376 : i32 to index
        %swap3A_1419 = arith.constant 48 : index
        %swap3A_1420 = tpu.vector_load %swap3A_1417[%swap3A_1418, %swap3A_1419] {strides = array<i32>} : memref<200x64xf32, #tpu.memory_space<vmem>>, vector<16xf32>,
        tpu.vector_store %swap3A_1417[%swap3A_1418, %swap3A_1419], %gather3A_1413 {add = true, strides = array<i32>} : memref<200x64xf32, #tpu.memory_space<vmem>>, vector<16xf32>,
        %slice3A_1421 = vector.extract_strided_slice %get3A_1077 {offsets = [7], sizes = [1], strides = [1]} : vector<16xi32> to vector<1xi32>
        %squeeze3A_1422 = vector.extract %slice3A_1421[0] : i32 from vector<1xi32>
        %broadcast_in_dim3A_1423 = vector.broadcast %squeeze3A_1422 : i32 to vector<16xi32>
        %add3A_1424 = arith.constant 7 : i32
        %add3A_1425 = arith.addi %mul3A_1072, %add3A_1424 : i32
        %add3A_1426 = arith.constant 0 : i32
        %add3A_1427 = vector.broadcast %add3A_1426 : i32 to vector<16xi32>
        %add3A_1428 = arith.addi %iota3A, %add3A_1427 : vector<16xi32>
        %gather3A_1429 = tpu.vector_load_idx %arg7[%broadcast_in_dim3A_1423, %add3A_1428] : memref<512x64xf32, #tpu.memory_space<vmem>>[vector<16xi32>, vector<16xi32>], vector<16xf32>,
        %swap3A_1430 = arith.constant 0 : i32
        %swap3A_1431 = arith.constant 0 : i32
        %swap3A_1432 = tpu.memref_slice %arg10[%rem3A_566, %swap3A_1430, %swap3A_1431] : memref<6x200x64xf32, #tpu.memory_space<vmem>> -> memref<1x200x64xf32, #tpu.memory_space<vmem>>
        %swap3A_1433 = tpu.memref_squeeze %swap3A_1432 : memref<1x200x64xf32, #tpu.memory_space<vmem>> -> memref<200x64xf32, #tpu.memory_space<vmem>>
        %swap3A_1434 = arith.index_cast %add3A_1425 : i32 to index
        %swap3A_1435 = arith.constant 0 : index
        %swap3A_1436 = tpu.vector_load %swap3A_1433[%swap3A_1434, %swap3A_1435] {strides = array<i32>} : memref<200x64xf32, #tpu.memory_space<vmem>>, vector<16xf32>,
        tpu.vector_store %swap3A_1433[%swap3A_1434, %swap3A_1435], %gather3A_1429 {add = true, strides = array<i32>} : memref<200x64xf32, #tpu.memory_space<vmem>>, vector<16xf32>,
        %add3A_1437 = arith.constant 16 : i32
        %add3A_1438 = vector.broadcast %add3A_1437 : i32 to vector<16xi32>
        %add3A_1439 = arith.addi %iota3A, %add3A_1438 : vector<16xi32>
        %gather3A_1440 = tpu.vector_load_idx %arg7[%broadcast_in_dim3A_1423, %add3A_1439] : memref<512x64xf32, #tpu.memory_space<vmem>>[vector<16xi32>, vector<16xi32>], vector<16xf32>,
        %swap3A_1441 = arith.constant 0 : i32
        %swap3A_1442 = arith.constant 0 : i32
        %swap3A_1443 = tpu.memref_slice %arg10[%rem3A_566, %swap3A_1441, %swap3A_1442] : memref<6x200x64xf32, #tpu.memory_space<vmem>> -> memref<1x200x64xf32, #tpu.memory_space<vmem>>
        %swap3A_1444 = tpu.memref_squeeze %swap3A_1443 : memref<1x200x64xf32, #tpu.memory_space<vmem>> -> memref<200x64xf32, #tpu.memory_space<vmem>>
        %swap3A_1445 = arith.index_cast %add3A_1425 : i32 to index
        %swap3A_1446 = arith.constant 16 : index
        %swap3A_1447 = tpu.vector_load %swap3A_1444[%swap3A_1445, %swap3A_1446] {strides = array<i32>} : memref<200x64xf32, #tpu.memory_space<vmem>>, vector<16xf32>,
        tpu.vector_store %swap3A_1444[%swap3A_1445, %swap3A_1446], %gather3A_1440 {add = true, strides = array<i32>} : memref<200x64xf32, #tpu.memory_space<vmem>>, vector<16xf32>,
        %add3A_1448 = arith.constant 32 : i32
        %add3A_1449 = vector.broadcast %add3A_1448 : i32 to vector<16xi32>
        %add3A_1450 = arith.addi %iota3A, %add3A_1449 : vector<16xi32>
        %gather3A_1451 = tpu.vector_load_idx %arg7[%broadcast_in_dim3A_1423, %add3A_1450] : memref<512x64xf32, #tpu.memory_space<vmem>>[vector<16xi32>, vector<16xi32>], vector<16xf32>,
        %swap3A_1452 = arith.constant 0 : i32
        %swap3A_1453 = arith.constant 0 : i32
        %swap3A_1454 = tpu.memref_slice %arg10[%rem3A_566, %swap3A_1452, %swap3A_1453] : memref<6x200x64xf32, #tpu.memory_space<vmem>> -> memref<1x200x64xf32, #tpu.memory_space<vmem>>
        %swap3A_1455 = tpu.memref_squeeze %swap3A_1454 : memref<1x200x64xf32, #tpu.memory_space<vmem>> -> memref<200x64xf32, #tpu.memory_space<vmem>>
        %swap3A_1456 = arith.index_cast %add3A_1425 : i32 to index
        %swap3A_1457 = arith.constant 32 : index
        %swap3A_1458 = tpu.vector_load %swap3A_1455[%swap3A_1456, %swap3A_1457] {strides = array<i32>} : memref<200x64xf32, #tpu.memory_space<vmem>>, vector<16xf32>,
        tpu.vector_store %swap3A_1455[%swap3A_1456, %swap3A_1457], %gather3A_1451 {add = true, strides = array<i32>} : memref<200x64xf32, #tpu.memory_space<vmem>>, vector<16xf32>,
        %add3A_1459 = arith.constant 48 : i32
        %add3A_1460 = vector.broadcast %add3A_1459 : i32 to vector<16xi32>
        %add3A_1461 = arith.addi %iota3A, %add3A_1460 : vector<16xi32>
        %gather3A_1462 = tpu.vector_load_idx %arg7[%broadcast_in_dim3A_1423, %add3A_1461] : memref<512x64xf32, #tpu.memory_space<vmem>>[vector<16xi32>, vector<16xi32>], vector<16xf32>,
        %swap3A_1463 = arith.constant 0 : i32
        %swap3A_1464 = arith.constant 0 : i32
        %swap3A_1465 = tpu.memref_slice %arg10[%rem3A_566, %swap3A_1463, %swap3A_1464] : memref<6x200x64xf32, #tpu.memory_space<vmem>> -> memref<1x200x64xf32, #tpu.memory_space<vmem>>
        %swap3A_1466 = tpu.memref_squeeze %swap3A_1465 : memref<1x200x64xf32, #tpu.memory_space<vmem>> -> memref<200x64xf32, #tpu.memory_space<vmem>>
        %swap3A_1467 = arith.index_cast %add3A_1425 : i32 to index
        %swap3A_1468 = arith.constant 48 : index
        %swap3A_1469 = tpu.vector_load %swap3A_1466[%swap3A_1467, %swap3A_1468] {strides = array<i32>} : memref<200x64xf32, #tpu.memory_space<vmem>>, vector<16xf32>,
        tpu.vector_store %swap3A_1466[%swap3A_1467, %swap3A_1468], %gather3A_1462 {add = true, strides = array<i32>} : memref<200x64xf32, #tpu.memory_space<vmem>>, vector<16xf32>,
        %slice3A_1470 = vector.extract_strided_slice %get3A_1077 {offsets = [8], sizes = [1], strides = [1]} : vector<16xi32> to vector<1xi32>
        %squeeze3A_1471 = vector.extract %slice3A_1470[0] : i32 from vector<1xi32>
        %broadcast_in_dim3A_1472 = vector.broadcast %squeeze3A_1471 : i32 to vector<16xi32>
        %add3A_1473 = arith.constant 8 : i32
        %add3A_1474 = arith.addi %mul3A_1072, %add3A_1473 : i32
        %add3A_1475 = arith.constant 0 : i32
        %add3A_1476 = vector.broadcast %add3A_1475 : i32 to vector<16xi32>
        %add3A_1477 = arith.addi %iota3A, %add3A_1476 : vector<16xi32>
        %gather3A_1478 = tpu.vector_load_idx %arg7[%broadcast_in_dim3A_1472, %add3A_1477] : memref<512x64xf32, #tpu.memory_space<vmem>>[vector<16xi32>, vector<16xi32>], vector<16xf32>,
        %swap3A_1479 = arith.constant 0 : i32
        %swap3A_1480 = arith.constant 0 : i32
        %swap3A_1481 = tpu.memref_slice %arg10[%rem3A_566, %swap3A_1479, %swap3A_1480] : memref<6x200x64xf32, #tpu.memory_space<vmem>> -> memref<1x200x64xf32, #tpu.memory_space<vmem>>
        %swap3A_1482 = tpu.memref_squeeze %swap3A_1481 : memref<1x200x64xf32, #tpu.memory_space<vmem>> -> memref<200x64xf32, #tpu.memory_space<vmem>>
        %swap3A_1483 = arith.index_cast %add3A_1474 : i32 to index
        %swap3A_1484 = arith.constant 0 : index
        %swap3A_1485 = tpu.vector_load %swap3A_1482[%swap3A_1483, %swap3A_1484] {strides = array<i32>} : memref<200x64xf32, #tpu.memory_space<vmem>>, vector<16xf32>,
        tpu.vector_store %swap3A_1482[%swap3A_1483, %swap3A_1484], %gather3A_1478 {add = true, strides = array<i32>} : memref<200x64xf32, #tpu.memory_space<vmem>>, vector<16xf32>,
        %add3A_1486 = arith.constant 16 : i32
        %add3A_1487 = vector.broadcast %add3A_1486 : i32 to vector<16xi32>
        %add3A_1488 = arith.addi %iota3A, %add3A_1487 : vector<16xi32>
        %gather3A_1489 = tpu.vector_load_idx %arg7[%broadcast_in_dim3A_1472, %add3A_1488] : memref<512x64xf32, #tpu.memory_space<vmem>>[vector<16xi32>, vector<16xi32>], vector<16xf32>,
        %swap3A_1490 = arith.constant 0 : i32
        %swap3A_1491 = arith.constant 0 : i32
        %swap3A_1492 = tpu.memref_slice %arg10[%rem3A_566, %swap3A_1490, %swap3A_1491] : memref<6x200x64xf32, #tpu.memory_space<vmem>> -> memref<1x200x64xf32, #tpu.memory_space<vmem>>
        %swap3A_1493 = tpu.memref_squeeze %swap3A_1492 : memref<1x200x64xf32, #tpu.memory_space<vmem>> -> memref<200x64xf32, #tpu.memory_space<vmem>>
        %swap3A_1494 = arith.index_cast %add3A_1474 : i32 to index
        %swap3A_1495 = arith.constant 16 : index
        %swap3A_1496 = tpu.vector_load %swap3A_1493[%swap3A_1494, %swap3A_1495] {strides = array<i32>} : memref<200x64xf32, #tpu.memory_space<vmem>>, vector<16xf32>,
        tpu.vector_store %swap3A_1493[%swap3A_1494, %swap3A_1495], %gather3A_1489 {add = true, strides = array<i32>} : memref<200x64xf32, #tpu.memory_space<vmem>>, vector<16xf32>,
        %add3A_1497 = arith.constant 32 : i32
        %add3A_1498 = vector.broadcast %add3A_1497 : i32 to vector<16xi32>
        %add3A_1499 = arith.addi %iota3A, %add3A_1498 : vector<16xi32>
        %gather3A_1500 = tpu.vector_load_idx %arg7[%broadcast_in_dim3A_1472, %add3A_1499] : memref<512x64xf32, #tpu.memory_space<vmem>>[vector<16xi32>, vector<16xi32>], vector<16xf32>,
        %swap3A_1501 = arith.constant 0 : i32
        %swap3A_1502 = arith.constant 0 : i32
        %swap3A_1503 = tpu.memref_slice %arg10[%rem3A_566, %swap3A_1501, %swap3A_1502] : memref<6x200x64xf32, #tpu.memory_space<vmem>> -> memref<1x200x64xf32, #tpu.memory_space<vmem>>
        %swap3A_1504 = tpu.memref_squeeze %swap3A_1503 : memref<1x200x64xf32, #tpu.memory_space<vmem>> -> memref<200x64xf32, #tpu.memory_space<vmem>>
        %swap3A_1505 = arith.index_cast %add3A_1474 : i32 to index
        %swap3A_1506 = arith.constant 32 : index
        %swap3A_1507 = tpu.vector_load %swap3A_1504[%swap3A_1505, %swap3A_1506] {strides = array<i32>} : memref<200x64xf32, #tpu.memory_space<vmem>>, vector<16xf32>,
        tpu.vector_store %swap3A_1504[%swap3A_1505, %swap3A_1506], %gather3A_1500 {add = true, strides = array<i32>} : memref<200x64xf32, #tpu.memory_space<vmem>>, vector<16xf32>,
        %add3A_1508 = arith.constant 48 : i32
        %add3A_1509 = vector.broadcast %add3A_1508 : i32 to vector<16xi32>
        %add3A_1510 = arith.addi %iota3A, %add3A_1509 : vector<16xi32>
        %gather3A_1511 = tpu.vector_load_idx %arg7[%broadcast_in_dim3A_1472, %add3A_1510] : memref<512x64xf32, #tpu.memory_space<vmem>>[vector<16xi32>, vector<16xi32>], vector<16xf32>,
        %swap3A_1512 = arith.constant 0 : i32
        %swap3A_1513 = arith.constant 0 : i32
        %swap3A_1514 = tpu.memref_slice %arg10[%rem3A_566, %swap3A_1512, %swap3A_1513] : memref<6x200x64xf32, #tpu.memory_space<vmem>> -> memref<1x200x64xf32, #tpu.memory_space<vmem>>
        %swap3A_1515 = tpu.memref_squeeze %swap3A_1514 : memref<1x200x64xf32, #tpu.memory_space<vmem>> -> memref<200x64xf32, #tpu.memory_space<vmem>>
        %swap3A_1516 = arith.index_cast %add3A_1474 : i32 to index
        %swap3A_1517 = arith.constant 48 : index
        %swap3A_1518 = tpu.vector_load %swap3A_1515[%swap3A_1516, %swap3A_1517] {strides = array<i32>} : memref<200x64xf32, #tpu.memory_space<vmem>>, vector<16xf32>,
        tpu.vector_store %swap3A_1515[%swap3A_1516, %swap3A_1517], %gather3A_1511 {add = true, strides = array<i32>} : memref<200x64xf32, #tpu.memory_space<vmem>>, vector<16xf32>,
        %slice3A_1519 = vector.extract_strided_slice %get3A_1077 {offsets = [9], sizes = [1], strides = [1]} : vector<16xi32> to vector<1xi32>
        %squeeze3A_1520 = vector.extract %slice3A_1519[0] : i32 from vector<1xi32>
        %broadcast_in_dim3A_1521 = vector.broadcast %squeeze3A_1520 : i32 to vector<16xi32>
        %add3A_1522 = arith.constant 9 : i32
        %add3A_1523 = arith.addi %mul3A_1072, %add3A_1522 : i32
        %add3A_1524 = arith.constant 0 : i32
        %add3A_1525 = vector.broadcast %add3A_1524 : i32 to vector<16xi32>
        %add3A_1526 = arith.addi %iota3A, %add3A_1525 : vector<16xi32>
        %gather3A_1527 = tpu.vector_load_idx %arg7[%broadcast_in_dim3A_1521, %add3A_1526] : memref<512x64xf32, #tpu.memory_space<vmem>>[vector<16xi32>, vector<16xi32>], vector<16xf32>,
        %swap3A_1528 = arith.constant 0 : i32
        %swap3A_1529 = arith.constant 0 : i32
        %swap3A_1530 = tpu.memref_slice %arg10[%rem3A_566, %swap3A_1528, %swap3A_1529] : memref<6x200x64xf32, #tpu.memory_space<vmem>> -> memref<1x200x64xf32, #tpu.memory_space<vmem>>
        %swap3A_1531 = tpu.memref_squeeze %swap3A_1530 : memref<1x200x64xf32, #tpu.memory_space<vmem>> -> memref<200x64xf32, #tpu.memory_space<vmem>>
        %swap3A_1532 = arith.index_cast %add3A_1523 : i32 to index
        %swap3A_1533 = arith.constant 0 : index
        %swap3A_1534 = tpu.vector_load %swap3A_1531[%swap3A_1532, %swap3A_1533] {strides = array<i32>} : memref<200x64xf32, #tpu.memory_space<vmem>>, vector<16xf32>,
        tpu.vector_store %swap3A_1531[%swap3A_1532, %swap3A_1533], %gather3A_1527 {add = true, strides = array<i32>} : memref<200x64xf32, #tpu.memory_space<vmem>>, vector<16xf32>,
        %add3A_1535 = arith.constant 16 : i32
        %add3A_1536 = vector.broadcast %add3A_1535 : i32 to vector<16xi32>
        %add3A_1537 = arith.addi %iota3A, %add3A_1536 : vector<16xi32>
        %gather3A_1538 = tpu.vector_load_idx %arg7[%broadcast_in_dim3A_1521, %add3A_1537] : memref<512x64xf32, #tpu.memory_space<vmem>>[vector<16xi32>, vector<16xi32>], vector<16xf32>,
        %swap3A_1539 = arith.constant 0 : i32
        %swap3A_1540 = arith.constant 0 : i32
        %swap3A_1541 = tpu.memref_slice %arg10[%rem3A_566, %swap3A_1539, %swap3A_1540] : memref<6x200x64xf32, #tpu.memory_space<vmem>> -> memref<1x200x64xf32, #tpu.memory_space<vmem>>
        %swap3A_1542 = tpu.memref_squeeze %swap3A_1541 : memref<1x200x64xf32, #tpu.memory_space<vmem>> -> memref<200x64xf32, #tpu.memory_space<vmem>>
        %swap3A_1543 = arith.index_cast %add3A_1523 : i32 to index
        %swap3A_1544 = arith.constant 16 : index
        %swap3A_1545 = tpu.vector_load %swap3A_1542[%swap3A_1543, %swap3A_1544] {strides = array<i32>} : memref<200x64xf32, #tpu.memory_space<vmem>>, vector<16xf32>,
        tpu.vector_store %swap3A_1542[%swap3A_1543, %swap3A_1544], %gather3A_1538 {add = true, strides = array<i32>} : memref<200x64xf32, #tpu.memory_space<vmem>>, vector<16xf32>,
        %add3A_1546 = arith.constant 32 : i32
        %add3A_1547 = vector.broadcast %add3A_1546 : i32 to vector<16xi32>
        %add3A_1548 = arith.addi %iota3A, %add3A_1547 : vector<16xi32>
        %gather3A_1549 = tpu.vector_load_idx %arg7[%broadcast_in_dim3A_1521, %add3A_1548] : memref<512x64xf32, #tpu.memory_space<vmem>>[vector<16xi32>, vector<16xi32>], vector<16xf32>,
        %swap3A_1550 = arith.constant 0 : i32
        %swap3A_1551 = arith.constant 0 : i32
        %swap3A_1552 = tpu.memref_slice %arg10[%rem3A_566, %swap3A_1550, %swap3A_1551] : memref<6x200x64xf32, #tpu.memory_space<vmem>> -> memref<1x200x64xf32, #tpu.memory_space<vmem>>
        %swap3A_1553 = tpu.memref_squeeze %swap3A_1552 : memref<1x200x64xf32, #tpu.memory_space<vmem>> -> memref<200x64xf32, #tpu.memory_space<vmem>>
        %swap3A_1554 = arith.index_cast %add3A_1523 : i32 to index
        %swap3A_1555 = arith.constant 32 : index
        %swap3A_1556 = tpu.vector_load %swap3A_1553[%swap3A_1554, %swap3A_1555] {strides = array<i32>} : memref<200x64xf32, #tpu.memory_space<vmem>>, vector<16xf32>,
        tpu.vector_store %swap3A_1553[%swap3A_1554, %swap3A_1555], %gather3A_1549 {add = true, strides = array<i32>} : memref<200x64xf32, #tpu.memory_space<vmem>>, vector<16xf32>,
        %add3A_1557 = arith.constant 48 : i32
        %add3A_1558 = vector.broadcast %add3A_1557 : i32 to vector<16xi32>
        %add3A_1559 = arith.addi %iota3A, %add3A_1558 : vector<16xi32>
        %gather3A_1560 = tpu.vector_load_idx %arg7[%broadcast_in_dim3A_1521, %add3A_1559] : memref<512x64xf32, #tpu.memory_space<vmem>>[vector<16xi32>, vector<16xi32>], vector<16xf32>,
        %swap3A_1561 = arith.constant 0 : i32
        %swap3A_1562 = arith.constant 0 : i32
        %swap3A_1563 = tpu.memref_slice %arg10[%rem3A_566, %swap3A_1561, %swap3A_1562] : memref<6x200x64xf32, #tpu.memory_space<vmem>> -> memref<1x200x64xf32, #tpu.memory_space<vmem>>
        %swap3A_1564 = tpu.memref_squeeze %swap3A_1563 : memref<1x200x64xf32, #tpu.memory_space<vmem>> -> memref<200x64xf32, #tpu.memory_space<vmem>>
        %swap3A_1565 = arith.index_cast %add3A_1523 : i32 to index
        %swap3A_1566 = arith.constant 48 : index
        %swap3A_1567 = tpu.vector_load %swap3A_1564[%swap3A_1565, %swap3A_1566] {strides = array<i32>} : memref<200x64xf32, #tpu.memory_space<vmem>>, vector<16xf32>,
        tpu.vector_store %swap3A_1564[%swap3A_1565, %swap3A_1566], %gather3A_1560 {add = true, strides = array<i32>} : memref<200x64xf32, #tpu.memory_space<vmem>>, vector<16xf32>,
        %slice3A_1568 = vector.extract_strided_slice %get3A_1077 {offsets = [10], sizes = [1], strides = [1]} : vector<16xi32> to vector<1xi32>
        %squeeze3A_1569 = vector.extract %slice3A_1568[0] : i32 from vector<1xi32>
        %broadcast_in_dim3A_1570 = vector.broadcast %squeeze3A_1569 : i32 to vector<16xi32>
        %add3A_1571 = arith.constant 10 : i32
        %add3A_1572 = arith.addi %mul3A_1072, %add3A_1571 : i32
        %add3A_1573 = arith.constant 0 : i32
        %add3A_1574 = vector.broadcast %add3A_1573 : i32 to vector<16xi32>
        %add3A_1575 = arith.addi %iota3A, %add3A_1574 : vector<16xi32>
        %gather3A_1576 = tpu.vector_load_idx %arg7[%broadcast_in_dim3A_1570, %add3A_1575] : memref<512x64xf32, #tpu.memory_space<vmem>>[vector<16xi32>, vector<16xi32>], vector<16xf32>,
        %swap3A_1577 = arith.constant 0 : i32
        %swap3A_1578 = arith.constant 0 : i32
        %swap3A_1579 = tpu.memref_slice %arg10[%rem3A_566, %swap3A_1577, %swap3A_1578] : memref<6x200x64xf32, #tpu.memory_space<vmem>> -> memref<1x200x64xf32, #tpu.memory_space<vmem>>
        %swap3A_1580 = tpu.memref_squeeze %swap3A_1579 : memref<1x200x64xf32, #tpu.memory_space<vmem>> -> memref<200x64xf32, #tpu.memory_space<vmem>>
        %swap3A_1581 = arith.index_cast %add3A_1572 : i32 to index
        %swap3A_1582 = arith.constant 0 : index
        %swap3A_1583 = tpu.vector_load %swap3A_1580[%swap3A_1581, %swap3A_1582] {strides = array<i32>} : memref<200x64xf32, #tpu.memory_space<vmem>>, vector<16xf32>,
        tpu.vector_store %swap3A_1580[%swap3A_1581, %swap3A_1582], %gather3A_1576 {add = true, strides = array<i32>} : memref<200x64xf32, #tpu.memory_space<vmem>>, vector<16xf32>,
        %add3A_1584 = arith.constant 16 : i32
        %add3A_1585 = vector.broadcast %add3A_1584 : i32 to vector<16xi32>
        %add3A_1586 = arith.addi %iota3A, %add3A_1585 : vector<16xi32>
        %gather3A_1587 = tpu.vector_load_idx %arg7[%broadcast_in_dim3A_1570, %add3A_1586] : memref<512x64xf32, #tpu.memory_space<vmem>>[vector<16xi32>, vector<16xi32>], vector<16xf32>,
        %swap3A_1588 = arith.constant 0 : i32
        %swap3A_1589 = arith.constant 0 : i32
        %swap3A_1590 = tpu.memref_slice %arg10[%rem3A_566, %swap3A_1588, %swap3A_1589] : memref<6x200x64xf32, #tpu.memory_space<vmem>> -> memref<1x200x64xf32, #tpu.memory_space<vmem>>
        %swap3A_1591 = tpu.memref_squeeze %swap3A_1590 : memref<1x200x64xf32, #tpu.memory_space<vmem>> -> memref<200x64xf32, #tpu.memory_space<vmem>>
        %swap3A_1592 = arith.index_cast %add3A_1572 : i32 to index
        %swap3A_1593 = arith.constant 16 : index
        %swap3A_1594 = tpu.vector_load %swap3A_1591[%swap3A_1592, %swap3A_1593] {strides = array<i32>} : memref<200x64xf32, #tpu.memory_space<vmem>>, vector<16xf32>,
        tpu.vector_store %swap3A_1591[%swap3A_1592, %swap3A_1593], %gather3A_1587 {add = true, strides = array<i32>} : memref<200x64xf32, #tpu.memory_space<vmem>>, vector<16xf32>,
        %add3A_1595 = arith.constant 32 : i32
        %add3A_1596 = vector.broadcast %add3A_1595 : i32 to vector<16xi32>
        %add3A_1597 = arith.addi %iota3A, %add3A_1596 : vector<16xi32>
        %gather3A_1598 = tpu.vector_load_idx %arg7[%broadcast_in_dim3A_1570, %add3A_1597] : memref<512x64xf32, #tpu.memory_space<vmem>>[vector<16xi32>, vector<16xi32>], vector<16xf32>,
        %swap3A_1599 = arith.constant 0 : i32
        %swap3A_1600 = arith.constant 0 : i32
        %swap3A_1601 = tpu.memref_slice %arg10[%rem3A_566, %swap3A_1599, %swap3A_1600] : memref<6x200x64xf32, #tpu.memory_space<vmem>> -> memref<1x200x64xf32, #tpu.memory_space<vmem>>
        %swap3A_1602 = tpu.memref_squeeze %swap3A_1601 : memref<1x200x64xf32, #tpu.memory_space<vmem>> -> memref<200x64xf32, #tpu.memory_space<vmem>>
        %swap3A_1603 = arith.index_cast %add3A_1572 : i32 to index
        %swap3A_1604 = arith.constant 32 : index
        %swap3A_1605 = tpu.vector_load %swap3A_1602[%swap3A_1603, %swap3A_1604] {strides = array<i32>} : memref<200x64xf32, #tpu.memory_space<vmem>>, vector<16xf32>,
        tpu.vector_store %swap3A_1602[%swap3A_1603, %swap3A_1604], %gather3A_1598 {add = true, strides = array<i32>} : memref<200x64xf32, #tpu.memory_space<vmem>>, vector<16xf32>,
        %add3A_1606 = arith.constant 48 : i32
        %add3A_1607 = vector.broadcast %add3A_1606 : i32 to vector<16xi32>
        %add3A_1608 = arith.addi %iota3A, %add3A_1607 : vector<16xi32>
        %gather3A_1609 = tpu.vector_load_idx %arg7[%broadcast_in_dim3A_1570, %add3A_1608] : memref<512x64xf32, #tpu.memory_space<vmem>>[vector<16xi32>, vector<16xi32>], vector<16xf32>,
        %swap3A_1610 = arith.constant 0 : i32
        %swap3A_1611 = arith.constant 0 : i32
        %swap3A_1612 = tpu.memref_slice %arg10[%rem3A_566, %swap3A_1610, %swap3A_1611] : memref<6x200x64xf32, #tpu.memory_space<vmem>> -> memref<1x200x64xf32, #tpu.memory_space<vmem>>
        %swap3A_1613 = tpu.memref_squeeze %swap3A_1612 : memref<1x200x64xf32, #tpu.memory_space<vmem>> -> memref<200x64xf32, #tpu.memory_space<vmem>>
        %swap3A_1614 = arith.index_cast %add3A_1572 : i32 to index
        %swap3A_1615 = arith.constant 48 : index
        %swap3A_1616 = tpu.vector_load %swap3A_1613[%swap3A_1614, %swap3A_1615] {strides = array<i32>} : memref<200x64xf32, #tpu.memory_space<vmem>>, vector<16xf32>,
        tpu.vector_store %swap3A_1613[%swap3A_1614, %swap3A_1615], %gather3A_1609 {add = true, strides = array<i32>} : memref<200x64xf32, #tpu.memory_space<vmem>>, vector<16xf32>,
        %slice3A_1617 = vector.extract_strided_slice %get3A_1077 {offsets = [11], sizes = [1], strides = [1]} : vector<16xi32> to vector<1xi32>
        %squeeze3A_1618 = vector.extract %slice3A_1617[0] : i32 from vector<1xi32>
        %broadcast_in_dim3A_1619 = vector.broadcast %squeeze3A_1618 : i32 to vector<16xi32>
        %add3A_1620 = arith.constant 11 : i32
        %add3A_1621 = arith.addi %mul3A_1072, %add3A_1620 : i32
        %add3A_1622 = arith.constant 0 : i32
        %add3A_1623 = vector.broadcast %add3A_1622 : i32 to vector<16xi32>
        %add3A_1624 = arith.addi %iota3A, %add3A_1623 : vector<16xi32>
        %gather3A_1625 = tpu.vector_load_idx %arg7[%broadcast_in_dim3A_1619, %add3A_1624] : memref<512x64xf32, #tpu.memory_space<vmem>>[vector<16xi32>, vector<16xi32>], vector<16xf32>,
        %swap3A_1626 = arith.constant 0 : i32
        %swap3A_1627 = arith.constant 0 : i32
        %swap3A_1628 = tpu.memref_slice %arg10[%rem3A_566, %swap3A_1626, %swap3A_1627] : memref<6x200x64xf32, #tpu.memory_space<vmem>> -> memref<1x200x64xf32, #tpu.memory_space<vmem>>
        %swap3A_1629 = tpu.memref_squeeze %swap3A_1628 : memref<1x200x64xf32, #tpu.memory_space<vmem>> -> memref<200x64xf32, #tpu.memory_space<vmem>>
        %swap3A_1630 = arith.index_cast %add3A_1621 : i32 to index
        %swap3A_1631 = arith.constant 0 : index
        %swap3A_1632 = tpu.vector_load %swap3A_1629[%swap3A_1630, %swap3A_1631] {strides = array<i32>} : memref<200x64xf32, #tpu.memory_space<vmem>>, vector<16xf32>,
        tpu.vector_store %swap3A_1629[%swap3A_1630, %swap3A_1631], %gather3A_1625 {add = true, strides = array<i32>} : memref<200x64xf32, #tpu.memory_space<vmem>>, vector<16xf32>,
        %add3A_1633 = arith.constant 16 : i32
        %add3A_1634 = vector.broadcast %add3A_1633 : i32 to vector<16xi32>
        %add3A_1635 = arith.addi %iota3A, %add3A_1634 : vector<16xi32>
        %gather3A_1636 = tpu.vector_load_idx %arg7[%broadcast_in_dim3A_1619, %add3A_1635] : memref<512x64xf32, #tpu.memory_space<vmem>>[vector<16xi32>, vector<16xi32>], vector<16xf32>,
        %swap3A_1637 = arith.constant 0 : i32
        %swap3A_1638 = arith.constant 0 : i32
        %swap3A_1639 = tpu.memref_slice %arg10[%rem3A_566, %swap3A_1637, %swap3A_1638] : memref<6x200x64xf32, #tpu.memory_space<vmem>> -> memref<1x200x64xf32, #tpu.memory_space<vmem>>
        %swap3A_1640 = tpu.memref_squeeze %swap3A_1639 : memref<1x200x64xf32, #tpu.memory_space<vmem>> -> memref<200x64xf32, #tpu.memory_space<vmem>>
        %swap3A_1641 = arith.index_cast %add3A_1621 : i32 to index
        %swap3A_1642 = arith.constant 16 : index
        %swap3A_1643 = tpu.vector_load %swap3A_1640[%swap3A_1641, %swap3A_1642] {strides = array<i32>} : memref<200x64xf32, #tpu.memory_space<vmem>>, vector<16xf32>,
        tpu.vector_store %swap3A_1640[%swap3A_1641, %swap3A_1642], %gather3A_1636 {add = true, strides = array<i32>} : memref<200x64xf32, #tpu.memory_space<vmem>>, vector<16xf32>,
        %add3A_1644 = arith.constant 32 : i32
        %add3A_1645 = vector.broadcast %add3A_1644 : i32 to vector<16xi32>
        %add3A_1646 = arith.addi %iota3A, %add3A_1645 : vector<16xi32>
        %gather3A_1647 = tpu.vector_load_idx %arg7[%broadcast_in_dim3A_1619, %add3A_1646] : memref<512x64xf32, #tpu.memory_space<vmem>>[vector<16xi32>, vector<16xi32>], vector<16xf32>,
        %swap3A_1648 = arith.constant 0 : i32
        %swap3A_1649 = arith.constant 0 : i32
        %swap3A_1650 = tpu.memref_slice %arg10[%rem3A_566, %swap3A_1648, %swap3A_1649] : memref<6x200x64xf32, #tpu.memory_space<vmem>> -> memref<1x200x64xf32, #tpu.memory_space<vmem>>
        %swap3A_1651 = tpu.memref_squeeze %swap3A_1650 : memref<1x200x64xf32, #tpu.memory_space<vmem>> -> memref<200x64xf32, #tpu.memory_space<vmem>>
        %swap3A_1652 = arith.index_cast %add3A_1621 : i32 to index
        %swap3A_1653 = arith.constant 32 : index
        %swap3A_1654 = tpu.vector_load %swap3A_1651[%swap3A_1652, %swap3A_1653] {strides = array<i32>} : memref<200x64xf32, #tpu.memory_space<vmem>>, vector<16xf32>,
        tpu.vector_store %swap3A_1651[%swap3A_1652, %swap3A_1653], %gather3A_1647 {add = true, strides = array<i32>} : memref<200x64xf32, #tpu.memory_space<vmem>>, vector<16xf32>,
        %add3A_1655 = arith.constant 48 : i32
        %add3A_1656 = vector.broadcast %add3A_1655 : i32 to vector<16xi32>
        %add3A_1657 = arith.addi %iota3A, %add3A_1656 : vector<16xi32>
        %gather3A_1658 = tpu.vector_load_idx %arg7[%broadcast_in_dim3A_1619, %add3A_1657] : memref<512x64xf32, #tpu.memory_space<vmem>>[vector<16xi32>, vector<16xi32>], vector<16xf32>,
        %swap3A_1659 = arith.constant 0 : i32
        %swap3A_1660 = arith.constant 0 : i32
        %swap3A_1661 = tpu.memref_slice %arg10[%rem3A_566, %swap3A_1659, %swap3A_1660] : memref<6x200x64xf32, #tpu.memory_space<vmem>> -> memref<1x200x64xf32, #tpu.memory_space<vmem>>
        %swap3A_1662 = tpu.memref_squeeze %swap3A_1661 : memref<1x200x64xf32, #tpu.memory_space<vmem>> -> memref<200x64xf32, #tpu.memory_space<vmem>>
        %swap3A_1663 = arith.index_cast %add3A_1621 : i32 to index
        %swap3A_1664 = arith.constant 48 : index
        %swap3A_1665 = tpu.vector_load %swap3A_1662[%swap3A_1663, %swap3A_1664] {strides = array<i32>} : memref<200x64xf32, #tpu.memory_space<vmem>>, vector<16xf32>,
        tpu.vector_store %swap3A_1662[%swap3A_1663, %swap3A_1664], %gather3A_1658 {add = true, strides = array<i32>} : memref<200x64xf32, #tpu.memory_space<vmem>>, vector<16xf32>,
        %slice3A_1666 = vector.extract_strided_slice %get3A_1077 {offsets = [12], sizes = [1], strides = [1]} : vector<16xi32> to vector<1xi32>
        %squeeze3A_1667 = vector.extract %slice3A_1666[0] : i32 from vector<1xi32>
        %broadcast_in_dim3A_1668 = vector.broadcast %squeeze3A_1667 : i32 to vector<16xi32>
        %add3A_1669 = arith.constant 12 : i32
        %add3A_1670 = arith.addi %mul3A_1072, %add3A_1669 : i32
        %add3A_1671 = arith.constant 0 : i32
        %add3A_1672 = vector.broadcast %add3A_1671 : i32 to vector<16xi32>
        %add3A_1673 = arith.addi %iota3A, %add3A_1672 : vector<16xi32>
        %gather3A_1674 = tpu.vector_load_idx %arg7[%broadcast_in_dim3A_1668, %add3A_1673] : memref<512x64xf32, #tpu.memory_space<vmem>>[vector<16xi32>, vector<16xi32>], vector<16xf32>,
        %swap3A_1675 = arith.constant 0 : i32
        %swap3A_1676 = arith.constant 0 : i32
        %swap3A_1677 = tpu.memref_slice %arg10[%rem3A_566, %swap3A_1675, %swap3A_1676] : memref<6x200x64xf32, #tpu.memory_space<vmem>> -> memref<1x200x64xf32, #tpu.memory_space<vmem>>
        %swap3A_1678 = tpu.memref_squeeze %swap3A_1677 : memref<1x200x64xf32, #tpu.memory_space<vmem>> -> memref<200x64xf32, #tpu.memory_space<vmem>>
        %swap3A_1679 = arith.index_cast %add3A_1670 : i32 to index
        %swap3A_1680 = arith.constant 0 : index
        %swap3A_1681 = tpu.vector_load %swap3A_1678[%swap3A_1679, %swap3A_1680] {strides = array<i32>} : memref<200x64xf32, #tpu.memory_space<vmem>>, vector<16xf32>,
        tpu.vector_store %swap3A_1678[%swap3A_1679, %swap3A_1680], %gather3A_1674 {add = true, strides = array<i32>} : memref<200x64xf32, #tpu.memory_space<vmem>>, vector<16xf32>,
        %add3A_1682 = arith.constant 16 : i32
        %add3A_1683 = vector.broadcast %add3A_1682 : i32 to vector<16xi32>
        %add3A_1684 = arith.addi %iota3A, %add3A_1683 : vector<16xi32>
        %gather3A_1685 = tpu.vector_load_idx %arg7[%broadcast_in_dim3A_1668, %add3A_1684] : memref<512x64xf32, #tpu.memory_space<vmem>>[vector<16xi32>, vector<16xi32>], vector<16xf32>,
        %swap3A_1686 = arith.constant 0 : i32
        %swap3A_1687 = arith.constant 0 : i32
        %swap3A_1688 = tpu.memref_slice %arg10[%rem3A_566, %swap3A_1686, %swap3A_1687] : memref<6x200x64xf32, #tpu.memory_space<vmem>> -> memref<1x200x64xf32, #tpu.memory_space<vmem>>
        %swap3A_1689 = tpu.memref_squeeze %swap3A_1688 : memref<1x200x64xf32, #tpu.memory_space<vmem>> -> memref<200x64xf32, #tpu.memory_space<vmem>>
        %swap3A_1690 = arith.index_cast %add3A_1670 : i32 to index
        %swap3A_1691 = arith.constant 16 : index
        %swap3A_1692 = tpu.vector_load %swap3A_1689[%swap3A_1690, %swap3A_1691] {strides = array<i32>} : memref<200x64xf32, #tpu.memory_space<vmem>>, vector<16xf32>,
        tpu.vector_store %swap3A_1689[%swap3A_1690, %swap3A_1691], %gather3A_1685 {add = true, strides = array<i32>} : memref<200x64xf32, #tpu.memory_space<vmem>>, vector<16xf32>,
        %add3A_1693 = arith.constant 32 : i32
        %add3A_1694 = vector.broadcast %add3A_1693 : i32 to vector<16xi32>
        %add3A_1695 = arith.addi %iota3A, %add3A_1694 : vector<16xi32>
        %gather3A_1696 = tpu.vector_load_idx %arg7[%broadcast_in_dim3A_1668, %add3A_1695] : memref<512x64xf32, #tpu.memory_space<vmem>>[vector<16xi32>, vector<16xi32>], vector<16xf32>,
        %swap3A_1697 = arith.constant 0 : i32
        %swap3A_1698 = arith.constant 0 : i32
        %swap3A_1699 = tpu.memref_slice %arg10[%rem3A_566, %swap3A_1697, %swap3A_1698] : memref<6x200x64xf32, #tpu.memory_space<vmem>> -> memref<1x200x64xf32, #tpu.memory_space<vmem>>
        %swap3A_1700 = tpu.memref_squeeze %swap3A_1699 : memref<1x200x64xf32, #tpu.memory_space<vmem>> -> memref<200x64xf32, #tpu.memory_space<vmem>>
        %swap3A_1701 = arith.index_cast %add3A_1670 : i32 to index
        %swap3A_1702 = arith.constant 32 : index
        %swap3A_1703 = tpu.vector_load %swap3A_1700[%swap3A_1701, %swap3A_1702] {strides = array<i32>} : memref<200x64xf32, #tpu.memory_space<vmem>>, vector<16xf32>,
        tpu.vector_store %swap3A_1700[%swap3A_1701, %swap3A_1702], %gather3A_1696 {add = true, strides = array<i32>} : memref<200x64xf32, #tpu.memory_space<vmem>>, vector<16xf32>,
        %add3A_1704 = arith.constant 48 : i32
        %add3A_1705 = vector.broadcast %add3A_1704 : i32 to vector<16xi32>
        %add3A_1706 = arith.addi %iota3A, %add3A_1705 : vector<16xi32>
        %gather3A_1707 = tpu.vector_load_idx %arg7[%broadcast_in_dim3A_1668, %add3A_1706] : memref<512x64xf32, #tpu.memory_space<vmem>>[vector<16xi32>, vector<16xi32>], vector<16xf32>,
        %swap3A_1708 = arith.constant 0 : i32
        %swap3A_1709 = arith.constant 0 : i32
        %swap3A_1710 = tpu.memref_slice %arg10[%rem3A_566, %swap3A_1708, %swap3A_1709] : memref<6x200x64xf32, #tpu.memory_space<vmem>> -> memref<1x200x64xf32, #tpu.memory_space<vmem>>
        %swap3A_1711 = tpu.memref_squeeze %swap3A_1710 : memref<1x200x64xf32, #tpu.memory_space<vmem>> -> memref<200x64xf32, #tpu.memory_space<vmem>>
        %swap3A_1712 = arith.index_cast %add3A_1670 : i32 to index
        %swap3A_1713 = arith.constant 48 : index
        %swap3A_1714 = tpu.vector_load %swap3A_1711[%swap3A_1712, %swap3A_1713] {strides = array<i32>} : memref<200x64xf32, #tpu.memory_space<vmem>>, vector<16xf32>,
        tpu.vector_store %swap3A_1711[%swap3A_1712, %swap3A_1713], %gather3A_1707 {add = true, strides = array<i32>} : memref<200x64xf32, #tpu.memory_space<vmem>>, vector<16xf32>,
        %slice3A_1715 = vector.extract_strided_slice %get3A_1077 {offsets = [13], sizes = [1], strides = [1]} : vector<16xi32> to vector<1xi32>
        %squeeze3A_1716 = vector.extract %slice3A_1715[0] : i32 from vector<1xi32>
        %broadcast_in_dim3A_1717 = vector.broadcast %squeeze3A_1716 : i32 to vector<16xi32>
        %add3A_1718 = arith.constant 13 : i32
        %add3A_1719 = arith.addi %mul3A_1072, %add3A_1718 : i32
        %add3A_1720 = arith.constant 0 : i32
        %add3A_1721 = vector.broadcast %add3A_1720 : i32 to vector<16xi32>
        %add3A_1722 = arith.addi %iota3A, %add3A_1721 : vector<16xi32>
        %gather3A_1723 = tpu.vector_load_idx %arg7[%broadcast_in_dim3A_1717, %add3A_1722] : memref<512x64xf32, #tpu.memory_space<vmem>>[vector<16xi32>, vector<16xi32>], vector<16xf32>,
        %swap3A_1724 = arith.constant 0 : i32
        %swap3A_1725 = arith.constant 0 : i32
        %swap3A_1726 = tpu.memref_slice %arg10[%rem3A_566, %swap3A_1724, %swap3A_1725] : memref<6x200x64xf32, #tpu.memory_space<vmem>> -> memref<1x200x64xf32, #tpu.memory_space<vmem>>
        %swap3A_1727 = tpu.memref_squeeze %swap3A_1726 : memref<1x200x64xf32, #tpu.memory_space<vmem>> -> memref<200x64xf32, #tpu.memory_space<vmem>>
        %swap3A_1728 = arith.index_cast %add3A_1719 : i32 to index
        %swap3A_1729 = arith.constant 0 : index
        %swap3A_1730 = tpu.vector_load %swap3A_1727[%swap3A_1728, %swap3A_1729] {strides = array<i32>} : memref<200x64xf32, #tpu.memory_space<vmem>>, vector<16xf32>,
        tpu.vector_store %swap3A_1727[%swap3A_1728, %swap3A_1729], %gather3A_1723 {add = true, strides = array<i32>} : memref<200x64xf32, #tpu.memory_space<vmem>>, vector<16xf32>,
        %add3A_1731 = arith.constant 16 : i32
        %add3A_1732 = vector.broadcast %add3A_1731 : i32 to vector<16xi32>
        %add3A_1733 = arith.addi %iota3A, %add3A_1732 : vector<16xi32>
        %gather3A_1734 = tpu.vector_load_idx %arg7[%broadcast_in_dim3A_1717, %add3A_1733] : memref<512x64xf32, #tpu.memory_space<vmem>>[vector<16xi32>, vector<16xi32>], vector<16xf32>,
        %swap3A_1735 = arith.constant 0 : i32
        %swap3A_1736 = arith.constant 0 : i32
        %swap3A_1737 = tpu.memref_slice %arg10[%rem3A_566, %swap3A_1735, %swap3A_1736] : memref<6x200x64xf32, #tpu.memory_space<vmem>> -> memref<1x200x64xf32, #tpu.memory_space<vmem>>
        %swap3A_1738 = tpu.memref_squeeze %swap3A_1737 : memref<1x200x64xf32, #tpu.memory_space<vmem>> -> memref<200x64xf32, #tpu.memory_space<vmem>>
        %swap3A_1739 = arith.index_cast %add3A_1719 : i32 to index
        %swap3A_1740 = arith.constant 16 : index
        %swap3A_1741 = tpu.vector_load %swap3A_1738[%swap3A_1739, %swap3A_1740] {strides = array<i32>} : memref<200x64xf32, #tpu.memory_space<vmem>>, vector<16xf32>,
        tpu.vector_store %swap3A_1738[%swap3A_1739, %swap3A_1740], %gather3A_1734 {add = true, strides = array<i32>} : memref<200x64xf32, #tpu.memory_space<vmem>>, vector<16xf32>,
        %add3A_1742 = arith.constant 32 : i32
        %add3A_1743 = vector.broadcast %add3A_1742 : i32 to vector<16xi32>
        %add3A_1744 = arith.addi %iota3A, %add3A_1743 : vector<16xi32>
        %gather3A_1745 = tpu.vector_load_idx %arg7[%broadcast_in_dim3A_1717, %add3A_1744] : memref<512x64xf32, #tpu.memory_space<vmem>>[vector<16xi32>, vector<16xi32>], vector<16xf32>,
        %swap3A_1746 = arith.constant 0 : i32
        %swap3A_1747 = arith.constant 0 : i32
        %swap3A_1748 = tpu.memref_slice %arg10[%rem3A_566, %swap3A_1746, %swap3A_1747] : memref<6x200x64xf32, #tpu.memory_space<vmem>> -> memref<1x200x64xf32, #tpu.memory_space<vmem>>
        %swap3A_1749 = tpu.memref_squeeze %swap3A_1748 : memref<1x200x64xf32, #tpu.memory_space<vmem>> -> memref<200x64xf32, #tpu.memory_space<vmem>>
        %swap3A_1750 = arith.index_cast %add3A_1719 : i32 to index
        %swap3A_1751 = arith.constant 32 : index
        %swap3A_1752 = tpu.vector_load %swap3A_1749[%swap3A_1750, %swap3A_1751] {strides = array<i32>} : memref<200x64xf32, #tpu.memory_space<vmem>>, vector<16xf32>,
        tpu.vector_store %swap3A_1749[%swap3A_1750, %swap3A_1751], %gather3A_1745 {add = true, strides = array<i32>} : memref<200x64xf32, #tpu.memory_space<vmem>>, vector<16xf32>,
        %add3A_1753 = arith.constant 48 : i32
        %add3A_1754 = vector.broadcast %add3A_1753 : i32 to vector<16xi32>
        %add3A_1755 = arith.addi %iota3A, %add3A_1754 : vector<16xi32>
        %gather3A_1756 = tpu.vector_load_idx %arg7[%broadcast_in_dim3A_1717, %add3A_1755] : memref<512x64xf32, #tpu.memory_space<vmem>>[vector<16xi32>, vector<16xi32>], vector<16xf32>,
        %swap3A_1757 = arith.constant 0 : i32
        %swap3A_1758 = arith.constant 0 : i32
        %swap3A_1759 = tpu.memref_slice %arg10[%rem3A_566, %swap3A_1757, %swap3A_1758] : memref<6x200x64xf32, #tpu.memory_space<vmem>> -> memref<1x200x64xf32, #tpu.memory_space<vmem>>
        %swap3A_1760 = tpu.memref_squeeze %swap3A_1759 : memref<1x200x64xf32, #tpu.memory_space<vmem>> -> memref<200x64xf32, #tpu.memory_space<vmem>>
        %swap3A_1761 = arith.index_cast %add3A_1719 : i32 to index
        %swap3A_1762 = arith.constant 48 : index
        %swap3A_1763 = tpu.vector_load %swap3A_1760[%swap3A_1761, %swap3A_1762] {strides = array<i32>} : memref<200x64xf32, #tpu.memory_space<vmem>>, vector<16xf32>,
        tpu.vector_store %swap3A_1760[%swap3A_1761, %swap3A_1762], %gather3A_1756 {add = true, strides = array<i32>} : memref<200x64xf32, #tpu.memory_space<vmem>>, vector<16xf32>,
        %slice3A_1764 = vector.extract_strided_slice %get3A_1077 {offsets = [14], sizes = [1], strides = [1]} : vector<16xi32> to vector<1xi32>
        %squeeze3A_1765 = vector.extract %slice3A_1764[0] : i32 from vector<1xi32>
        %broadcast_in_dim3A_1766 = vector.broadcast %squeeze3A_1765 : i32 to vector<16xi32>
        %add3A_1767 = arith.constant 14 : i32
        %add3A_1768 = arith.addi %mul3A_1072, %add3A_1767 : i32
        %add3A_1769 = arith.constant 0 : i32
        %add3A_1770 = vector.broadcast %add3A_1769 : i32 to vector<16xi32>
        %add3A_1771 = arith.addi %iota3A, %add3A_1770 : vector<16xi32>
        %gather3A_1772 = tpu.vector_load_idx %arg7[%broadcast_in_dim3A_1766, %add3A_1771] : memref<512x64xf32, #tpu.memory_space<vmem>>[vector<16xi32>, vector<16xi32>], vector<16xf32>,
        %swap3A_1773 = arith.constant 0 : i32
        %swap3A_1774 = arith.constant 0 : i32
        %swap3A_1775 = tpu.memref_slice %arg10[%rem3A_566, %swap3A_1773, %swap3A_1774] : memref<6x200x64xf32, #tpu.memory_space<vmem>> -> memref<1x200x64xf32, #tpu.memory_space<vmem>>
        %swap3A_1776 = tpu.memref_squeeze %swap3A_1775 : memref<1x200x64xf32, #tpu.memory_space<vmem>> -> memref<200x64xf32, #tpu.memory_space<vmem>>
        %swap3A_1777 = arith.index_cast %add3A_1768 : i32 to index
        %swap3A_1778 = arith.constant 0 : index
        %swap3A_1779 = tpu.vector_load %swap3A_1776[%swap3A_1777, %swap3A_1778] {strides = array<i32>} : memref<200x64xf32, #tpu.memory_space<vmem>>, vector<16xf32>,
        tpu.vector_store %swap3A_1776[%swap3A_1777, %swap3A_1778], %gather3A_1772 {add = true, strides = array<i32>} : memref<200x64xf32, #tpu.memory_space<vmem>>, vector<16xf32>,
        %add3A_1780 = arith.constant 16 : i32
        %add3A_1781 = vector.broadcast %add3A_1780 : i32 to vector<16xi32>
        %add3A_1782 = arith.addi %iota3A, %add3A_1781 : vector<16xi32>
        %gather3A_1783 = tpu.vector_load_idx %arg7[%broadcast_in_dim3A_1766, %add3A_1782] : memref<512x64xf32, #tpu.memory_space<vmem>>[vector<16xi32>, vector<16xi32>], vector<16xf32>,
        %swap3A_1784 = arith.constant 0 : i32
        %swap3A_1785 = arith.constant 0 : i32
        %swap3A_1786 = tpu.memref_slice %arg10[%rem3A_566, %swap3A_1784, %swap3A_1785] : memref<6x200x64xf32, #tpu.memory_space<vmem>> -> memref<1x200x64xf32, #tpu.memory_space<vmem>>
        %swap3A_1787 = tpu.memref_squeeze %swap3A_1786 : memref<1x200x64xf32, #tpu.memory_space<vmem>> -> memref<200x64xf32, #tpu.memory_space<vmem>>
        %swap3A_1788 = arith.index_cast %add3A_1768 : i32 to index
        %swap3A_1789 = arith.constant 16 : index
        %swap3A_1790 = tpu.vector_load %swap3A_1787[%swap3A_1788, %swap3A_1789] {strides = array<i32>} : memref<200x64xf32, #tpu.memory_space<vmem>>, vector<16xf32>,
        tpu.vector_store %swap3A_1787[%swap3A_1788, %swap3A_1789], %gather3A_1783 {add = true, strides = array<i32>} : memref<200x64xf32, #tpu.memory_space<vmem>>, vector<16xf32>,
        %add3A_1791 = arith.constant 32 : i32
        %add3A_1792 = vector.broadcast %add3A_1791 : i32 to vector<16xi32>
        %add3A_1793 = arith.addi %iota3A, %add3A_1792 : vector<16xi32>
        %gather3A_1794 = tpu.vector_load_idx %arg7[%broadcast_in_dim3A_1766, %add3A_1793] : memref<512x64xf32, #tpu.memory_space<vmem>>[vector<16xi32>, vector<16xi32>], vector<16xf32>,
        %swap3A_1795 = arith.constant 0 : i32
        %swap3A_1796 = arith.constant 0 : i32
        %swap3A_1797 = tpu.memref_slice %arg10[%rem3A_566, %swap3A_1795, %swap3A_1796] : memref<6x200x64xf32, #tpu.memory_space<vmem>> -> memref<1x200x64xf32, #tpu.memory_space<vmem>>
        %swap3A_1798 = tpu.memref_squeeze %swap3A_1797 : memref<1x200x64xf32, #tpu.memory_space<vmem>> -> memref<200x64xf32, #tpu.memory_space<vmem>>
        %swap3A_1799 = arith.index_cast %add3A_1768 : i32 to index
        %swap3A_1800 = arith.constant 32 : index
        %swap3A_1801 = tpu.vector_load %swap3A_1798[%swap3A_1799, %swap3A_1800] {strides = array<i32>} : memref<200x64xf32, #tpu.memory_space<vmem>>, vector<16xf32>,
        tpu.vector_store %swap3A_1798[%swap3A_1799, %swap3A_1800], %gather3A_1794 {add = true, strides = array<i32>} : memref<200x64xf32, #tpu.memory_space<vmem>>, vector<16xf32>,
        %add3A_1802 = arith.constant 48 : i32
        %add3A_1803 = vector.broadcast %add3A_1802 : i32 to vector<16xi32>
        %add3A_1804 = arith.addi %iota3A, %add3A_1803 : vector<16xi32>
        %gather3A_1805 = tpu.vector_load_idx %arg7[%broadcast_in_dim3A_1766, %add3A_1804] : memref<512x64xf32, #tpu.memory_space<vmem>>[vector<16xi32>, vector<16xi32>], vector<16xf32>,
        %swap3A_1806 = arith.constant 0 : i32
        %swap3A_1807 = arith.constant 0 : i32
        %swap3A_1808 = tpu.memref_slice %arg10[%rem3A_566, %swap3A_1806, %swap3A_1807] : memref<6x200x64xf32, #tpu.memory_space<vmem>> -> memref<1x200x64xf32, #tpu.memory_space<vmem>>
        %swap3A_1809 = tpu.memref_squeeze %swap3A_1808 : memref<1x200x64xf32, #tpu.memory_space<vmem>> -> memref<200x64xf32, #tpu.memory_space<vmem>>
        %swap3A_1810 = arith.index_cast %add3A_1768 : i32 to index
        %swap3A_1811 = arith.constant 48 : index
        %swap3A_1812 = tpu.vector_load %swap3A_1809[%swap3A_1810, %swap3A_1811] {strides = array<i32>} : memref<200x64xf32, #tpu.memory_space<vmem>>, vector<16xf32>,
        tpu.vector_store %swap3A_1809[%swap3A_1810, %swap3A_1811], %gather3A_1805 {add = true, strides = array<i32>} : memref<200x64xf32, #tpu.memory_space<vmem>>, vector<16xf32>,
        %slice3A_1813 = vector.extract_strided_slice %get3A_1077 {offsets = [15], sizes = [1], strides = [1]} : vector<16xi32> to vector<1xi32>
        %squeeze3A_1814 = vector.extract %slice3A_1813[0] : i32 from vector<1xi32>
        %broadcast_in_dim3A_1815 = vector.broadcast %squeeze3A_1814 : i32 to vector<16xi32>
        %add3A_1816 = arith.constant 15 : i32
        %add3A_1817 = arith.addi %mul3A_1072, %add3A_1816 : i32
        %add3A_1818 = arith.constant 0 : i32
        %add3A_1819 = vector.broadcast %add3A_1818 : i32 to vector<16xi32>
        %add3A_1820 = arith.addi %iota3A, %add3A_1819 : vector<16xi32>
        %gather3A_1821 = tpu.vector_load_idx %arg7[%broadcast_in_dim3A_1815, %add3A_1820] : memref<512x64xf32, #tpu.memory_space<vmem>>[vector<16xi32>, vector<16xi32>], vector<16xf32>,
        %swap3A_1822 = arith.constant 0 : i32
        %swap3A_1823 = arith.constant 0 : i32
        %swap3A_1824 = tpu.memref_slice %arg10[%rem3A_566, %swap3A_1822, %swap3A_1823] : memref<6x200x64xf32, #tpu.memory_space<vmem>> -> memref<1x200x64xf32, #tpu.memory_space<vmem>>
        %swap3A_1825 = tpu.memref_squeeze %swap3A_1824 : memref<1x200x64xf32, #tpu.memory_space<vmem>> -> memref<200x64xf32, #tpu.memory_space<vmem>>
        %swap3A_1826 = arith.index_cast %add3A_1817 : i32 to index
        %swap3A_1827 = arith.constant 0 : index
        %swap3A_1828 = tpu.vector_load %swap3A_1825[%swap3A_1826, %swap3A_1827] {strides = array<i32>} : memref<200x64xf32, #tpu.memory_space<vmem>>, vector<16xf32>,
        tpu.vector_store %swap3A_1825[%swap3A_1826, %swap3A_1827], %gather3A_1821 {add = true, strides = array<i32>} : memref<200x64xf32, #tpu.memory_space<vmem>>, vector<16xf32>,
        %add3A_1829 = arith.constant 16 : i32
        %add3A_1830 = vector.broadcast %add3A_1829 : i32 to vector<16xi32>
        %add3A_1831 = arith.addi %iota3A, %add3A_1830 : vector<16xi32>
        %gather3A_1832 = tpu.vector_load_idx %arg7[%broadcast_in_dim3A_1815, %add3A_1831] : memref<512x64xf32, #tpu.memory_space<vmem>>[vector<16xi32>, vector<16xi32>], vector<16xf32>,
        %swap3A_1833 = arith.constant 0 : i32
        %swap3A_1834 = arith.constant 0 : i32
        %swap3A_1835 = tpu.memref_slice %arg10[%rem3A_566, %swap3A_1833, %swap3A_1834] : memref<6x200x64xf32, #tpu.memory_space<vmem>> -> memref<1x200x64xf32, #tpu.memory_space<vmem>>
        %swap3A_1836 = tpu.memref_squeeze %swap3A_1835 : memref<1x200x64xf32, #tpu.memory_space<vmem>> -> memref<200x64xf32, #tpu.memory_space<vmem>>
        %swap3A_1837 = arith.index_cast %add3A_1817 : i32 to index
        %swap3A_1838 = arith.constant 16 : index
        %swap3A_1839 = tpu.vector_load %swap3A_1836[%swap3A_1837, %swap3A_1838] {strides = array<i32>} : memref<200x64xf32, #tpu.memory_space<vmem>>, vector<16xf32>,
        tpu.vector_store %swap3A_1836[%swap3A_1837, %swap3A_1838], %gather3A_1832 {add = true, strides = array<i32>} : memref<200x64xf32, #tpu.memory_space<vmem>>, vector<16xf32>,
        %add3A_1840 = arith.constant 32 : i32
        %add3A_1841 = vector.broadcast %add3A_1840 : i32 to vector<16xi32>
        %add3A_1842 = arith.addi %iota3A, %add3A_1841 : vector<16xi32>
        %gather3A_1843 = tpu.vector_load_idx %arg7[%broadcast_in_dim3A_1815, %add3A_1842] : memref<512x64xf32, #tpu.memory_space<vmem>>[vector<16xi32>, vector<16xi32>], vector<16xf32>,
        %swap3A_1844 = arith.constant 0 : i32
        %swap3A_1845 = arith.constant 0 : i32
        %swap3A_1846 = tpu.memref_slice %arg10[%rem3A_566, %swap3A_1844, %swap3A_1845] : memref<6x200x64xf32, #tpu.memory_space<vmem>> -> memref<1x200x64xf32, #tpu.memory_space<vmem>>
        %swap3A_1847 = tpu.memref_squeeze %swap3A_1846 : memref<1x200x64xf32, #tpu.memory_space<vmem>> -> memref<200x64xf32, #tpu.memory_space<vmem>>
        %swap3A_1848 = arith.index_cast %add3A_1817 : i32 to index
        %swap3A_1849 = arith.constant 32 : index
        %swap3A_1850 = tpu.vector_load %swap3A_1847[%swap3A_1848, %swap3A_1849] {strides = array<i32>} : memref<200x64xf32, #tpu.memory_space<vmem>>, vector<16xf32>,
        tpu.vector_store %swap3A_1847[%swap3A_1848, %swap3A_1849], %gather3A_1843 {add = true, strides = array<i32>} : memref<200x64xf32, #tpu.memory_space<vmem>>, vector<16xf32>,
        %add3A_1851 = arith.constant 48 : i32
        %add3A_1852 = vector.broadcast %add3A_1851 : i32 to vector<16xi32>
        %add3A_1853 = arith.addi %iota3A, %add3A_1852 : vector<16xi32>
        %gather3A_1854 = tpu.vector_load_idx %arg7[%broadcast_in_dim3A_1815, %add3A_1853] : memref<512x64xf32, #tpu.memory_space<vmem>>[vector<16xi32>, vector<16xi32>], vector<16xf32>,
        %swap3A_1855 = arith.constant 0 : i32
        %swap3A_1856 = arith.constant 0 : i32
        %swap3A_1857 = tpu.memref_slice %arg10[%rem3A_566, %swap3A_1855, %swap3A_1856] : memref<6x200x64xf32, #tpu.memory_space<vmem>> -> memref<1x200x64xf32, #tpu.memory_space<vmem>>
        %swap3A_1858 = tpu.memref_squeeze %swap3A_1857 : memref<1x200x64xf32, #tpu.memory_space<vmem>> -> memref<200x64xf32, #tpu.memory_space<vmem>>
        %swap3A_1859 = arith.index_cast %add3A_1817 : i32 to index
        %swap3A_1860 = arith.constant 48 : index
        %swap3A_1861 = tpu.vector_load %swap3A_1858[%swap3A_1859, %swap3A_1860] {strides = array<i32>} : memref<200x64xf32, #tpu.memory_space<vmem>>, vector<16xf32>,
        tpu.vector_store %swap3A_1858[%swap3A_1859, %swap3A_1860], %gather3A_1854 {add = true, strides = array<i32>} : memref<200x64xf32, #tpu.memory_space<vmem>>, vector<16xf32>,
      }
      %scan3A_643 = arith.constant 12 : i32
      %get3A = arith.constant 0 : i32
      %get3A_644 = tpu.memref_slice %arg9[%rem3A_566, %get3A] : memref<6x256xi32, #tpu.memory_space<vmem>> -> memref<1x256xi32, #tpu.memory_space<vmem>>
      %get3A_645 = tpu.memref_squeeze %get3A_644 : memref<1x256xi32, #tpu.memory_space<vmem>> -> memref<256xi32, #tpu.memory_space<vmem>>
      %get3A_646 = arith.constant 184 : index
      %get3A_647 = tpu.vector_load %get3A_645[%get3A_646] {strides = array<i32>} : memref<256xi32, #tpu.memory_space<vmem>>, vector<16xi32>,
      %slice3A = vector.extract_strided_slice %get3A_647 {offsets = [8], sizes = [1], strides = [1]} : vector<16xi32> to vector<1xi32>
      %squeeze3A = vector.extract %slice3A[0] : i32 from vector<1xi32>
      %broadcast_in_dim3A = vector.broadcast %squeeze3A : i32 to vector<16xi32>
      %add3A_648 = arith.constant 0 : i32
      %add3A_649 = vector.broadcast %add3A_648 : i32 to vector<16xi32>
      %add3A_650 = arith.addi %iota3A, %add3A_649 : vector<16xi32>
      %gather3A = tpu.vector_load_idx %arg7[%broadcast_in_dim3A, %add3A_650] : memref<512x64xf32, #tpu.memory_space<vmem>>[vector<16xi32>, vector<16xi32>], vector<16xf32>,
      %swap3A = arith.constant 192 : i32
      %swap3A_651 = arith.constant 0 : i32
      %swap3A_652 = arith.constant 0 : i32
      %swap3A_653 = tpu.memref_slice %arg10[%rem3A_566, %swap3A_651, %swap3A_652] : memref<6x200x64xf32, #tpu.memory_space<vmem>> -> memref<1x200x64xf32, #tpu.memory_space<vmem>>
      %swap3A_654 = tpu.memref_squeeze %swap3A_653 : memref<1x200x64xf32, #tpu.memory_space<vmem>> -> memref<200x64xf32, #tpu.memory_space<vmem>>
      %swap3A_655 = arith.index_cast %swap3A : i32 to index
      %swap3A_656 = arith.constant 0 : index
      %swap3A_657 = tpu.vector_load %swap3A_654[%swap3A_655, %swap3A_656] {strides = array<i32>} : memref<200x64xf32, #tpu.memory_space<vmem>>, vector<16xf32>,
      tpu.vector_store %swap3A_654[%swap3A_655, %swap3A_656], %gather3A {add = true, strides = array<i32>} : memref<200x64xf32, #tpu.memory_space<vmem>>, vector<16xf32>,
      %add3A_658 = arith.constant 16 : i32
      %add3A_659 = vector.broadcast %add3A_658 : i32 to vector<16xi32>
      %add3A_660 = arith.addi %iota3A, %add3A_659 : vector<16xi32>
      %gather3A_661 = tpu.vector_load_idx %arg7[%broadcast_in_dim3A, %add3A_660] : memref<512x64xf32, #tpu.memory_space<vmem>>[vector<16xi32>, vector<16xi32>], vector<16xf32>,
      %swap3A_662 = arith.constant 192 : i32
      %swap3A_663 = arith.constant 0 : i32
      %swap3A_664 = arith.constant 0 : i32
      %swap3A_665 = tpu.memref_slice %arg10[%rem3A_566, %swap3A_663, %swap3A_664] : memref<6x200x64xf32, #tpu.memory_space<vmem>> -> memref<1x200x64xf32, #tpu.memory_space<vmem>>
      %swap3A_666 = tpu.memref_squeeze %swap3A_665 : memref<1x200x64xf32, #tpu.memory_space<vmem>> -> memref<200x64xf32, #tpu.memory_space<vmem>>
      %swap3A_667 = arith.index_cast %swap3A_662 : i32 to index
      %swap3A_668 = arith.constant 16 : index
      %swap3A_669 = tpu.vector_load %swap3A_666[%swap3A_667, %swap3A_668] {strides = array<i32>} : memref<200x64xf32, #tpu.memory_space<vmem>>, vector<16xf32>,
      tpu.vector_store %swap3A_666[%swap3A_667, %swap3A_668], %gather3A_661 {add = true, strides = array<i32>} : memref<200x64xf32, #tpu.memory_space<vmem>>, vector<16xf32>,
      %add3A_670 = arith.constant 32 : i32
      %add3A_671 = vector.broadcast %add3A_670 : i32 to vector<16xi32>
      %add3A_672 = arith.addi %iota3A, %add3A_671 : vector<16xi32>
      %gather3A_673 = tpu.vector_load_idx %arg7[%broadcast_in_dim3A, %add3A_672] : memref<512x64xf32, #tpu.memory_space<vmem>>[vector<16xi32>, vector<16xi32>], vector<16xf32>,
      %swap3A_674 = arith.constant 192 : i32
      %swap3A_675 = arith.constant 0 : i32
      %swap3A_676 = arith.constant 0 : i32
      %swap3A_677 = tpu.memref_slice %arg10[%rem3A_566, %swap3A_675, %swap3A_676] : memref<6x200x64xf32, #tpu.memory_space<vmem>> -> memref<1x200x64xf32, #tpu.memory_space<vmem>>
      %swap3A_678 = tpu.memref_squeeze %swap3A_677 : memref<1x200x64xf32, #tpu.memory_space<vmem>> -> memref<200x64xf32, #tpu.memory_space<vmem>>
      %swap3A_679 = arith.index_cast %swap3A_674 : i32 to index
      %swap3A_680 = arith.constant 32 : index
      %swap3A_681 = tpu.vector_load %swap3A_678[%swap3A_679, %swap3A_680] {strides = array<i32>} : memref<200x64xf32, #tpu.memory_space<vmem>>, vector<16xf32>,
      tpu.vector_store %swap3A_678[%swap3A_679, %swap3A_680], %gather3A_673 {add = true, strides = array<i32>} : memref<200x64xf32, #tpu.memory_space<vmem>>, vector<16xf32>,
      %add3A_682 = arith.constant 48 : i32
      %add3A_683 = vector.broadcast %add3A_682 : i32 to vector<16xi32>
      %add3A_684 = arith.addi %iota3A, %add3A_683 : vector<16xi32>
      %gather3A_685 = tpu.vector_load_idx %arg7[%broadcast_in_dim3A, %add3A_684] : memref<512x64xf32, #tpu.memory_space<vmem>>[vector<16xi32>, vector<16xi32>], vector<16xf32>,
      %swap3A_686 = arith.constant 192 : i32
      %swap3A_687 = arith.constant 0 : i32
      %swap3A_688 = arith.constant 0 : i32
      %swap3A_689 = tpu.memref_slice %arg10[%rem3A_566, %swap3A_687, %swap3A_688] : memref<6x200x64xf32, #tpu.memory_space<vmem>> -> memref<1x200x64xf32, #tpu.memory_space<vmem>>
      %swap3A_690 = tpu.memref_squeeze %swap3A_689 : memref<1x200x64xf32, #tpu.memory_space<vmem>> -> memref<200x64xf32, #tpu.memory_space<vmem>>
      %swap3A_691 = arith.index_cast %swap3A_686 : i32 to index
      %swap3A_692 = arith.constant 48 : index
      %swap3A_693 = tpu.vector_load %swap3A_690[%swap3A_691, %swap3A_692] {strides = array<i32>} : memref<200x64xf32, #tpu.memory_space<vmem>>, vector<16xf32>,
      tpu.vector_store %swap3A_690[%swap3A_691, %swap3A_692], %gather3A_685 {add = true, strides = array<i32>} : memref<200x64xf32, #tpu.memory_space<vmem>>, vector<16xf32>,
      %slice3A_694 = vector.extract_strided_slice %get3A_647 {offsets = [9], sizes = [1], strides = [1]} : vector<16xi32> to vector<1xi32>
      %squeeze3A_695 = vector.extract %slice3A_694[0] : i32 from vector<1xi32>
      %broadcast_in_dim3A_696 = vector.broadcast %squeeze3A_695 : i32 to vector<16xi32>
      %add3A_697 = arith.constant 0 : i32
      %add3A_698 = vector.broadcast %add3A_697 : i32 to vector<16xi32>
      %add3A_699 = arith.addi %iota3A, %add3A_698 : vector<16xi32>
      %gather3A_700 = tpu.vector_load_idx %arg7[%broadcast_in_dim3A_696, %add3A_699] : memref<512x64xf32, #tpu.memory_space<vmem>>[vector<16xi32>, vector<16xi32>], vector<16xf32>,
      %swap3A_701 = arith.constant 193 : i32
      %swap3A_702 = arith.constant 0 : i32
      %swap3A_703 = arith.constant 0 : i32
      %swap3A_704 = tpu.memref_slice %arg10[%rem3A_566, %swap3A_702, %swap3A_703] : memref<6x200x64xf32, #tpu.memory_space<vmem>> -> memref<1x200x64xf32, #tpu.memory_space<vmem>>
      %swap3A_705 = tpu.memref_squeeze %swap3A_704 : memref<1x200x64xf32, #tpu.memory_space<vmem>> -> memref<200x64xf32, #tpu.memory_space<vmem>>
      %swap3A_706 = arith.index_cast %swap3A_701 : i32 to index
      %swap3A_707 = arith.constant 0 : index
      %swap3A_708 = tpu.vector_load %swap3A_705[%swap3A_706, %swap3A_707] {strides = array<i32>} : memref<200x64xf32, #tpu.memory_space<vmem>>, vector<16xf32>,
      tpu.vector_store %swap3A_705[%swap3A_706, %swap3A_707], %gather3A_700 {add = true, strides = array<i32>} : memref<200x64xf32, #tpu.memory_space<vmem>>, vector<16xf32>,
      %add3A_709 = arith.constant 16 : i32
      %add3A_710 = vector.broadcast %add3A_709 : i32 to vector<16xi32>
      %add3A_711 = arith.addi %iota3A, %add3A_710 : vector<16xi32>
      %gather3A_712 = tpu.vector_load_idx %arg7[%broadcast_in_dim3A_696, %add3A_711] : memref<512x64xf32, #tpu.memory_space<vmem>>[vector<16xi32>, vector<16xi32>], vector<16xf32>,
      %swap3A_713 = arith.constant 193 : i32
      %swap3A_714 = arith.constant 0 : i32
      %swap3A_715 = arith.constant 0 : i32
      %swap3A_716 = tpu.memref_slice %arg10[%rem3A_566, %swap3A_714, %swap3A_715] : memref<6x200x64xf32, #tpu.memory_space<vmem>> -> memref<1x200x64xf32, #tpu.memory_space<vmem>>
      %swap3A_717 = tpu.memref_squeeze %swap3A_716 : memref<1x200x64xf32, #tpu.memory_space<vmem>> -> memref<200x64xf32, #tpu.memory_space<vmem>>
      %swap3A_718 = arith.index_cast %swap3A_713 : i32 to index
      %swap3A_719 = arith.constant 16 : index
      %swap3A_720 = tpu.vector_load %swap3A_717[%swap3A_718, %swap3A_719] {strides = array<i32>} : memref<200x64xf32, #tpu.memory_space<vmem>>, vector<16xf32>,
      tpu.vector_store %swap3A_717[%swap3A_718, %swap3A_719], %gather3A_712 {add = true, strides = array<i32>} : memref<200x64xf32, #tpu.memory_space<vmem>>, vector<16xf32>,
      %add3A_721 = arith.constant 32 : i32
      %add3A_722 = vector.broadcast %add3A_721 : i32 to vector<16xi32>
      %add3A_723 = arith.addi %iota3A, %add3A_722 : vector<16xi32>
      %gather3A_724 = tpu.vector_load_idx %arg7[%broadcast_in_dim3A_696, %add3A_723] : memref<512x64xf32, #tpu.memory_space<vmem>>[vector<16xi32>, vector<16xi32>], vector<16xf32>,
      %swap3A_725 = arith.constant 193 : i32
      %swap3A_726 = arith.constant 0 : i32
      %swap3A_727 = arith.constant 0 : i32
      %swap3A_728 = tpu.memref_slice %arg10[%rem3A_566, %swap3A_726, %swap3A_727] : memref<6x200x64xf32, #tpu.memory_space<vmem>> -> memref<1x200x64xf32, #tpu.memory_space<vmem>>
      %swap3A_729 = tpu.memref_squeeze %swap3A_728 : memref<1x200x64xf32, #tpu.memory_space<vmem>> -> memref<200x64xf32, #tpu.memory_space<vmem>>
      %swap3A_730 = arith.index_cast %swap3A_725 : i32 to index
      %swap3A_731 = arith.constant 32 : index
      %swap3A_732 = tpu.vector_load %swap3A_729[%swap3A_730, %swap3A_731] {strides = array<i32>} : memref<200x64xf32, #tpu.memory_space<vmem>>, vector<16xf32>,
      tpu.vector_store %swap3A_729[%swap3A_730, %swap3A_731], %gather3A_724 {add = true, strides = array<i32>} : memref<200x64xf32, #tpu.memory_space<vmem>>, vector<16xf32>,
      %add3A_733 = arith.constant 48 : i32
      %add3A_734 = vector.broadcast %add3A_733 : i32 to vector<16xi32>
      %add3A_735 = arith.addi %iota3A, %add3A_734 : vector<16xi32>
      %gather3A_736 = tpu.vector_load_idx %arg7[%broadcast_in_dim3A_696, %add3A_735] : memref<512x64xf32, #tpu.memory_space<vmem>>[vector<16xi32>, vector<16xi32>], vector<16xf32>,
      %swap3A_737 = arith.constant 193 : i32
      %swap3A_738 = arith.constant 0 : i32
      %swap3A_739 = arith.constant 0 : i32
      %swap3A_740 = tpu.memref_slice %arg10[%rem3A_566, %swap3A_738, %swap3A_739] : memref<6x200x64xf32, #tpu.memory_space<vmem>> -> memref<1x200x64xf32, #tpu.memory_space<vmem>>
      %swap3A_741 = tpu.memref_squeeze %swap3A_740 : memref<1x200x64xf32, #tpu.memory_space<vmem>> -> memref<200x64xf32, #tpu.memory_space<vmem>>
      %swap3A_742 = arith.index_cast %swap3A_737 : i32 to index
      %swap3A_743 = arith.constant 48 : index
      %swap3A_744 = tpu.vector_load %swap3A_741[%swap3A_742, %swap3A_743] {strides = array<i32>} : memref<200x64xf32, #tpu.memory_space<vmem>>, vector<16xf32>,
      tpu.vector_store %swap3A_741[%swap3A_742, %swap3A_743], %gather3A_736 {add = true, strides = array<i32>} : memref<200x64xf32, #tpu.memory_space<vmem>>, vector<16xf32>,
      %slice3A_745 = vector.extract_strided_slice %get3A_647 {offsets = [10], sizes = [1], strides = [1]} : vector<16xi32> to vector<1xi32>
      %squeeze3A_746 = vector.extract %slice3A_745[0] : i32 from vector<1xi32>
      %broadcast_in_dim3A_747 = vector.broadcast %squeeze3A_746 : i32 to vector<16xi32>
      %add3A_748 = arith.constant 0 : i32
      %add3A_749 = vector.broadcast %add3A_748 : i32 to vector<16xi32>
      %add3A_750 = arith.addi %iota3A, %add3A_749 : vector<16xi32>
      %gather3A_751 = tpu.vector_load_idx %arg7[%broadcast_in_dim3A_747, %add3A_750] : memref<512x64xf32, #tpu.memory_space<vmem>>[vector<16xi32>, vector<16xi32>], vector<16xf32>,
      %swap3A_752 = arith.constant 194 : i32
      %swap3A_753 = arith.constant 0 : i32
      %swap3A_754 = arith.constant 0 : i32
      %swap3A_755 = tpu.memref_slice %arg10[%rem3A_566, %swap3A_753, %swap3A_754] : memref<6x200x64xf32, #tpu.memory_space<vmem>> -> memref<1x200x64xf32, #tpu.memory_space<vmem>>
      %swap3A_756 = tpu.memref_squeeze %swap3A_755 : memref<1x200x64xf32, #tpu.memory_space<vmem>> -> memref<200x64xf32, #tpu.memory_space<vmem>>
      %swap3A_757 = arith.index_cast %swap3A_752 : i32 to index
      %swap3A_758 = arith.constant 0 : index
      %swap3A_759 = tpu.vector_load %swap3A_756[%swap3A_757, %swap3A_758] {strides = array<i32>} : memref<200x64xf32, #tpu.memory_space<vmem>>, vector<16xf32>,
      tpu.vector_store %swap3A_756[%swap3A_757, %swap3A_758], %gather3A_751 {add = true, strides = array<i32>} : memref<200x64xf32, #tpu.memory_space<vmem>>, vector<16xf32>,
      %add3A_760 = arith.constant 16 : i32
      %add3A_761 = vector.broadcast %add3A_760 : i32 to vector<16xi32>
      %add3A_762 = arith.addi %iota3A, %add3A_761 : vector<16xi32>
      %gather3A_763 = tpu.vector_load_idx %arg7[%broadcast_in_dim3A_747, %add3A_762] : memref<512x64xf32, #tpu.memory_space<vmem>>[vector<16xi32>, vector<16xi32>], vector<16xf32>,
      %swap3A_764 = arith.constant 194 : i32
      %swap3A_765 = arith.constant 0 : i32
      %swap3A_766 = arith.constant 0 : i32
      %swap3A_767 = tpu.memref_slice %arg10[%rem3A_566, %swap3A_765, %swap3A_766] : memref<6x200x64xf32, #tpu.memory_space<vmem>> -> memref<1x200x64xf32, #tpu.memory_space<vmem>>
      %swap3A_768 = tpu.memref_squeeze %swap3A_767 : memref<1x200x64xf32, #tpu.memory_space<vmem>> -> memref<200x64xf32, #tpu.memory_space<vmem>>
      %swap3A_769 = arith.index_cast %swap3A_764 : i32 to index
      %swap3A_770 = arith.constant 16 : index
      %swap3A_771 = tpu.vector_load %swap3A_768[%swap3A_769, %swap3A_770] {strides = array<i32>} : memref<200x64xf32, #tpu.memory_space<vmem>>, vector<16xf32>,
      tpu.vector_store %swap3A_768[%swap3A_769, %swap3A_770], %gather3A_763 {add = true, strides = array<i32>} : memref<200x64xf32, #tpu.memory_space<vmem>>, vector<16xf32>,
      %add3A_772 = arith.constant 32 : i32
      %add3A_773 = vector.broadcast %add3A_772 : i32 to vector<16xi32>
      %add3A_774 = arith.addi %iota3A, %add3A_773 : vector<16xi32>
      %gather3A_775 = tpu.vector_load_idx %arg7[%broadcast_in_dim3A_747, %add3A_774] : memref<512x64xf32, #tpu.memory_space<vmem>>[vector<16xi32>, vector<16xi32>], vector<16xf32>,
      %swap3A_776 = arith.constant 194 : i32
      %swap3A_777 = arith.constant 0 : i32
      %swap3A_778 = arith.constant 0 : i32
      %swap3A_779 = tpu.memref_slice %arg10[%rem3A_566, %swap3A_777, %swap3A_778] : memref<6x200x64xf32, #tpu.memory_space<vmem>> -> memref<1x200x64xf32, #tpu.memory_space<vmem>>
      %swap3A_780 = tpu.memref_squeeze %swap3A_779 : memref<1x200x64xf32, #tpu.memory_space<vmem>> -> memref<200x64xf32, #tpu.memory_space<vmem>>
      %swap3A_781 = arith.index_cast %swap3A_776 : i32 to index
      %swap3A_782 = arith.constant 32 : index
      %swap3A_783 = tpu.vector_load %swap3A_780[%swap3A_781, %swap3A_782] {strides = array<i32>} : memref<200x64xf32, #tpu.memory_space<vmem>>, vector<16xf32>,
      tpu.vector_store %swap3A_780[%swap3A_781, %swap3A_782], %gather3A_775 {add = true, strides = array<i32>} : memref<200x64xf32, #tpu.memory_space<vmem>>, vector<16xf32>,
      %add3A_784 = arith.constant 48 : i32
      %add3A_785 = vector.broadcast %add3A_784 : i32 to vector<16xi32>
      %add3A_786 = arith.addi %iota3A, %add3A_785 : vector<16xi32>
      %gather3A_787 = tpu.vector_load_idx %arg7[%broadcast_in_dim3A_747, %add3A_786] : memref<512x64xf32, #tpu.memory_space<vmem>>[vector<16xi32>, vector<16xi32>], vector<16xf32>,
      %swap3A_788 = arith.constant 194 : i32
      %swap3A_789 = arith.constant 0 : i32
      %swap3A_790 = arith.constant 0 : i32
      %swap3A_791 = tpu.memref_slice %arg10[%rem3A_566, %swap3A_789, %swap3A_790] : memref<6x200x64xf32, #tpu.memory_space<vmem>> -> memref<1x200x64xf32, #tpu.memory_space<vmem>>
      %swap3A_792 = tpu.memref_squeeze %swap3A_791 : memref<1x200x64xf32, #tpu.memory_space<vmem>> -> memref<200x64xf32, #tpu.memory_space<vmem>>
      %swap3A_793 = arith.index_cast %swap3A_788 : i32 to index
      %swap3A_794 = arith.constant 48 : index
      %swap3A_795 = tpu.vector_load %swap3A_792[%swap3A_793, %swap3A_794] {strides = array<i32>} : memref<200x64xf32, #tpu.memory_space<vmem>>, vector<16xf32>,
      tpu.vector_store %swap3A_792[%swap3A_793, %swap3A_794], %gather3A_787 {add = true, strides = array<i32>} : memref<200x64xf32, #tpu.memory_space<vmem>>, vector<16xf32>,
      %slice3A_796 = vector.extract_strided_slice %get3A_647 {offsets = [11], sizes = [1], strides = [1]} : vector<16xi32> to vector<1xi32>
      %squeeze3A_797 = vector.extract %slice3A_796[0] : i32 from vector<1xi32>
      %broadcast_in_dim3A_798 = vector.broadcast %squeeze3A_797 : i32 to vector<16xi32>
      %add3A_799 = arith.constant 0 : i32
      %add3A_800 = vector.broadcast %add3A_799 : i32 to vector<16xi32>
      %add3A_801 = arith.addi %iota3A, %add3A_800 : vector<16xi32>
      %gather3A_802 = tpu.vector_load_idx %arg7[%broadcast_in_dim3A_798, %add3A_801] : memref<512x64xf32, #tpu.memory_space<vmem>>[vector<16xi32>, vector<16xi32>], vector<16xf32>,
      %swap3A_803 = arith.constant 195 : i32
      %swap3A_804 = arith.constant 0 : i32
      %swap3A_805 = arith.constant 0 : i32
      %swap3A_806 = tpu.memref_slice %arg10[%rem3A_566, %swap3A_804, %swap3A_805] : memref<6x200x64xf32, #tpu.memory_space<vmem>> -> memref<1x200x64xf32, #tpu.memory_space<vmem>>
      %swap3A_807 = tpu.memref_squeeze %swap3A_806 : memref<1x200x64xf32, #tpu.memory_space<vmem>> -> memref<200x64xf32, #tpu.memory_space<vmem>>
      %swap3A_808 = arith.index_cast %swap3A_803 : i32 to index
      %swap3A_809 = arith.constant 0 : index
      %swap3A_810 = tpu.vector_load %swap3A_807[%swap3A_808, %swap3A_809] {strides = array<i32>} : memref<200x64xf32, #tpu.memory_space<vmem>>, vector<16xf32>,
      tpu.vector_store %swap3A_807[%swap3A_808, %swap3A_809], %gather3A_802 {add = true, strides = array<i32>} : memref<200x64xf32, #tpu.memory_space<vmem>>, vector<16xf32>,
      %add3A_811 = arith.constant 16 : i32
      %add3A_812 = vector.broadcast %add3A_811 : i32 to vector<16xi32>
      %add3A_813 = arith.addi %iota3A, %add3A_812 : vector<16xi32>
      %gather3A_814 = tpu.vector_load_idx %arg7[%broadcast_in_dim3A_798, %add3A_813] : memref<512x64xf32, #tpu.memory_space<vmem>>[vector<16xi32>, vector<16xi32>], vector<16xf32>,
      %swap3A_815 = arith.constant 195 : i32
      %swap3A_816 = arith.constant 0 : i32
      %swap3A_817 = arith.constant 0 : i32
      %swap3A_818 = tpu.memref_slice %arg10[%rem3A_566, %swap3A_816, %swap3A_817] : memref<6x200x64xf32, #tpu.memory_space<vmem>> -> memref<1x200x64xf32, #tpu.memory_space<vmem>>
      %swap3A_819 = tpu.memref_squeeze %swap3A_818 : memref<1x200x64xf32, #tpu.memory_space<vmem>> -> memref<200x64xf32, #tpu.memory_space<vmem>>
      %swap3A_820 = arith.index_cast %swap3A_815 : i32 to index
      %swap3A_821 = arith.constant 16 : index
      %swap3A_822 = tpu.vector_load %swap3A_819[%swap3A_820, %swap3A_821] {strides = array<i32>} : memref<200x64xf32, #tpu.memory_space<vmem>>, vector<16xf32>,
      tpu.vector_store %swap3A_819[%swap3A_820, %swap3A_821], %gather3A_814 {add = true, strides = array<i32>} : memref<200x64xf32, #tpu.memory_space<vmem>>, vector<16xf32>,
      %add3A_823 = arith.constant 32 : i32
      %add3A_824 = vector.broadcast %add3A_823 : i32 to vector<16xi32>
      %add3A_825 = arith.addi %iota3A, %add3A_824 : vector<16xi32>
      %gather3A_826 = tpu.vector_load_idx %arg7[%broadcast_in_dim3A_798, %add3A_825] : memref<512x64xf32, #tpu.memory_space<vmem>>[vector<16xi32>, vector<16xi32>], vector<16xf32>,
      %swap3A_827 = arith.constant 195 : i32
      %swap3A_828 = arith.constant 0 : i32
      %swap3A_829 = arith.constant 0 : i32
      %swap3A_830 = tpu.memref_slice %arg10[%rem3A_566, %swap3A_828, %swap3A_829] : memref<6x200x64xf32, #tpu.memory_space<vmem>> -> memref<1x200x64xf32, #tpu.memory_space<vmem>>
      %swap3A_831 = tpu.memref_squeeze %swap3A_830 : memref<1x200x64xf32, #tpu.memory_space<vmem>> -> memref<200x64xf32, #tpu.memory_space<vmem>>
      %swap3A_832 = arith.index_cast %swap3A_827 : i32 to index
      %swap3A_833 = arith.constant 32 : index
      %swap3A_834 = tpu.vector_load %swap3A_831[%swap3A_832, %swap3A_833] {strides = array<i32>} : memref<200x64xf32, #tpu.memory_space<vmem>>, vector<16xf32>,
      tpu.vector_store %swap3A_831[%swap3A_832, %swap3A_833], %gather3A_826 {add = true, strides = array<i32>} : memref<200x64xf32, #tpu.memory_space<vmem>>, vector<16xf32>,
      %add3A_835 = arith.constant 48 : i32
      %add3A_836 = vector.broadcast %add3A_835 : i32 to vector<16xi32>
      %add3A_837 = arith.addi %iota3A, %add3A_836 : vector<16xi32>
      %gather3A_838 = tpu.vector_load_idx %arg7[%broadcast_in_dim3A_798, %add3A_837] : memref<512x64xf32, #tpu.memory_space<vmem>>[vector<16xi32>, vector<16xi32>], vector<16xf32>,
      %swap3A_839 = arith.constant 195 : i32
      %swap3A_840 = arith.constant 0 : i32
      %swap3A_841 = arith.constant 0 : i32
      %swap3A_842 = tpu.memref_slice %arg10[%rem3A_566, %swap3A_840, %swap3A_841] : memref<6x200x64xf32, #tpu.memory_space<vmem>> -> memref<1x200x64xf32, #tpu.memory_space<vmem>>
      %swap3A_843 = tpu.memref_squeeze %swap3A_842 : memref<1x200x64xf32, #tpu.memory_space<vmem>> -> memref<200x64xf32, #tpu.memory_space<vmem>>
      %swap3A_844 = arith.index_cast %swap3A_839 : i32 to index
      %swap3A_845 = arith.constant 48 : index
      %swap3A_846 = tpu.vector_load %swap3A_843[%swap3A_844, %swap3A_845] {strides = array<i32>} : memref<200x64xf32, #tpu.memory_space<vmem>>, vector<16xf32>,
      tpu.vector_store %swap3A_843[%swap3A_844, %swap3A_845], %gather3A_838 {add = true, strides = array<i32>} : memref<200x64xf32, #tpu.memory_space<vmem>>, vector<16xf32>,
      %slice3A_847 = vector.extract_strided_slice %get3A_647 {offsets = [12], sizes = [1], strides = [1]} : vector<16xi32> to vector<1xi32>
      %squeeze3A_848 = vector.extract %slice3A_847[0] : i32 from vector<1xi32>
      %broadcast_in_dim3A_849 = vector.broadcast %squeeze3A_848 : i32 to vector<16xi32>
      %add3A_850 = arith.constant 0 : i32
      %add3A_851 = vector.broadcast %add3A_850 : i32 to vector<16xi32>
      %add3A_852 = arith.addi %iota3A, %add3A_851 : vector<16xi32>
      %gather3A_853 = tpu.vector_load_idx %arg7[%broadcast_in_dim3A_849, %add3A_852] : memref<512x64xf32, #tpu.memory_space<vmem>>[vector<16xi32>, vector<16xi32>], vector<16xf32>,
      %swap3A_854 = arith.constant 196 : i32
      %swap3A_855 = arith.constant 0 : i32
      %swap3A_856 = arith.constant 0 : i32
      %swap3A_857 = tpu.memref_slice %arg10[%rem3A_566, %swap3A_855, %swap3A_856] : memref<6x200x64xf32, #tpu.memory_space<vmem>> -> memref<1x200x64xf32, #tpu.memory_space<vmem>>
      %swap3A_858 = tpu.memref_squeeze %swap3A_857 : memref<1x200x64xf32, #tpu.memory_space<vmem>> -> memref<200x64xf32, #tpu.memory_space<vmem>>
      %swap3A_859 = arith.index_cast %swap3A_854 : i32 to index
      %swap3A_860 = arith.constant 0 : index
      %swap3A_861 = tpu.vector_load %swap3A_858[%swap3A_859, %swap3A_860] {strides = array<i32>} : memref<200x64xf32, #tpu.memory_space<vmem>>, vector<16xf32>,
      tpu.vector_store %swap3A_858[%swap3A_859, %swap3A_860], %gather3A_853 {add = true, strides = array<i32>} : memref<200x64xf32, #tpu.memory_space<vmem>>, vector<16xf32>,
      %add3A_862 = arith.constant 16 : i32
      %add3A_863 = vector.broadcast %add3A_862 : i32 to vector<16xi32>
      %add3A_864 = arith.addi %iota3A, %add3A_863 : vector<16xi32>
      %gather3A_865 = tpu.vector_load_idx %arg7[%broadcast_in_dim3A_849, %add3A_864] : memref<512x64xf32, #tpu.memory_space<vmem>>[vector<16xi32>, vector<16xi32>], vector<16xf32>,
      %swap3A_866 = arith.constant 196 : i32
      %swap3A_867 = arith.constant 0 : i32
      %swap3A_868 = arith.constant 0 : i32
      %swap3A_869 = tpu.memref_slice %arg10[%rem3A_566, %swap3A_867, %swap3A_868] : memref<6x200x64xf32, #tpu.memory_space<vmem>> -> memref<1x200x64xf32, #tpu.memory_space<vmem>>
      %swap3A_870 = tpu.memref_squeeze %swap3A_869 : memref<1x200x64xf32, #tpu.memory_space<vmem>> -> memref<200x64xf32, #tpu.memory_space<vmem>>
      %swap3A_871 = arith.index_cast %swap3A_866 : i32 to index
      %swap3A_872 = arith.constant 16 : index
      %swap3A_873 = tpu.vector_load %swap3A_870[%swap3A_871, %swap3A_872] {strides = array<i32>} : memref<200x64xf32, #tpu.memory_space<vmem>>, vector<16xf32>,
      tpu.vector_store %swap3A_870[%swap3A_871, %swap3A_872], %gather3A_865 {add = true, strides = array<i32>} : memref<200x64xf32, #tpu.memory_space<vmem>>, vector<16xf32>,
      %add3A_874 = arith.constant 32 : i32
      %add3A_875 = vector.broadcast %add3A_874 : i32 to vector<16xi32>
      %add3A_876 = arith.addi %iota3A, %add3A_875 : vector<16xi32>
      %gather3A_877 = tpu.vector_load_idx %arg7[%broadcast_in_dim3A_849, %add3A_876] : memref<512x64xf32, #tpu.memory_space<vmem>>[vector<16xi32>, vector<16xi32>], vector<16xf32>,
      %swap3A_878 = arith.constant 196 : i32
      %swap3A_879 = arith.constant 0 : i32
      %swap3A_880 = arith.constant 0 : i32
      %swap3A_881 = tpu.memref_slice %arg10[%rem3A_566, %swap3A_879, %swap3A_880] : memref<6x200x64xf32, #tpu.memory_space<vmem>> -> memref<1x200x64xf32, #tpu.memory_space<vmem>>
      %swap3A_882 = tpu.memref_squeeze %swap3A_881 : memref<1x200x64xf32, #tpu.memory_space<vmem>> -> memref<200x64xf32, #tpu.memory_space<vmem>>
      %swap3A_883 = arith.index_cast %swap3A_878 : i32 to index
      %swap3A_884 = arith.constant 32 : index
      %swap3A_885 = tpu.vector_load %swap3A_882[%swap3A_883, %swap3A_884] {strides = array<i32>} : memref<200x64xf32, #tpu.memory_space<vmem>>, vector<16xf32>,
      tpu.vector_store %swap3A_882[%swap3A_883, %swap3A_884], %gather3A_877 {add = true, strides = array<i32>} : memref<200x64xf32, #tpu.memory_space<vmem>>, vector<16xf32>,
      %add3A_886 = arith.constant 48 : i32
      %add3A_887 = vector.broadcast %add3A_886 : i32 to vector<16xi32>
      %add3A_888 = arith.addi %iota3A, %add3A_887 : vector<16xi32>
      %gather3A_889 = tpu.vector_load_idx %arg7[%broadcast_in_dim3A_849, %add3A_888] : memref<512x64xf32, #tpu.memory_space<vmem>>[vector<16xi32>, vector<16xi32>], vector<16xf32>,
      %swap3A_890 = arith.constant 196 : i32
      %swap3A_891 = arith.constant 0 : i32
      %swap3A_892 = arith.constant 0 : i32
      %swap3A_893 = tpu.memref_slice %arg10[%rem3A_566, %swap3A_891, %swap3A_892] : memref<6x200x64xf32, #tpu.memory_space<vmem>> -> memref<1x200x64xf32, #tpu.memory_space<vmem>>
      %swap3A_894 = tpu.memref_squeeze %swap3A_893 : memref<1x200x64xf32, #tpu.memory_space<vmem>> -> memref<200x64xf32, #tpu.memory_space<vmem>>
      %swap3A_895 = arith.index_cast %swap3A_890 : i32 to index
      %swap3A_896 = arith.constant 48 : index
      %swap3A_897 = tpu.vector_load %swap3A_894[%swap3A_895, %swap3A_896] {strides = array<i32>} : memref<200x64xf32, #tpu.memory_space<vmem>>, vector<16xf32>,
      tpu.vector_store %swap3A_894[%swap3A_895, %swap3A_896], %gather3A_889 {add = true, strides = array<i32>} : memref<200x64xf32, #tpu.memory_space<vmem>>, vector<16xf32>,
      %slice3A_898 = vector.extract_strided_slice %get3A_647 {offsets = [13], sizes = [1], strides = [1]} : vector<16xi32> to vector<1xi32>
      %squeeze3A_899 = vector.extract %slice3A_898[0] : i32 from vector<1xi32>
      %broadcast_in_dim3A_900 = vector.broadcast %squeeze3A_899 : i32 to vector<16xi32>
      %add3A_901 = arith.constant 0 : i32
      %add3A_902 = vector.broadcast %add3A_901 : i32 to vector<16xi32>
      %add3A_903 = arith.addi %iota3A, %add3A_902 : vector<16xi32>
      %gather3A_904 = tpu.vector_load_idx %arg7[%broadcast_in_dim3A_900, %add3A_903] : memref<512x64xf32, #tpu.memory_space<vmem>>[vector<16xi32>, vector<16xi32>], vector<16xf32>,
      %swap3A_905 = arith.constant 197 : i32
      %swap3A_906 = arith.constant 0 : i32
      %swap3A_907 = arith.constant 0 : i32
      %swap3A_908 = tpu.memref_slice %arg10[%rem3A_566, %swap3A_906, %swap3A_907] : memref<6x200x64xf32, #tpu.memory_space<vmem>> -> memref<1x200x64xf32, #tpu.memory_space<vmem>>
      %swap3A_909 = tpu.memref_squeeze %swap3A_908 : memref<1x200x64xf32, #tpu.memory_space<vmem>> -> memref<200x64xf32, #tpu.memory_space<vmem>>
      %swap3A_910 = arith.index_cast %swap3A_905 : i32 to index
      %swap3A_911 = arith.constant 0 : index
      %swap3A_912 = tpu.vector_load %swap3A_909[%swap3A_910, %swap3A_911] {strides = array<i32>} : memref<200x64xf32, #tpu.memory_space<vmem>>, vector<16xf32>,
      tpu.vector_store %swap3A_909[%swap3A_910, %swap3A_911], %gather3A_904 {add = true, strides = array<i32>} : memref<200x64xf32, #tpu.memory_space<vmem>>, vector<16xf32>,
      %add3A_913 = arith.constant 16 : i32
      %add3A_914 = vector.broadcast %add3A_913 : i32 to vector<16xi32>
      %add3A_915 = arith.addi %iota3A, %add3A_914 : vector<16xi32>
      %gather3A_916 = tpu.vector_load_idx %arg7[%broadcast_in_dim3A_900, %add3A_915] : memref<512x64xf32, #tpu.memory_space<vmem>>[vector<16xi32>, vector<16xi32>], vector<16xf32>,
      %swap3A_917 = arith.constant 197 : i32
      %swap3A_918 = arith.constant 0 : i32
      %swap3A_919 = arith.constant 0 : i32
      %swap3A_920 = tpu.memref_slice %arg10[%rem3A_566, %swap3A_918, %swap3A_919] : memref<6x200x64xf32, #tpu.memory_space<vmem>> -> memref<1x200x64xf32, #tpu.memory_space<vmem>>
      %swap3A_921 = tpu.memref_squeeze %swap3A_920 : memref<1x200x64xf32, #tpu.memory_space<vmem>> -> memref<200x64xf32, #tpu.memory_space<vmem>>
      %swap3A_922 = arith.index_cast %swap3A_917 : i32 to index
      %swap3A_923 = arith.constant 16 : index
      %swap3A_924 = tpu.vector_load %swap3A_921[%swap3A_922, %swap3A_923] {strides = array<i32>} : memref<200x64xf32, #tpu.memory_space<vmem>>, vector<16xf32>,
      tpu.vector_store %swap3A_921[%swap3A_922, %swap3A_923], %gather3A_916 {add = true, strides = array<i32>} : memref<200x64xf32, #tpu.memory_space<vmem>>, vector<16xf32>,
      %add3A_925 = arith.constant 32 : i32
      %add3A_926 = vector.broadcast %add3A_925 : i32 to vector<16xi32>
      %add3A_927 = arith.addi %iota3A, %add3A_926 : vector<16xi32>
      %gather3A_928 = tpu.vector_load_idx %arg7[%broadcast_in_dim3A_900, %add3A_927] : memref<512x64xf32, #tpu.memory_space<vmem>>[vector<16xi32>, vector<16xi32>], vector<16xf32>,
      %swap3A_929 = arith.constant 197 : i32
      %swap3A_930 = arith.constant 0 : i32
      %swap3A_931 = arith.constant 0 : i32
      %swap3A_932 = tpu.memref_slice %arg10[%rem3A_566, %swap3A_930, %swap3A_931] : memref<6x200x64xf32, #tpu.memory_space<vmem>> -> memref<1x200x64xf32, #tpu.memory_space<vmem>>
      %swap3A_933 = tpu.memref_squeeze %swap3A_932 : memref<1x200x64xf32, #tpu.memory_space<vmem>> -> memref<200x64xf32, #tpu.memory_space<vmem>>
      %swap3A_934 = arith.index_cast %swap3A_929 : i32 to index
      %swap3A_935 = arith.constant 32 : index
      %swap3A_936 = tpu.vector_load %swap3A_933[%swap3A_934, %swap3A_935] {strides = array<i32>} : memref<200x64xf32, #tpu.memory_space<vmem>>, vector<16xf32>,
      tpu.vector_store %swap3A_933[%swap3A_934, %swap3A_935], %gather3A_928 {add = true, strides = array<i32>} : memref<200x64xf32, #tpu.memory_space<vmem>>, vector<16xf32>,
      %add3A_937 = arith.constant 48 : i32
      %add3A_938 = vector.broadcast %add3A_937 : i32 to vector<16xi32>
      %add3A_939 = arith.addi %iota3A, %add3A_938 : vector<16xi32>
      %gather3A_940 = tpu.vector_load_idx %arg7[%broadcast_in_dim3A_900, %add3A_939] : memref<512x64xf32, #tpu.memory_space<vmem>>[vector<16xi32>, vector<16xi32>], vector<16xf32>,
      %swap3A_941 = arith.constant 197 : i32
      %swap3A_942 = arith.constant 0 : i32
      %swap3A_943 = arith.constant 0 : i32
      %swap3A_944 = tpu.memref_slice %arg10[%rem3A_566, %swap3A_942, %swap3A_943] : memref<6x200x64xf32, #tpu.memory_space<vmem>> -> memref<1x200x64xf32, #tpu.memory_space<vmem>>
      %swap3A_945 = tpu.memref_squeeze %swap3A_944 : memref<1x200x64xf32, #tpu.memory_space<vmem>> -> memref<200x64xf32, #tpu.memory_space<vmem>>
      %swap3A_946 = arith.index_cast %swap3A_941 : i32 to index
      %swap3A_947 = arith.constant 48 : index
      %swap3A_948 = tpu.vector_load %swap3A_945[%swap3A_946, %swap3A_947] {strides = array<i32>} : memref<200x64xf32, #tpu.memory_space<vmem>>, vector<16xf32>,
      tpu.vector_store %swap3A_945[%swap3A_946, %swap3A_947], %gather3A_940 {add = true, strides = array<i32>} : memref<200x64xf32, #tpu.memory_space<vmem>>, vector<16xf32>,
      %slice3A_949 = vector.extract_strided_slice %get3A_647 {offsets = [14], sizes = [1], strides = [1]} : vector<16xi32> to vector<1xi32>
      %squeeze3A_950 = vector.extract %slice3A_949[0] : i32 from vector<1xi32>
      %broadcast_in_dim3A_951 = vector.broadcast %squeeze3A_950 : i32 to vector<16xi32>
      %add3A_952 = arith.constant 0 : i32
      %add3A_953 = vector.broadcast %add3A_952 : i32 to vector<16xi32>
      %add3A_954 = arith.addi %iota3A, %add3A_953 : vector<16xi32>
      %gather3A_955 = tpu.vector_load_idx %arg7[%broadcast_in_dim3A_951, %add3A_954] : memref<512x64xf32, #tpu.memory_space<vmem>>[vector<16xi32>, vector<16xi32>], vector<16xf32>,
      %swap3A_956 = arith.constant 198 : i32
      %swap3A_957 = arith.constant 0 : i32
      %swap3A_958 = arith.constant 0 : i32
      %swap3A_959 = tpu.memref_slice %arg10[%rem3A_566, %swap3A_957, %swap3A_958] : memref<6x200x64xf32, #tpu.memory_space<vmem>> -> memref<1x200x64xf32, #tpu.memory_space<vmem>>
      %swap3A_960 = tpu.memref_squeeze %swap3A_959 : memref<1x200x64xf32, #tpu.memory_space<vmem>> -> memref<200x64xf32, #tpu.memory_space<vmem>>
      %swap3A_961 = arith.index_cast %swap3A_956 : i32 to index
      %swap3A_962 = arith.constant 0 : index
      %swap3A_963 = tpu.vector_load %swap3A_960[%swap3A_961, %swap3A_962] {strides = array<i32>} : memref<200x64xf32, #tpu.memory_space<vmem>>, vector<16xf32>,
      tpu.vector_store %swap3A_960[%swap3A_961, %swap3A_962], %gather3A_955 {add = true, strides = array<i32>} : memref<200x64xf32, #tpu.memory_space<vmem>>, vector<16xf32>,
      %add3A_964 = arith.constant 16 : i32
      %add3A_965 = vector.broadcast %add3A_964 : i32 to vector<16xi32>
      %add3A_966 = arith.addi %iota3A, %add3A_965 : vector<16xi32>
      %gather3A_967 = tpu.vector_load_idx %arg7[%broadcast_in_dim3A_951, %add3A_966] : memref<512x64xf32, #tpu.memory_space<vmem>>[vector<16xi32>, vector<16xi32>], vector<16xf32>,
      %swap3A_968 = arith.constant 198 : i32
      %swap3A_969 = arith.constant 0 : i32
      %swap3A_970 = arith.constant 0 : i32
      %swap3A_971 = tpu.memref_slice %arg10[%rem3A_566, %swap3A_969, %swap3A_970] : memref<6x200x64xf32, #tpu.memory_space<vmem>> -> memref<1x200x64xf32, #tpu.memory_space<vmem>>
      %swap3A_972 = tpu.memref_squeeze %swap3A_971 : memref<1x200x64xf32, #tpu.memory_space<vmem>> -> memref<200x64xf32, #tpu.memory_space<vmem>>
      %swap3A_973 = arith.index_cast %swap3A_968 : i32 to index
      %swap3A_974 = arith.constant 16 : index
      %swap3A_975 = tpu.vector_load %swap3A_972[%swap3A_973, %swap3A_974] {strides = array<i32>} : memref<200x64xf32, #tpu.memory_space<vmem>>, vector<16xf32>,
      tpu.vector_store %swap3A_972[%swap3A_973, %swap3A_974], %gather3A_967 {add = true, strides = array<i32>} : memref<200x64xf32, #tpu.memory_space<vmem>>, vector<16xf32>,
      %add3A_976 = arith.constant 32 : i32
      %add3A_977 = vector.broadcast %add3A_976 : i32 to vector<16xi32>
      %add3A_978 = arith.addi %iota3A, %add3A_977 : vector<16xi32>
      %gather3A_979 = tpu.vector_load_idx %arg7[%broadcast_in_dim3A_951, %add3A_978] : memref<512x64xf32, #tpu.memory_space<vmem>>[vector<16xi32>, vector<16xi32>], vector<16xf32>,
      %swap3A_980 = arith.constant 198 : i32
      %swap3A_981 = arith.constant 0 : i32
      %swap3A_982 = arith.constant 0 : i32
      %swap3A_983 = tpu.memref_slice %arg10[%rem3A_566, %swap3A_981, %swap3A_982] : memref<6x200x64xf32, #tpu.memory_space<vmem>> -> memref<1x200x64xf32, #tpu.memory_space<vmem>>
      %swap3A_984 = tpu.memref_squeeze %swap3A_983 : memref<1x200x64xf32, #tpu.memory_space<vmem>> -> memref<200x64xf32, #tpu.memory_space<vmem>>
      %swap3A_985 = arith.index_cast %swap3A_980 : i32 to index
      %swap3A_986 = arith.constant 32 : index
      %swap3A_987 = tpu.vector_load %swap3A_984[%swap3A_985, %swap3A_986] {strides = array<i32>} : memref<200x64xf32, #tpu.memory_space<vmem>>, vector<16xf32>,
      tpu.vector_store %swap3A_984[%swap3A_985, %swap3A_986], %gather3A_979 {add = true, strides = array<i32>} : memref<200x64xf32, #tpu.memory_space<vmem>>, vector<16xf32>,
      %add3A_988 = arith.constant 48 : i32
      %add3A_989 = vector.broadcast %add3A_988 : i32 to vector<16xi32>
      %add3A_990 = arith.addi %iota3A, %add3A_989 : vector<16xi32>
      %gather3A_991 = tpu.vector_load_idx %arg7[%broadcast_in_dim3A_951, %add3A_990] : memref<512x64xf32, #tpu.memory_space<vmem>>[vector<16xi32>, vector<16xi32>], vector<16xf32>,
      %swap3A_992 = arith.constant 198 : i32
      %swap3A_993 = arith.constant 0 : i32
      %swap3A_994 = arith.constant 0 : i32
      %swap3A_995 = tpu.memref_slice %arg10[%rem3A_566, %swap3A_993, %swap3A_994] : memref<6x200x64xf32, #tpu.memory_space<vmem>> -> memref<1x200x64xf32, #tpu.memory_space<vmem>>
      %swap3A_996 = tpu.memref_squeeze %swap3A_995 : memref<1x200x64xf32, #tpu.memory_space<vmem>> -> memref<200x64xf32, #tpu.memory_space<vmem>>
      %swap3A_997 = arith.index_cast %swap3A_992 : i32 to index
      %swap3A_998 = arith.constant 48 : index
      %swap3A_999 = tpu.vector_load %swap3A_996[%swap3A_997, %swap3A_998] {strides = array<i32>} : memref<200x64xf32, #tpu.memory_space<vmem>>, vector<16xf32>,
      tpu.vector_store %swap3A_996[%swap3A_997, %swap3A_998], %gather3A_991 {add = true, strides = array<i32>} : memref<200x64xf32, #tpu.memory_space<vmem>>, vector<16xf32>,
      %slice3A_1000 = vector.extract_strided_slice %get3A_647 {offsets = [15], sizes = [1], strides = [1]} : vector<16xi32> to vector<1xi32>
      %squeeze3A_1001 = vector.extract %slice3A_1000[0] : i32 from vector<1xi32>
      %broadcast_in_dim3A_1002 = vector.broadcast %squeeze3A_1001 : i32 to vector<16xi32>
      %add3A_1003 = arith.constant 0 : i32
      %add3A_1004 = vector.broadcast %add3A_1003 : i32 to vector<16xi32>
      %add3A_1005 = arith.addi %iota3A, %add3A_1004 : vector<16xi32>
      %gather3A_1006 = tpu.vector_load_idx %arg7[%broadcast_in_dim3A_1002, %add3A_1005] : memref<512x64xf32, #tpu.memory_space<vmem>>[vector<16xi32>, vector<16xi32>], vector<16xf32>,
      %swap3A_1007 = arith.constant 199 : i32
      %swap3A_1008 = arith.constant 0 : i32
      %swap3A_1009 = arith.constant 0 : i32
      %swap3A_1010 = tpu.memref_slice %arg10[%rem3A_566, %swap3A_1008, %swap3A_1009] : memref<6x200x64xf32, #tpu.memory_space<vmem>> -> memref<1x200x64xf32, #tpu.memory_space<vmem>>
      %swap3A_1011 = tpu.memref_squeeze %swap3A_1010 : memref<1x200x64xf32, #tpu.memory_space<vmem>> -> memref<200x64xf32, #tpu.memory_space<vmem>>
      %swap3A_1012 = arith.index_cast %swap3A_1007 : i32 to index
      %swap3A_1013 = arith.constant 0 : index
      %swap3A_1014 = tpu.vector_load %swap3A_1011[%swap3A_1012, %swap3A_1013] {strides = array<i32>} : memref<200x64xf32, #tpu.memory_space<vmem>>, vector<16xf32>,
      tpu.vector_store %swap3A_1011[%swap3A_1012, %swap3A_1013], %gather3A_1006 {add = true, strides = array<i32>} : memref<200x64xf32, #tpu.memory_space<vmem>>, vector<16xf32>,
      %add3A_1015 = arith.constant 16 : i32
      %add3A_1016 = vector.broadcast %add3A_1015 : i32 to vector<16xi32>
      %add3A_1017 = arith.addi %iota3A, %add3A_1016 : vector<16xi32>
      %gather3A_1018 = tpu.vector_load_idx %arg7[%broadcast_in_dim3A_1002, %add3A_1017] : memref<512x64xf32, #tpu.memory_space<vmem>>[vector<16xi32>, vector<16xi32>], vector<16xf32>,
      %swap3A_1019 = arith.constant 199 : i32
      %swap3A_1020 = arith.constant 0 : i32
      %swap3A_1021 = arith.constant 0 : i32
      %swap3A_1022 = tpu.memref_slice %arg10[%rem3A_566, %swap3A_1020, %swap3A_1021] : memref<6x200x64xf32, #tpu.memory_space<vmem>> -> memref<1x200x64xf32, #tpu.memory_space<vmem>>
      %swap3A_1023 = tpu.memref_squeeze %swap3A_1022 : memref<1x200x64xf32, #tpu.memory_space<vmem>> -> memref<200x64xf32, #tpu.memory_space<vmem>>
      %swap3A_1024 = arith.index_cast %swap3A_1019 : i32 to index
      %swap3A_1025 = arith.constant 16 : index
      %swap3A_1026 = tpu.vector_load %swap3A_1023[%swap3A_1024, %swap3A_1025] {strides = array<i32>} : memref<200x64xf32, #tpu.memory_space<vmem>>, vector<16xf32>,
      tpu.vector_store %swap3A_1023[%swap3A_1024, %swap3A_1025], %gather3A_1018 {add = true, strides = array<i32>} : memref<200x64xf32, #tpu.memory_space<vmem>>, vector<16xf32>,
      %add3A_1027 = arith.constant 32 : i32
      %add3A_1028 = vector.broadcast %add3A_1027 : i32 to vector<16xi32>
      %add3A_1029 = arith.addi %iota3A, %add3A_1028 : vector<16xi32>
      %gather3A_1030 = tpu.vector_load_idx %arg7[%broadcast_in_dim3A_1002, %add3A_1029] : memref<512x64xf32, #tpu.memory_space<vmem>>[vector<16xi32>, vector<16xi32>], vector<16xf32>,
      %swap3A_1031 = arith.constant 199 : i32
      %swap3A_1032 = arith.constant 0 : i32
      %swap3A_1033 = arith.constant 0 : i32
      %swap3A_1034 = tpu.memref_slice %arg10[%rem3A_566, %swap3A_1032, %swap3A_1033] : memref<6x200x64xf32, #tpu.memory_space<vmem>> -> memref<1x200x64xf32, #tpu.memory_space<vmem>>
      %swap3A_1035 = tpu.memref_squeeze %swap3A_1034 : memref<1x200x64xf32, #tpu.memory_space<vmem>> -> memref<200x64xf32, #tpu.memory_space<vmem>>
      %swap3A_1036 = arith.index_cast %swap3A_1031 : i32 to index
      %swap3A_1037 = arith.constant 32 : index
      %swap3A_1038 = tpu.vector_load %swap3A_1035[%swap3A_1036, %swap3A_1037] {strides = array<i32>} : memref<200x64xf32, #tpu.memory_space<vmem>>, vector<16xf32>,
      tpu.vector_store %swap3A_1035[%swap3A_1036, %swap3A_1037], %gather3A_1030 {add = true, strides = array<i32>} : memref<200x64xf32, #tpu.memory_space<vmem>>, vector<16xf32>,
      %add3A_1039 = arith.constant 48 : i32
      %add3A_1040 = vector.broadcast %add3A_1039 : i32 to vector<16xi32>
      %add3A_1041 = arith.addi %iota3A, %add3A_1040 : vector<16xi32>
      %gather3A_1042 = tpu.vector_load_idx %arg7[%broadcast_in_dim3A_1002, %add3A_1041] : memref<512x64xf32, #tpu.memory_space<vmem>>[vector<16xi32>, vector<16xi32>], vector<16xf32>,
      %swap3A_1043 = arith.constant 199 : i32
      %swap3A_1044 = arith.constant 0 : i32
      %swap3A_1045 = arith.constant 0 : i32
      %swap3A_1046 = tpu.memref_slice %arg10[%rem3A_566, %swap3A_1044, %swap3A_1045] : memref<6x200x64xf32, #tpu.memory_space<vmem>> -> memref<1x200x64xf32, #tpu.memory_space<vmem>>
      %swap3A_1047 = tpu.memref_squeeze %swap3A_1046 : memref<1x200x64xf32, #tpu.memory_space<vmem>> -> memref<200x64xf32, #tpu.memory_space<vmem>>
      %swap3A_1048 = arith.index_cast %swap3A_1043 : i32 to index
      %swap3A_1049 = arith.constant 48 : index
      %swap3A_1050 = tpu.vector_load %swap3A_1047[%swap3A_1048, %swap3A_1049] {strides = array<i32>} : memref<200x64xf32, #tpu.memory_space<vmem>>, vector<16xf32>,
      tpu.vector_store %swap3A_1047[%swap3A_1048, %swap3A_1049], %gather3A_1042 {add = true, strides = array<i32>} : memref<200x64xf32, #tpu.memory_space<vmem>>, vector<16xf32>,
      %add3A_1051 = arith.addi %mul3A_2, %scan3A_564 : i32
      %dma_start3A_1052 = arith.constant 0 : i32
      %dma_start3A_1053 = arith.constant 0 : i32
      %dma_start3A_1054 = tpu.memref_slice %arg10[%rem3A_566, %dma_start3A_1052, %dma_start3A_1053] : memref<6x200x64xf32, #tpu.memory_space<vmem>> -> memref<1x200x64xf32, #tpu.memory_space<vmem>>
      %dma_start3A_1055 = tpu.memref_squeeze %dma_start3A_1054 : memref<1x200x64xf32, #tpu.memory_space<vmem>> -> memref<200x64xf32, #tpu.memory_space<vmem>>
      %dma_start3A_1056 = arith.constant 0 : i32
      %dma_start3A_1057 = arith.constant 0 : i32
      %dma_start3A_1058 = tpu.memref_slice %arg6[%add3A_1051, %dma_start3A_1056, %dma_start3A_1057] : memref<4096x200x64xf32, #tpu.memory_space<hbm>> -> memref<1x200x64xf32, #tpu.memory_space<hbm>>
      %dma_start3A_1059 = tpu.memref_squeeze %dma_start3A_1058 : memref<1x200x64xf32, #tpu.memory_space<hbm>> -> memref<200x64xf32, #tpu.memory_space<hbm>>
      %dma_start3A_1060 = tpu.memref_slice %arg13[%rem3A_566] : memref<6x!tpu.dma_semaphore, #tpu.memory_space<semaphore_mem>> -> memref<1x!tpu.dma_semaphore, #tpu.memory_space<semaphore_mem>>
      %dma_start3A_1061 = tpu.memref_squeeze %dma_start3A_1060 : memref<1x!tpu.dma_semaphore, #tpu.memory_space<semaphore_mem>> -> memref<!tpu.dma_semaphore, #tpu.memory_space<semaphore_mem>>
      %dma_start3A_1062 = arith.constant 0 : i32
      %dma_start3A_1063 = arith.constant 0 : i32
      %dma_start3A_1064 = tpu.memref_slice %arg6[%add3A_1051, %dma_start3A_1062, %dma_start3A_1063] : memref<4096x200x64xf32, #tpu.memory_space<hbm>> -> memref<1x200x64xf32, #tpu.memory_space<hbm>>
      %dma_start3A_1065 = tpu.memref_squeeze %dma_start3A_1064 : memref<1x200x64xf32, #tpu.memory_space<hbm>> -> memref<200x64xf32, #tpu.memory_space<hbm>>
      %dma_start3A_1066 = arith.constant 0 : i32
      %dma_start3A_1067 = arith.constant 0 : i32
      %dma_start3A_1068 = tpu.memref_slice %arg10[%rem3A_566, %dma_start3A_1066, %dma_start3A_1067] : memref<6x200x64xf32, #tpu.memory_space<vmem>> -> memref<1x200x64xf32, #tpu.memory_space<vmem>>
      %dma_start3A_1069 = tpu.memref_squeeze %dma_start3A_1068 : memref<1x200x64xf32, #tpu.memory_space<vmem>> -> memref<200x64xf32, #tpu.memory_space<vmem>>
      tpu.enqueue_dma source(%dma_start3A_1069 : memref<200x64xf32, #tpu.memory_space<vmem>>) target(%dma_start3A_1065 : memref<200x64xf32, #tpu.memory_space<hbm>>) target_semaphore(%dma_start3A_1061 : memref<!tpu.dma_semaphore, #tpu.memory_space<semaphore_mem>>)
    }
    %scan3A_426 = arith.constant 128 : i32
    %rem3A = arith.constant 122 : i32
    %rem3A_427 = arith.constant 6 : i32
    %rem3A_428 = arith.remsi %rem3A, %rem3A_427 : i32
    %add3A_429 = arith.constant 122 : i32
    %add3A_430 = arith.addi %mul3A_2, %add3A_429 : i32
    %dma_wait3A_431 = arith.constant 0 : i32
    %dma_wait3A_432 = arith.constant 0 : i32
    %dma_wait3A_433 = tpu.memref_slice %arg10[%rem3A_428, %dma_wait3A_431, %dma_wait3A_432] : memref<6x200x64xf32, #tpu.memory_space<vmem>> -> memref<1x200x64xf32, #tpu.memory_space<vmem>>
    %dma_wait3A_434 = tpu.memref_squeeze %dma_wait3A_433 : memref<1x200x64xf32, #tpu.memory_space<vmem>> -> memref<200x64xf32, #tpu.memory_space<vmem>>
    %dma_wait3A_435 = arith.constant 0 : i32
    %dma_wait3A_436 = arith.constant 0 : i32
    %dma_wait3A_437 = tpu.memref_slice %arg6[%add3A_430, %dma_wait3A_435, %dma_wait3A_436] : memref<4096x200x64xf32, #tpu.memory_space<hbm>> -> memref<1x200x64xf32, #tpu.memory_space<hbm>>
    %dma_wait3A_438 = tpu.memref_squeeze %dma_wait3A_437 : memref<1x200x64xf32, #tpu.memory_space<hbm>> -> memref<200x64xf32, #tpu.memory_space<hbm>>
    %dma_wait3A_439 = tpu.memref_slice %arg13[%rem3A_428] : memref<6x!tpu.dma_semaphore, #tpu.memory_space<semaphore_mem>> -> memref<1x!tpu.dma_semaphore, #tpu.memory_space<semaphore_mem>>
    %dma_wait3A_440 = tpu.memref_squeeze %dma_wait3A_439 : memref<1x!tpu.dma_semaphore, #tpu.memory_space<semaphore_mem>> -> memref<!tpu.dma_semaphore, #tpu.memory_space<semaphore_mem>>
    %dma_wait3A_441 = arith.constant 0 : i32
    %dma_wait3A_442 = arith.constant 0 : i32
    %dma_wait3A_443 = tpu.memref_slice %arg6[%add3A_430, %dma_wait3A_441, %dma_wait3A_442] : memref<4096x200x64xf32, #tpu.memory_space<hbm>> -> memref<1x200x64xf32, #tpu.memory_space<hbm>>
    %dma_wait3A_444 = tpu.memref_squeeze %dma_wait3A_443 : memref<1x200x64xf32, #tpu.memory_space<hbm>> -> memref<200x64xf32, #tpu.memory_space<hbm>>
    %dma_wait3A_445 = arith.constant 0 : i32
    %dma_wait3A_446 = arith.constant 0 : i32
    %dma_wait3A_447 = tpu.memref_slice %arg10[%rem3A_428, %dma_wait3A_445, %dma_wait3A_446] : memref<6x200x64xf32, #tpu.memory_space<vmem>> -> memref<1x200x64xf32, #tpu.memory_space<vmem>>
    %dma_wait3A_448 = tpu.memref_squeeze %dma_wait3A_447 : memref<1x200x64xf32, #tpu.memory_space<vmem>> -> memref<200x64xf32, #tpu.memory_space<vmem>>
    tpu.wait_dma2 semaphore(%dma_wait3A_440 : memref<!tpu.dma_semaphore, #tpu.memory_space<semaphore_mem>>) src(%dma_wait3A_448 : memref<200x64xf32, #tpu.memory_space<vmem>>) dst(%dma_wait3A_444 : memref<200x64xf32, #tpu.memory_space<hbm>>)
    %rem3A_449 = arith.constant 123 : i32
    %rem3A_450 = arith.constant 6 : i32
    %rem3A_451 = arith.remsi %rem3A_449, %rem3A_450 : i32
    %add3A_452 = arith.constant 123 : i32
    %add3A_453 = arith.addi %mul3A_2, %add3A_452 : i32
    %dma_wait3A_454 = arith.constant 0 : i32
    %dma_wait3A_455 = arith.constant 0 : i32
    %dma_wait3A_456 = tpu.memref_slice %arg10[%rem3A_451, %dma_wait3A_454, %dma_wait3A_455] : memref<6x200x64xf32, #tpu.memory_space<vmem>> -> memref<1x200x64xf32, #tpu.memory_space<vmem>>
    %dma_wait3A_457 = tpu.memref_squeeze %dma_wait3A_456 : memref<1x200x64xf32, #tpu.memory_space<vmem>> -> memref<200x64xf32, #tpu.memory_space<vmem>>
    %dma_wait3A_458 = arith.constant 0 : i32
    %dma_wait3A_459 = arith.constant 0 : i32
    %dma_wait3A_460 = tpu.memref_slice %arg6[%add3A_453, %dma_wait3A_458, %dma_wait3A_459] : memref<4096x200x64xf32, #tpu.memory_space<hbm>> -> memref<1x200x64xf32, #tpu.memory_space<hbm>>
    %dma_wait3A_461 = tpu.memref_squeeze %dma_wait3A_460 : memref<1x200x64xf32, #tpu.memory_space<hbm>> -> memref<200x64xf32, #tpu.memory_space<hbm>>
    %dma_wait3A_462 = tpu.memref_slice %arg13[%rem3A_451] : memref<6x!tpu.dma_semaphore, #tpu.memory_space<semaphore_mem>> -> memref<1x!tpu.dma_semaphore, #tpu.memory_space<semaphore_mem>>
    %dma_wait3A_463 = tpu.memref_squeeze %dma_wait3A_462 : memref<1x!tpu.dma_semaphore, #tpu.memory_space<semaphore_mem>> -> memref<!tpu.dma_semaphore, #tpu.memory_space<semaphore_mem>>
    %dma_wait3A_464 = arith.constant 0 : i32
    %dma_wait3A_465 = arith.constant 0 : i32
    %dma_wait3A_466 = tpu.memref_slice %arg6[%add3A_453, %dma_wait3A_464, %dma_wait3A_465] : memref<4096x200x64xf32, #tpu.memory_space<hbm>> -> memref<1x200x64xf32, #tpu.memory_space<hbm>>
    %dma_wait3A_467 = tpu.memref_squeeze %dma_wait3A_466 : memref<1x200x64xf32, #tpu.memory_space<hbm>> -> memref<200x64xf32, #tpu.memory_space<hbm>>
    %dma_wait3A_468 = arith.constant 0 : i32
    %dma_wait3A_469 = arith.constant 0 : i32
    %dma_wait3A_470 = tpu.memref_slice %arg10[%rem3A_451, %dma_wait3A_468, %dma_wait3A_469] : memref<6x200x64xf32, #tpu.memory_space<vmem>> -> memref<1x200x64xf32, #tpu.memory_space<vmem>>
    %dma_wait3A_471 = tpu.memref_squeeze %dma_wait3A_470 : memref<1x200x64xf32, #tpu.memory_space<vmem>> -> memref<200x64xf32, #tpu.memory_space<vmem>>
    tpu.wait_dma2 semaphore(%dma_wait3A_463 : memref<!tpu.dma_semaphore, #tpu.memory_space<semaphore_mem>>) src(%dma_wait3A_471 : memref<200x64xf32, #tpu.memory_space<vmem>>) dst(%dma_wait3A_467 : memref<200x64xf32, #tpu.memory_space<hbm>>)
    %rem3A_472 = arith.constant 124 : i32
    %rem3A_473 = arith.constant 6 : i32
    %rem3A_474 = arith.remsi %rem3A_472, %rem3A_473 : i32
    %add3A_475 = arith.constant 124 : i32
    %add3A_476 = arith.addi %mul3A_2, %add3A_475 : i32
    %dma_wait3A_477 = arith.constant 0 : i32
    %dma_wait3A_478 = arith.constant 0 : i32
    %dma_wait3A_479 = tpu.memref_slice %arg10[%rem3A_474, %dma_wait3A_477, %dma_wait3A_478] : memref<6x200x64xf32, #tpu.memory_space<vmem>> -> memref<1x200x64xf32, #tpu.memory_space<vmem>>
    %dma_wait3A_480 = tpu.memref_squeeze %dma_wait3A_479 : memref<1x200x64xf32, #tpu.memory_space<vmem>> -> memref<200x64xf32, #tpu.memory_space<vmem>>
    %dma_wait3A_481 = arith.constant 0 : i32
    %dma_wait3A_482 = arith.constant 0 : i32
    %dma_wait3A_483 = tpu.memref_slice %arg6[%add3A_476, %dma_wait3A_481, %dma_wait3A_482] : memref<4096x200x64xf32, #tpu.memory_space<hbm>> -> memref<1x200x64xf32, #tpu.memory_space<hbm>>
    %dma_wait3A_484 = tpu.memref_squeeze %dma_wait3A_483 : memref<1x200x64xf32, #tpu.memory_space<hbm>> -> memref<200x64xf32, #tpu.memory_space<hbm>>
    %dma_wait3A_485 = tpu.memref_slice %arg13[%rem3A_474] : memref<6x!tpu.dma_semaphore, #tpu.memory_space<semaphore_mem>> -> memref<1x!tpu.dma_semaphore, #tpu.memory_space<semaphore_mem>>
    %dma_wait3A_486 = tpu.memref_squeeze %dma_wait3A_485 : memref<1x!tpu.dma_semaphore, #tpu.memory_space<semaphore_mem>> -> memref<!tpu.dma_semaphore, #tpu.memory_space<semaphore_mem>>
    %dma_wait3A_487 = arith.constant 0 : i32
    %dma_wait3A_488 = arith.constant 0 : i32
    %dma_wait3A_489 = tpu.memref_slice %arg6[%add3A_476, %dma_wait3A_487, %dma_wait3A_488] : memref<4096x200x64xf32, #tpu.memory_space<hbm>> -> memref<1x200x64xf32, #tpu.memory_space<hbm>>
    %dma_wait3A_490 = tpu.memref_squeeze %dma_wait3A_489 : memref<1x200x64xf32, #tpu.memory_space<hbm>> -> memref<200x64xf32, #tpu.memory_space<hbm>>
    %dma_wait3A_491 = arith.constant 0 : i32
    %dma_wait3A_492 = arith.constant 0 : i32
    %dma_wait3A_493 = tpu.memref_slice %arg10[%rem3A_474, %dma_wait3A_491, %dma_wait3A_492] : memref<6x200x64xf32, #tpu.memory_space<vmem>> -> memref<1x200x64xf32, #tpu.memory_space<vmem>>
    %dma_wait3A_494 = tpu.memref_squeeze %dma_wait3A_493 : memref<1x200x64xf32, #tpu.memory_space<vmem>> -> memref<200x64xf32, #tpu.memory_space<vmem>>
    tpu.wait_dma2 semaphore(%dma_wait3A_486 : memref<!tpu.dma_semaphore, #tpu.memory_space<semaphore_mem>>) src(%dma_wait3A_494 : memref<200x64xf32, #tpu.memory_space<vmem>>) dst(%dma_wait3A_490 : memref<200x64xf32, #tpu.memory_space<hbm>>)
    %rem3A_495 = arith.constant 125 : i32
    %rem3A_496 = arith.constant 6 : i32
    %rem3A_497 = arith.remsi %rem3A_495, %rem3A_496 : i32
    %add3A_498 = arith.constant 125 : i32
    %add3A_499 = arith.addi %mul3A_2, %add3A_498 : i32
    %dma_wait3A_500 = arith.constant 0 : i32
    %dma_wait3A_501 = arith.constant 0 : i32
    %dma_wait3A_502 = tpu.memref_slice %arg10[%rem3A_497, %dma_wait3A_500, %dma_wait3A_501] : memref<6x200x64xf32, #tpu.memory_space<vmem>> -> memref<1x200x64xf32, #tpu.memory_space<vmem>>
    %dma_wait3A_503 = tpu.memref_squeeze %dma_wait3A_502 : memref<1x200x64xf32, #tpu.memory_space<vmem>> -> memref<200x64xf32, #tpu.memory_space<vmem>>
    %dma_wait3A_504 = arith.constant 0 : i32
    %dma_wait3A_505 = arith.constant 0 : i32
    %dma_wait3A_506 = tpu.memref_slice %arg6[%add3A_499, %dma_wait3A_504, %dma_wait3A_505] : memref<4096x200x64xf32, #tpu.memory_space<hbm>> -> memref<1x200x64xf32, #tpu.memory_space<hbm>>
    %dma_wait3A_507 = tpu.memref_squeeze %dma_wait3A_506 : memref<1x200x64xf32, #tpu.memory_space<hbm>> -> memref<200x64xf32, #tpu.memory_space<hbm>>
    %dma_wait3A_508 = tpu.memref_slice %arg13[%rem3A_497] : memref<6x!tpu.dma_semaphore, #tpu.memory_space<semaphore_mem>> -> memref<1x!tpu.dma_semaphore, #tpu.memory_space<semaphore_mem>>
    %dma_wait3A_509 = tpu.memref_squeeze %dma_wait3A_508 : memref<1x!tpu.dma_semaphore, #tpu.memory_space<semaphore_mem>> -> memref<!tpu.dma_semaphore, #tpu.memory_space<semaphore_mem>>
    %dma_wait3A_510 = arith.constant 0 : i32
    %dma_wait3A_511 = arith.constant 0 : i32
    %dma_wait3A_512 = tpu.memref_slice %arg6[%add3A_499, %dma_wait3A_510, %dma_wait3A_511] : memref<4096x200x64xf32, #tpu.memory_space<hbm>> -> memref<1x200x64xf32, #tpu.memory_space<hbm>>
    %dma_wait3A_513 = tpu.memref_squeeze %dma_wait3A_512 : memref<1x200x64xf32, #tpu.memory_space<hbm>> -> memref<200x64xf32, #tpu.memory_space<hbm>>
    %dma_wait3A_514 = arith.constant 0 : i32
    %dma_wait3A_515 = arith.constant 0 : i32
    %dma_wait3A_516 = tpu.memref_slice %arg10[%rem3A_497, %dma_wait3A_514, %dma_wait3A_515] : memref<6x200x64xf32, #tpu.memory_space<vmem>> -> memref<1x200x64xf32, #tpu.memory_space<vmem>>
    %dma_wait3A_517 = tpu.memref_squeeze %dma_wait3A_516 : memref<1x200x64xf32, #tpu.memory_space<vmem>> -> memref<200x64xf32, #tpu.memory_space<vmem>>
    tpu.wait_dma2 semaphore(%dma_wait3A_509 : memref<!tpu.dma_semaphore, #tpu.memory_space<semaphore_mem>>) src(%dma_wait3A_517 : memref<200x64xf32, #tpu.memory_space<vmem>>) dst(%dma_wait3A_513 : memref<200x64xf32, #tpu.memory_space<hbm>>)
    %rem3A_518 = arith.constant 126 : i32
    %rem3A_519 = arith.constant 6 : i32
    %rem3A_520 = arith.remsi %rem3A_518, %rem3A_519 : i32
    %add3A_521 = arith.constant 126 : i32
    %add3A_522 = arith.addi %mul3A_2, %add3A_521 : i32
    %dma_wait3A_523 = arith.constant 0 : i32
    %dma_wait3A_524 = arith.constant 0 : i32
    %dma_wait3A_525 = tpu.memref_slice %arg10[%rem3A_520, %dma_wait3A_523, %dma_wait3A_524] : memref<6x200x64xf32, #tpu.memory_space<vmem>> -> memref<1x200x64xf32, #tpu.memory_space<vmem>>
    %dma_wait3A_526 = tpu.memref_squeeze %dma_wait3A_525 : memref<1x200x64xf32, #tpu.memory_space<vmem>> -> memref<200x64xf32, #tpu.memory_space<vmem>>
    %dma_wait3A_527 = arith.constant 0 : i32
    %dma_wait3A_528 = arith.constant 0 : i32
    %dma_wait3A_529 = tpu.memref_slice %arg6[%add3A_522, %dma_wait3A_527, %dma_wait3A_528] : memref<4096x200x64xf32, #tpu.memory_space<hbm>> -> memref<1x200x64xf32, #tpu.memory_space<hbm>>
    %dma_wait3A_530 = tpu.memref_squeeze %dma_wait3A_529 : memref<1x200x64xf32, #tpu.memory_space<hbm>> -> memref<200x64xf32, #tpu.memory_space<hbm>>
    %dma_wait3A_531 = tpu.memref_slice %arg13[%rem3A_520] : memref<6x!tpu.dma_semaphore, #tpu.memory_space<semaphore_mem>> -> memref<1x!tpu.dma_semaphore, #tpu.memory_space<semaphore_mem>>
    %dma_wait3A_532 = tpu.memref_squeeze %dma_wait3A_531 : memref<1x!tpu.dma_semaphore, #tpu.memory_space<semaphore_mem>> -> memref<!tpu.dma_semaphore, #tpu.memory_space<semaphore_mem>>
    %dma_wait3A_533 = arith.constant 0 : i32
    %dma_wait3A_534 = arith.constant 0 : i32
    %dma_wait3A_535 = tpu.memref_slice %arg6[%add3A_522, %dma_wait3A_533, %dma_wait3A_534] : memref<4096x200x64xf32, #tpu.memory_space<hbm>> -> memref<1x200x64xf32, #tpu.memory_space<hbm>>
    %dma_wait3A_536 = tpu.memref_squeeze %dma_wait3A_535 : memref<1x200x64xf32, #tpu.memory_space<hbm>> -> memref<200x64xf32, #tpu.memory_space<hbm>>
    %dma_wait3A_537 = arith.constant 0 : i32
    %dma_wait3A_538 = arith.constant 0 : i32
    %dma_wait3A_539 = tpu.memref_slice %arg10[%rem3A_520, %dma_wait3A_537, %dma_wait3A_538] : memref<6x200x64xf32, #tpu.memory_space<vmem>> -> memref<1x200x64xf32, #tpu.memory_space<vmem>>
    %dma_wait3A_540 = tpu.memref_squeeze %dma_wait3A_539 : memref<1x200x64xf32, #tpu.memory_space<vmem>> -> memref<200x64xf32, #tpu.memory_space<vmem>>
    tpu.wait_dma2 semaphore(%dma_wait3A_532 : memref<!tpu.dma_semaphore, #tpu.memory_space<semaphore_mem>>) src(%dma_wait3A_540 : memref<200x64xf32, #tpu.memory_space<vmem>>) dst(%dma_wait3A_536 : memref<200x64xf32, #tpu.memory_space<hbm>>)
    %rem3A_541 = arith.constant 127 : i32
    %rem3A_542 = arith.constant 6 : i32
    %rem3A_543 = arith.remsi %rem3A_541, %rem3A_542 : i32
    %add3A_544 = arith.constant 127 : i32
    %add3A_545 = arith.addi %mul3A_2, %add3A_544 : i32
    %dma_wait3A_546 = arith.constant 0 : i32
    %dma_wait3A_547 = arith.constant 0 : i32
    %dma_wait3A_548 = tpu.memref_slice %arg10[%rem3A_543, %dma_wait3A_546, %dma_wait3A_547] : memref<6x200x64xf32, #tpu.memory_space<vmem>> -> memref<1x200x64xf32, #tpu.memory_space<vmem>>
    %dma_wait3A_549 = tpu.memref_squeeze %dma_wait3A_548 : memref<1x200x64xf32, #tpu.memory_space<vmem>> -> memref<200x64xf32, #tpu.memory_space<vmem>>
    %dma_wait3A_550 = arith.constant 0 : i32
    %dma_wait3A_551 = arith.constant 0 : i32
    %dma_wait3A_552 = tpu.memref_slice %arg6[%add3A_545, %dma_wait3A_550, %dma_wait3A_551] : memref<4096x200x64xf32, #tpu.memory_space<hbm>> -> memref<1x200x64xf32, #tpu.memory_space<hbm>>
    %dma_wait3A_553 = tpu.memref_squeeze %dma_wait3A_552 : memref<1x200x64xf32, #tpu.memory_space<hbm>> -> memref<200x64xf32, #tpu.memory_space<hbm>>
    %dma_wait3A_554 = tpu.memref_slice %arg13[%rem3A_543] : memref<6x!tpu.dma_semaphore, #tpu.memory_space<semaphore_mem>> -> memref<1x!tpu.dma_semaphore, #tpu.memory_space<semaphore_mem>>
    %dma_wait3A_555 = tpu.memref_squeeze %dma_wait3A_554 : memref<1x!tpu.dma_semaphore, #tpu.memory_space<semaphore_mem>> -> memref<!tpu.dma_semaphore, #tpu.memory_space<semaphore_mem>>
    %dma_wait3A_556 = arith.constant 0 : i32
    %dma_wait3A_557 = arith.constant 0 : i32
    %dma_wait3A_558 = tpu.memref_slice %arg6[%add3A_545, %dma_wait3A_556, %dma_wait3A_557] : memref<4096x200x64xf32, #tpu.memory_space<hbm>> -> memref<1x200x64xf32, #tpu.memory_space<hbm>>
    %dma_wait3A_559 = tpu.memref_squeeze %dma_wait3A_558 : memref<1x200x64xf32, #tpu.memory_space<hbm>> -> memref<200x64xf32, #tpu.memory_space<hbm>>
    %dma_wait3A_560 = arith.constant 0 : i32
    %dma_wait3A_561 = arith.constant 0 : i32
    %dma_wait3A_562 = tpu.memref_slice %arg10[%rem3A_543, %dma_wait3A_560, %dma_wait3A_561] : memref<6x200x64xf32, #tpu.memory_space<vmem>> -> memref<1x200x64xf32, #tpu.memory_space<vmem>>
    %dma_wait3A_563 = tpu.memref_squeeze %dma_wait3A_562 : memref<1x200x64xf32, #tpu.memory_space<vmem>> -> memref<200x64xf32, #tpu.memory_space<vmem>>
    tpu.wait_dma2 semaphore(%dma_wait3A_555 : memref<!tpu.dma_semaphore, #tpu.memory_space<semaphore_mem>>) src(%dma_wait3A_563 : memref<200x64xf32, #tpu.memory_space<vmem>>) dst(%dma_wait3A_559 : memref<200x64xf32, #tpu.memory_space<hbm>>)
    return
  }
}

</mosaic_0001>

<sc_bundles>
// kernel: kernel.3.cloned.1.call-start
scs
__scs_entry_jumppad:
0x0: {  	(pc) =	sbr.rel $0x88, $3  }
0x1: {  	(tag) =	ssettag $0x0;
	lr =	simm.s32 $0x1  }
0x2: {  	[smem:$0x3F9D] =	sst lr;
	_ =	strace $0xD0000000  }
0x3: {  	_ = 	snop  }
0x4: {  	_ = 	snop  }
0x5: {  	_ = 	snop  }
0x6: {  	_ = 	snop  }
0x7: {  	_ = 	snop  }
__scs_overlays_trampoline_lowered:
0x8: {  	[smem:$0x3FAC] =	sst s0  }
0x9: {  	[smem:$0x3FAD] =	sst s1  }
0xa: {  	[smem:$0x3FAE] =	sst s2  }
0xb: {  	[smem:$0x3FAF] =	sst s3  }
0xc: {  	[smem:$0x3FB0] =	sst s4  }
0xd: {  	[smem:$0x3FB1] =	sst s5  }
0xe: {  	[smem:$0x3FB2] =	sst s6  }
0xf: {  	[smem:$0x3FB3] =	sst s7  }
0x10: {  	[smem:$0x3FB4] =	sst s8  }
0x11: {  	[smem:$0x3FB5] =	sst s9;
	s0 =	simm.s32 @!p0 $0x0  }
0x12: {  	s1 =	sld [smem:$0x3F9B];
	s0 =	simm.s32 @p0 $0x1  }
0x13: {  	[smem:$0x3FB6] =	sst s0;
	s0 =	simm.s32 @!p1 $0x0  }
0x14: {  	s2 =	sld [smem:$0x3F9A];
	s0 =	simm.s32 @p1 $0x1  }
0x15: {  	[smem:$0x3FB7] =	sst s0;
	s0 =	simm.s32 @!p2 $0x0  }
0x16: {  	s3 =	sld [smem:$0x3FDB];
	s0 =	simm.s32 @p2 $0x1  }
0x17: {  	s4 =	simm.s32 $0x1BF5;
	[smem:$0x3FB9] =	sst s0  }
0x18: {  	s0 =	sld [smem:$0x3F9C];
	_ =	swait.ge [sflag:s4], $0x0  }
0x19: {  	s7 =	sld [smem:$0x3F9D]  }
0x1a: {  	s8 =	sadd.s32 $0xFFFFE003, lr  }
0x1b: {  	s9 =	sadd.s32 $0xFFFFFEF7, lr;
	s5 =	simm.s32 $0xFFFFFFFF;
	p2 =	slt.u32 s8, $0xFFFFF086  }
0x1c: {  	p1 =	slt.u32 s9, $0xF7A;
	s5 =	simm.s32 @!p2 $0x0  }
0x1d: {  	s5 =	simm.s32 @p1 $0x1;
	p0 =	seq.s32 s7, s2  }
0x1e: {  	s7 =	smul.u32 @!p0 $0xF7A, s2;
	p2 =	seq.s32 @!p0 s5, $0x0  }
0x1f: {  	s9 =	smul.u32 $0xF7A, s1;
	s8 =	simm.s32 @!p0 $0x1BF5;
	p2 =	por !p2, p0  }
0x20: {  	[sflag:s8] =	ssyncset.s32 @!p0 $0xFFFFF086;
	s6 =	sadd.s32 @!p0 s3, s7;
	s7 =	simm.s32 @!p0 $0x108  }
0x21: {  	s3 =	sadd.s32 s3, s9;
	s6 =	sadd.s32 @!p0 $0x88, s6;
	s7 =	simm.s32 @p2 $0x1082  }
0x22: {  	[simem:s7], [sflag:s8] =	dma.local @!p0 [hbm:s6], $0xF7A  }
0x23: {  	s9 =	sor.u32 $0xD0000000, s2;
	s6 =	simm.s32 $0x108;
	_ =	swait.ge @!p0 [sflag:s8], $0x0  }
0x24: {  	s3 =	sadd.s32 $0x88, s3;
	s6 =	simm.s32 @!p1 $0x1082;
	[sflag:s4] =	ssyncset.s32 $0xFFFFF086  }
0x25: {  	[simem:s6], [sflag:s4] =	dma.local [hbm:s3], $0xF7A  }
0x26: {  	[smem:$0x3F9D] =	sst s1;
	(tag) =	ssettag s2;
	_ =	strace s9  }
0x27: {  	s1 =	sld [smem:$0x3FAD]  }
0x28: {  	s2 =	sld [smem:$0x3FAE]  }
0x29: {  	s4 =	sld [smem:$0x3FB0]  }
0x2a: {  	p0 =	seq.s32 s5, $0x0;
	s5 =	sld [smem:$0x3FB1]  }
0x2b: {  	s6 =	sld [smem:$0x3FB2]  }
0x2c: {  	s7 =	sld [smem:$0x3FB3]  }
0x2d: {  	s3 =	simm.s32 $0x108;
	s8 =	sld [smem:$0x3FB4]  }
0x2e: {  	s3 =	simm.s32 @!p0 $0x1082;
	s9 =	sld [smem:$0x3FB5]  }
0x2f: {  	lr =	sadd.s32 s0, s3;
	s0 =	sld [smem:$0x3FAC]  }
0x30: {  	s3 =	sld [smem:$0x3FAF]  }
0x31: {  	[smem:$0x3FB8] =	sst s10  }
0x32: {  	s10 =	sld [smem:$0x3FB6];
	_ =	sdelay $0x3  }
0x33: {  	p0 =	seq.s32 s10, $0x1;
	s10 =	sld [smem:$0x3FB8];
	_ =	sdelay $0x3  }
0x34: {  	[smem:$0x3FB8] =	sst s10  }
0x35: {  	s10 =	sld [smem:$0x3FB7];
	_ =	sdelay $0x3  }
0x36: {  	p1 =	seq.s32 s10, $0x1;
	s10 =	sld [smem:$0x3FB8];
	_ =	sdelay $0x3  }
0x37: {  	[smem:$0x3FB8] =	sst s10  }
0x38: {  	s10 =	sld [smem:$0x3FB9]  }
0x39: {  	_ = 	snop;
	(pc) =	sbr.ind lr, $3  }
0x3a: {  	_ = 	snop  }
0x3b: {  	_ = 	snop  }
0x3c: {  	p2 =	seq.s32 s10, $0x1;
	s10 =	sld [smem:$0x3FB8]  }
0x3d: {  	_ =	shalt  }
0x3e: {  	_ =	shalt  }
0x3f: {  	_ =	shalt  }
0x40: {  	_ =	shalt  }
0x41: {  	_ =	shalt  }
0x42: {  	_ =	shalt  }
0x43: {  	_ =	shalt  }
0x44: {  	_ =	shalt  }
0x45: {  	_ =	shalt  }
0x46: {  	_ =	shalt  }
0x47: {  	_ =	shalt  }
0x48: {  	_ =	shalt  }
0x49: {  	_ =	shalt  }
0x4a: {  	_ =	shalt  }
0x4b: {  	_ =	shalt  }
0x4c: {  	_ =	shalt  }
0x4d: {  	_ =	shalt  }
0x4e: {  	_ =	shalt  }
0x4f: {  	_ =	shalt  }
0x50: {  	_ =	shalt  }
0x51: {  	_ =	shalt  }
0x52: {  	_ =	shalt  }
0x53: {  	_ =	shalt  }
0x54: {  	_ =	shalt  }
0x55: {  	_ =	shalt  }
0x56: {  	_ =	shalt  }
0x57: {  	_ =	shalt  }
0x58: {  	_ =	shalt  }
0x59: {  	_ =	shalt  }
0x5a: {  	_ =	shalt  }
0x5b: {  	_ =	shalt  }
0x5c: {  	_ =	shalt  }
0x5d: {  	_ =	shalt  }
0x5e: {  	_ =	shalt  }
0x5f: {  	_ =	shalt  }
0x60: {  	_ =	shalt  }
0x61: {  	_ =	shalt  }
0x62: {  	_ =	shalt  }
0x63: {  	_ =	shalt  }
0x64: {  	_ =	shalt  }
0x65: {  	_ =	shalt  }
0x66: {  	_ =	shalt  }
0x67: {  	_ =	shalt  }
0x68: {  	_ =	shalt  }
0x69: {  	_ =	shalt  }
0x6a: {  	_ =	shalt  }
0x6b: {  	_ =	shalt  }
0x6c: {  	_ =	shalt  }
0x6d: {  	_ =	shalt  }
0x6e: {  	_ =	shalt  }
0x6f: {  	_ =	shalt  }
0x70: {  	_ =	shalt  }
0x71: {  	_ =	shalt  }
0x72: {  	_ =	shalt  }
0x73: {  	_ =	shalt  }
0x74: {  	_ =	shalt  }
0x75: {  	_ =	shalt  }
0x76: {  	_ =	shalt  }
0x77: {  	_ =	shalt  }
0x78: {  	_ =	shalt  }
0x79: {  	_ =	shalt  }
0x7a: {  	_ =	shalt  }
0x7b: {  	_ =	shalt  }
0x7c: {  	_ =	shalt  }
0x7d: {  	_ =	shalt  }
0x7e: {  	_ =	shalt  }
0x7f: {  	_ =	shalt  }
0x80: {  	_ =	shalt  }
0x81: {  	_ =	shalt  }
0x82: {  	_ =	shalt  }
0x83: {  	_ =	shalt  }
0x84: {  	_ =	shalt  }
0x85: {  	_ =	shalt  }
0x86: {  	_ =	shalt  }
0x87: {  	_ =	shalt  }
.Lfunc_end0:
.L_simem_size_0:
called_computation.1_lowered:
.L_overlay_start_0:
0x88: {  	s2 =	sld [smem:$0x3FD9]  }
0x89: {  	s3 =	sld [smem:$0x3FFE];
	_ =	sdelay $0x1  }
0x8a: {  	s1 =	srdreg.scid  }
0x8b: {  	s0 =	sand.u32 $0x1, s1  }
0x8c: {  	s17 =	sshll.u32 s0, $0xA;
	s2 =	sadd.s32 s3, s2  }
0x8d: {  	s2 =	sadd.s32 s2, s17  }
0x8e: {  	[smem:$0x3FC4] =	sst s2  }
0x8f: {  	_ = 	snop  }
0x90: {  	s2 =	sld [smem:$0x3FD0];
	(tm) =	ssettm $0x1  }
0x91: {  	s18 =	sld [smem:$0x3FFB];
	_ =	sdelay $0x3  }
0x92: {  	_ =	strace s18  }
0x93: {  	s3 =	sld [smem:$0x3FFC];
	_ =	sdelay $0x3  }
0x94: {  	_ =	strace s3  }
0x95: {  	s3 =	sld [smem:$0x3FFD];
	_ =	sdelay $0x3  }
0x96: {  	_ =	strace s3  }
0x97: {  	_ =	strace $0x8FFFFFFF  }
0x98: {  	s19 =	sld [smem:$0x3FDB];
	_ =	sdelay $0x1  }
0x99: {  	s4 =	simm.s32 $_scs_section_size  }
0x9a: {  	s5 =	simm.s32 $_size__tile_overlayer_lowered;
	s6 =	simm.s32 $_tile_overlayer_lowered  }
0x9b: {  	s22 =	simm.s32 $0x1BFF;
	s21 =	sshll.u32 s6, $0x1;
	s3 =	sadd.s32 s4, s19  }
0x9c: {  	s7 =	simm.s32 $0x0;
	s20 =	sshll.u32 s5, $0x1;
	s5 =	sadd.s32 s21, s3  }
0x9d: {  	[timem:s7], [sflag:s22] =	dma.local [hbm:s5], s20  }
0x9e: {  	_ =	swait.ge [sflag:s22], s20  }
0x9f: {  	s4 =	ssub.s32 $0x0, s20;
	[sflag:s22] =	ssyncset.done $0x0  }
0xa0: {  	[sflag:s22] =	ssyncadd.s32 s4;
	_ =	sdelay $0x1  }
0xa1: {  	s23 =	simm.s32 $0x1B8B  }
0xa2: {  	_ =	swait.ge [sflag:s23], $0x1  }
0xa3: {  	[sflag:s23] =	ssyncset.done $0x0  }
0xa4: {  	s25 =	simm.s32 $0x1B8E;
	s24 =	sld [smem:$0x3FFE];
	[sflag:s23] =	ssyncadd.s32 $0xFFFFFFFF  }
0xa5: {  	s26 =	simm.s32 $execute0_lowered;
	[smem:$0x3FD2] =	sst s25  }
0xa6: {  	s5 =	sshll.u32 s26, $0x1;
	_ =	strace $0x80000046;
	[dreg:$0x1] =	wrdreg $0xFFFFFFFF  }
0xa7: {  	s28 =	simm.s32 $_size_execute0_lowered;
	s3 =	sadd.s32 s3, s5;
	[dreg:$0x0] =	wrdreg $0x0  }
0xa8: {  	s5 =	sshll.u32 s28, $0x1;
	[dreg:$0x2] =	wrdreg s3  }
0xa9: {  	[dreg:$0x3] =	wrdreg s5  }
0xaa: {  	[dreg:$0x4] =	wrdreg $0xC0  }
0xab: {  	_ =	task [dreg:s7], $0x5FFFF  }
0xac: {  	[dreg:$0x1] =	wrdreg $0xFFFFFFFF  }
0xad: {  	[dreg:$0x0] =	wrdreg $0x60  }
0xae: {  	[dreg:$0x2] =	wrdreg s24  }
0xaf: {  	[dreg:$0x3] =	wrdreg s2  }
0xb0: {  	[dreg:$0x4] =	wrdreg $0x9  }
0xb1: {  	_ =	task.clear_ibuf [dreg:s7], $0x5FFFF;
	_ =	strace $0x90000046  }
0xb2: {  	s29 =	simm.s32 $0x9;
	_ =	strace $0x80000048  }
0xb3: {  	_ =	swait.ge [sflag:s29], $0x1  }
0xb4: {  	[sflag:s29] =	ssyncadd.s32 $0xFFFFFFFF  }
0xb5: {  	_ =	strace $0x90000048  }
0xb6: {  	_ =	sfence  }
0xb7: {  	s30 =	sld [smem:$0x0];
	_ =	sdelay $0x2  }
0xb8: {  	s31 =	sshll.u32 s1, $0xD;
	s1 =	sshrl.u32 s1, $0x2  }
0xb9: {  	s3 =	sand.u32 $0x4000, s31;
	s1 =	sadd.s32 s1, s30  }
0xba: {  	s0 =	sor.u32 s3, s0;
	s1 =	sshll.u32 s1, $0x11  }
0xbb: {  	s0 =	sor.u32 s1, s0  }
0xbc: {  	s0 =	sadd.s32 $0x8F2B, s0  }
0xbd: {  	[sflag:s0] =	ssyncadd.remote.s32 $0x1  }
0xbe: {  	_ =	sfence.sel $0xFFFF  }
0xbf: {  	[dreg:$0x0] =	wrdreg $0xFFFFFFFF;
	(pc) =	sbr.abs _section_cstart, $3  }
0xc0: {  	[dreg:$0x1] =	wrdreg $0xFFFFFFFF  }
0xc1: {  	_ =	task.clear_ibuf [dreg:s7], $0x2FFFF;
	_ =	strace $0x9FFFFFFF  }
0xc2: {  	(tm) =	ssettm $0x7FFFFFFF  }
0xc3: {  	_ =	shalt  }
tec
execute0_lowered:
.L_overlay_start_1:
0x0: {  	(tag) =	ssettag $0x1  }
0x1: {  	s0 =	rddreg [dreg:$0x0]  }
0x2: {  	s1 =	rddreg [dreg:$0x1];
	s3 =	simm.s32 $0x0  }
0x3: {  	s2 =	srdreg.scid;
	s5 =	stileid.u32;
	s28 =	simm.s32 $0x28  }
0x4: {  	s30 =	simm.s32 $0x3;
	s29 =	simm.s32 $0xD;
	s31 =	simm.s32 $0xE  }
0x5: {  	[smem:$0x7FF] =	sst s3;
	s4 =	sadd.s32 $0x19E00, s0;
	s2 =	sand.u32 $0x1, s2  }
0x6: {  	s6 =	sshll.u32 s5, $0x1;
	s5 =	sadd.s32 $0xE00, s0;
	_ =	strace $0x80000047  }
0x7: {  	s7 =	ssub.s32 $0x2, s2;
	s2 =	sor.u32 s2, s6;
	s6 =	sadd.s32 $0xF43200, s0  }
0x8: {  	s0 =	sadd.s32 $0x32E00, s0;
	s8 =	sshrl.u32 s7, $0x1;
	s9 =	smul.u32 $0xC80, s2  }
0x9: {  	[dreg:$0x3] =	wrdreg s0;
	s0 =	simm.s32 $0x0;
	s18 =	ssub.s32 s7, s8  }
0xa: {  	s8 =	sshll.u32 s2, $0x7;
	s19 =	sadd.s32 s4, s9;
	s20 =	sadd.s32 s5, s9  }
0xb: {  	s21 =	sor.u32 $0x19, s9;
	s23 =	sor.u32 $0x32, s9;
	s25 =	sor.u32 $0x4B, s9  }
0xc: {  	s17 =	smax.u32 s18, $0x1;
	s18 =	simm.s32 $0x13;
	[dreg:$0x4] =	wrdreg s19  }
0xd: {  	[dreg:$0x5] =	wrdreg s20;
	s22 =	sadd.s32 s4, s21;
	s2 =	sadd.s32 s5, s21  }
0xe: {  	s24 =	sadd.s32 s4, s23;
	s26 =	sadd.s32 s4, s25;
	[dreg:$0x6] =	wrdreg s22  }
0xf: {  	s16 =	sadd.s32 s5, s25;
	s25 =	simm.s32 $0x2;
	[dreg:$0x7] =	wrdreg s2  }
0x10: {  	s21 =	simm.s32 $0x10;
	[dreg:$0x8] =	wrdreg s24;
	s2 =	sadd.s32 s5, s23  }
0x11: {  	v0 =	vlaneseq.u32;
	[dreg:$0xa] =	wrdreg s26;
	s26 =	simm.s32 $0x1;
	s23 =	simm.s32 $0x11  }
0x12: {  	v1 =	vor.u32 $0x10, v0;
	v2 =	vor.u32 $0x20, v0;
	v3 =	vor.u32 $0x30, v0;
	s24 =	simm.s32 $0x12;
	[dreg:$0x9] =	wrdreg s2;
	s2 =	simm.s32 $0xF  }
.LBB2_1:
0x13: {  	s7 =	rddreg [dreg:$0x3]  }
0x14: {  	[tilespmem:s3], [sflag:$0x13] =	stream.linear.gather [hbm4b:s7+s3], $0x8000, $0x38;
	[tilespmem:$0x1B800] =	vst v63  }
0x15: {  	_ =	swait.ge [sflag:s18], $0x8000  }
0x16: {  	[sflag:s18] =	ssyncset.done $0x0  }
0x17: {  	s10 =	simm.s32 $0x8000;
	s11 =	rddreg [dreg:$0x4];
	[sflag:s18] =	ssyncadd.s32 $0xFFFF8000  }
0x18: {  	[tilespmem:s10], [sflag:$0x1] =	stream.linear.gather [hbm4b:s11+s3], $0xC8, $0x38;
	[tilespmem:$0x1B800] =	vst v63  }
0x19: {  	s7 =	simm.s32 $0x8600;
	s9 =	rddreg [dreg:$0x5]  }
0x1a: {  	[tilespmem:s7], [sflag:$0x1] =	stream.linear.gather [hbm4b:s9+s3], $0xC8, $0x38;
	[tilespmem:$0x1B800] =	vst v63  }
0x1b: {  	s12 =	rddreg [dreg:$0x6];
	s11 =	simm.s32 $0x8100  }
0x1c: {  	[tilespmem:s11], [sflag:$0x2] =	stream.linear.gather [hbm4b:s12+s3], $0xC8, $0x38;
	[tilespmem:$0x1B800] =	vst v63  }
0x1d: {  	s13 =	rddreg [dreg:$0x7];
	s12 =	simm.s32 $0x8700  }
0x1e: {  	[tilespmem:s12], [sflag:$0x2] =	stream.linear.gather [hbm4b:s13+s3], $0xC8, $0x38;
	[tilespmem:$0x1B800] =	vst v63  }
0x1f: {  	s14 =	rddreg [dreg:$0x8];
	s12 =	simm.s32 $0x8200  }
0x20: {  	[tilespmem:s12], [sflag:$0x3] =	stream.linear.gather [hbm4b:s14+s3], $0xC8, $0x38;
	[tilespmem:$0x1B800] =	vst v63  }
0x21: {  	s15 =	rddreg [dreg:$0x9];
	s13 =	simm.s32 $0x8800  }
0x22: {  	[tilespmem:s13], [sflag:$0x3] =	stream.linear.gather [hbm4b:s15+s3], $0xC8, $0x38;
	[tilespmem:$0x1B800] =	vst v63  }
0x23: {  	s20 =	simm.s32 $0x8300;
	s19 =	rddreg [dreg:$0xa]  }
0x24: {  	[tilespmem:s20], [sflag:$0x4] =	stream.linear.gather [hbm4b:s19+s3], $0xC8, $0x38;
	[tilespmem:$0x1B800] =	vst v63  }
0x25: {  	s22 =	simm.s32 $0x8900  }
0x26: {  	[tilespmem:s22], [sflag:$0x4] =	stream.linear.gather [hbm4b:s16+s3], $0xC8, $0x38;
	[tilespmem:$0x1B800] =	vst v63  }
0x27: {  	_ =	swait.ge [sflag:s26], $0xC8  }
0x28: {  	[sflag:s26] =	ssyncset.done $0x0  }
0x29: {  	[sflag:s26] =	ssyncadd.s32 $0xFFFFFF38  }
0x2a: {  	_ =	swait.ge [sflag:s26], $0xC8  }
0x2b: {  	[sflag:s26] =	ssyncset.done $0x0  }
0x2c: {  	s9 =	simm.s32 $0x8C00;
	[sflag:s26] =	ssyncadd.s32 $0xFFFFFF38  }
0x2d: {  	[tilespmem:s9], [sflag:$0x7] =	stream.indirect.gather [hbm4b:s6+s28], $0x40, s10, s28, $0xb8;
	[tilespmem:$0x1B800] =	vst v63  }
0x2e: {  	s14 =	simm.s32 $0x9600;
	s13 =	simm.s32 $0x8028  }
0x2f: {  	[tilespmem:s14], [sflag:$0x7] =	stream.indirect.gather [hbm4b:s6+s28], $0x40, s13, s28, $0xb8;
	[tilespmem:$0x1B800] =	vst v63  }
0x30: {  	s15 =	simm.s32 $0x8050;
	s19 =	simm.s32 $0xA000  }
0x31: {  	[tilespmem:s19], [sflag:$0x7] =	stream.indirect.gather [hbm4b:s6+s28], $0x40, s15, s28, $0xb8;
	[tilespmem:$0x1B800] =	vst v63  }
0x32: {  	s20 =	simm.s32 $0x8078;
	s22 =	simm.s32 $0xAA00  }
0x33: {  	[tilespmem:s22], [sflag:$0x7] =	stream.indirect.gather [hbm4b:s6+s28], $0x40, s20, s28, $0xb8;
	[tilespmem:$0x1B800] =	vst v63  }
0x34: {  	s14 =	simm.s32 $0x80A0;
	s15 =	simm.s32 $0xB400  }
0x35: {  	[tilespmem:s15], [sflag:$0x7] =	stream.indirect.gather [hbm4b:s6+s28], $0x40, s14, s28, $0xb8;
	[tilespmem:$0x1B800] =	vst v63  }
0x36: {  	_ =	swait.ge [sflag:s25], $0xC8  }
0x37: {  	[sflag:s25] =	ssyncset.done $0x0  }
0x38: {  	[sflag:s25] =	ssyncadd.s32 $0xFFFFFF38  }
0x39: {  	_ =	swait.ge [sflag:s25], $0xC8  }
0x3a: {  	[sflag:s25] =	ssyncset.done $0x0  }
0x3b: {  	s19 =	simm.s32 $0xBE00;
	[sflag:s25] =	ssyncadd.s32 $0xFFFFFF38  }
0x3c: {  	[tilespmem:s19], [sflag:$0x8] =	stream.indirect.gather [hbm4b:s6+s28], $0x40, s11, s28, $0xb8;
	[tilespmem:$0x1B800] =	vst v63  }
0x3d: {  	s20 =	simm.s32 $0x8128;
	s22 =	simm.s32 $0xC800  }
0x3e: {  	[tilespmem:s22], [sflag:$0x8] =	stream.indirect.gather [hbm4b:s6+s28], $0x40, s20, s28, $0xb8;
	[tilespmem:$0x1B800] =	vst v63  }
0x3f: {  	s13 =	simm.s32 $0xD200;
	s11 =	simm.s32 $0x8150  }
0x40: {  	[tilespmem:s13], [sflag:$0x8] =	stream.indirect.gather [hbm4b:s6+s28], $0x40, s11, s28, $0xb8;
	[tilespmem:$0x1B800] =	vst v63  }
0x41: {  	s14 =	simm.s32 $0x8178;
	s15 =	simm.s32 $0xDC00  }
0x42: {  	[tilespmem:s15], [sflag:$0x8] =	stream.indirect.gather [hbm4b:s6+s28], $0x40, s14, s28, $0xb8;
	[tilespmem:$0x1B800] =	vst v63  }
0x43: {  	s19 =	simm.s32 $0x81A0;
	s20 =	simm.s32 $0xE600  }
0x44: {  	[tilespmem:s20], [sflag:$0x8] =	stream.indirect.gather [hbm4b:s6+s28], $0x40, s19, s28, $0xb8;
	[tilespmem:$0x1B800] =	vst v63  }
0x45: {  	_ =	swait.ge [sflag:s30], $0xC8  }
0x46: {  	[sflag:s30] =	ssyncset.done $0x0  }
0x47: {  	[sflag:s30] =	ssyncadd.s32 $0xFFFFFF38  }
0x48: {  	_ =	swait.ge [sflag:s30], $0xC8  }
0x49: {  	[sflag:s30] =	ssyncset.done $0x0  }
0x4a: {  	s22 =	simm.s32 $0xF000;
	[sflag:s30] =	ssyncadd.s32 $0xFFFFFF38  }
0x4b: {  	[tilespmem:s22], [sflag:$0x9] =	stream.indirect.gather [hbm4b:s6+s28], $0x40, s12, s28, $0xb8;
	[tilespmem:$0x1B800] =	vst v63  }
0x4c: {  	s11 =	simm.s32 $0x8228;
	s12 =	simm.s32 $0xFA00  }
0x4d: {  	[tilespmem:s12], [sflag:$0x9] =	stream.indirect.gather [hbm4b:s6+s28], $0x40, s11, s28, $0xb8;
	[tilespmem:$0x1B800] =	vst v63  }
0x4e: {  	s13 =	simm.s32 $0x8250;
	s14 =	simm.s32 $0x10400  }
0x4f: {  	[tilespmem:s14], [sflag:$0x9] =	stream.indirect.gather [hbm4b:s6+s28], $0x40, s13, s28, $0xb8;
	[tilespmem:$0x1B800] =	vst v63  }
0x50: {  	s15 =	simm.s32 $0x8278;
	s19 =	simm.s32 $0x10E00  }
0x51: {  	[tilespmem:s19], [sflag:$0x9] =	stream.indirect.gather [hbm4b:s6+s28], $0x40, s15, s28, $0xb8;
	[tilespmem:$0x1B800] =	vst v63  }
0x52: {  	s10 =	simm.s32 $0x0;
	s20 =	simm.s32 $0x82A0;
	s22 =	simm.s32 $0x11800  }
0x53: {  	[tilespmem:s22], [sflag:$0x9] =	stream.indirect.gather [hbm4b:s6+s28], $0x40, s20, s28, $0xb8;
	[tilespmem:$0x1B800] =	vst v63  }
.LBB2_2:
0x54: {  	s11 =	smul.u32 $0xAB, s10;
	_ =	sdelay $0x1  }
0x55: {  	s11 =	sshrl.u32 s11, $0xA  }
0x56: {  	s11 =	sand.u32 $0x3F, s11  }
0x57: {  	s11 =	smul.u32 $0x6, s11;
	_ =	sdelay $0x1  }
0x58: {  	s11 =	ssub.s32 s10, s11  }
0x59: {  	s11 =	sand.u32 $0xFF, s11  }
0x5a: {  	s12 =	sadd.s32 $0x7, s11  }
0x5b: {  	_ =	swait.ge [sflag:s12], $0xA00  }
0x5c: {  	[sflag:s12] =	ssyncset.done $0x0  }
0x5d: {  	[sflag:s12] =	ssyncadd.s32 $0xFFFFF600  }
0x5e: {  	_ =	swait.ge [sflag:s12], $0xA00  }
0x5f: {  	[sflag:s12] =	ssyncset.done $0x0  }
0x60: {  	[sflag:s12] =	ssyncadd.s32 $0xFFFFF600  }
0x61: {  	_ =	swait.ge [sflag:s12], $0xA00  }
0x62: {  	[sflag:s12] =	ssyncset.done $0x0  }
0x63: {  	[sflag:s12] =	ssyncadd.s32 $0xFFFFF600  }
0x64: {  	p0 =	slt.u32 s10, $0x7C;
	_ =	swait.ge [sflag:s12], $0xA00  }
.Ltmp0:
0x65: {  	[sflag:s12] =	ssyncset.done $0x0;
	(pc) =	sbr.rel @!p0 .LBB2_3-.Ltmp0, $4  }
0x66: {  	[sflag:s12] =	ssyncadd.s32 $0xFFFFF600  }
0x67: {  	_ =	swait.ge [sflag:s12], $0xA00  }
0x68: {  	[sflag:s12] =	ssyncset.done $0x0  }
0x69: {  	[sflag:s12] =	ssyncadd.s32 $0xFFFFF600  }
0x6a: {  	s12 =	sadd.s32 $0x4, s10  }
0x6b: {  	s13 =	smul.u32 $0xAB, s12;
	_ =	sdelay $0x1  }
0x6c: {  	s13 =	sshrl.u32 s13, $0xA  }
0x6d: {  	s13 =	sand.u32 $0x3F, s13  }
0x6e: {  	s14 =	sadd.s32 $0x3, s10;
	s13 =	smul.u32 $0x6, s13  }
0x6f: {  	s19 =	sand.u32 $0xFF, s14  }
0x70: {  	s19 =	smul.u32 $0xAB, s19;
	s13 =	ssub.s32 s12, s13;
	s12 =	sadd.s32 s8, s12  }
0x71: {  	p0 =	slt.u32 s10, $0x3;
	s13 =	sand.u32 $0xFF, s13;
	s12 =	smul.u32 $0x19, s12  }
0x72: {  	s19 =	sshrl.u32 s19, $0xA;
	s15 =	sadd.s32 $0x1, s13;
	s13 =	sshll.u32 s13, $0x8  }
0x73: {  	s19 =	smul.u32 $0x6, s19;
	s20 =	sor.u32 $0x8000, s13;
	s22 =	sadd.s32 s4, s12  }
0x74: {  	[tilespmem:s20], [sflag:s15] =	stream.linear.gather [hbm4b:s22+s3], $0xC8, $0x38;
	[tilespmem:$0x1B800] =	vst v63  }
.Ltmp1:
0x75: {  	_ = 	snop;
	(pc) =	sbr.rel @p0 .LBB2_6-.Ltmp1, $4  }
.Ltmp2:
0x76: {  	_ = 	snop;
	(pc) =	sbr.rel @!p0 .LBB2_5-.Ltmp2, $4  }
0x77: {  	s13 =	sadd.s32 $0x8600, s13;
	s12 =	sadd.s32 s5, s12;
	s22 =	ssub.s32 s14, s19  }
0x78: {  	[tilespmem:s13], [sflag:s15] =	stream.linear.gather [hbm4b:s12+s3], $0xC8, $0x38;
	[tilespmem:$0x1B800] =	vst v63  }
0x79: {  	s12 =	sand.u32 $0xFF, s22  }
0x7a: {  	_ = 	snop  }
.LBB2_3:
0x7b: {  	p0 =	seq.s32 s10, $0x7C  }
.Ltmp3:
0x7c: {  	_ = 	snop;
	(pc) =	sbr.rel @!p0 .LBB2_7-.Ltmp3, $2  }
0x7d: {  	_ =	sdelay $0x2  }
0x7e: {  	s12 =	simm.s32 $0x1  }
.LBB2_5:
0x7f: {  	s13 =	sadd.s32 $0xD, s12  }
0x80: {  	_ =	swait.ge [sflag:s13], $0x3200  }
0x81: {  	[sflag:s13] =	ssyncset.done $0x0  }
0x82: {  	[sflag:s13] =	ssyncadd.s32 $0xFFFFCE00  }
.LBB2_6:
0x83: {  	s13 =	sadd.s32 $0x1, s12  }
0x84: {  	_ =	swait.ge [sflag:s13], $0xC8  }
0x85: {  	[sflag:s13] =	ssyncset.done $0x0  }
0x86: {  	[sflag:s13] =	ssyncadd.s32 $0xFFFFFF38  }
0x87: {  	s14 =	smul.u32 $0xC800, s12;
	_ =	swait.ge [sflag:s13], $0xC8  }
0x88: {  	[sflag:s13] =	ssyncset.done $0x0  }
0x89: {  	[sflag:s13] =	ssyncadd.s32 $0xFFFFFF38;
	s13 =	sshrl.u32 s14, $0x2;
	s14 =	sshll.u32 s12, $0x8  }
0x8a: {  	s12 =	sadd.s32 $0x7, s12;
	s15 =	sadd.s32 $0x8C00, s13;
	s19 =	sadd.s32 $0x8000, s14  }
0x8b: {  	[tilespmem:s15], [sflag:s12] =	stream.indirect.gather [hbm4b:s6+s28], $0x40, s19, s28, $0xb8;
	[tilespmem:$0x1B800] =	vst v63  }
0x8c: {  	s20 =	sadd.s32 $0x9600, s13;
	s22 =	sadd.s32 $0x8028, s14  }
0x8d: {  	[tilespmem:s20], [sflag:s12] =	stream.indirect.gather [hbm4b:s6+s28], $0x40, s22, s28, $0xb8;
	[tilespmem:$0x1B800] =	vst v63  }
0x8e: {  	s20 =	sadd.s32 $0xA000, s13;
	s22 =	sadd.s32 $0x8050, s14  }
0x8f: {  	[tilespmem:s20], [sflag:s12] =	stream.indirect.gather [hbm4b:s6+s28], $0x40, s22, s28, $0xb8;
	[tilespmem:$0x1B800] =	vst v63  }
0x90: {  	s20 =	sadd.s32 $0xAA00, s13;
	s22 =	sadd.s32 $0x8078, s14  }
0x91: {  	[tilespmem:s20], [sflag:s12] =	stream.indirect.gather [hbm4b:s6+s28], $0x40, s22, s28, $0xb8;
	[tilespmem:$0x1B800] =	vst v63  }
0x92: {  	s13 =	sadd.s32 $0xB400, s13;
	s14 =	sadd.s32 $0x80A0, s14  }
0x93: {  	[tilespmem:s13], [sflag:s12] =	stream.indirect.gather [hbm4b:s6+s28], $0x40, s14, s28, $0xb8;
	[tilespmem:$0x1B800] =	vst v63  }
.LBB2_7:
0x94: {  	s12 =	smulhi.u32 $0xAAAAAAAB, s10;
	_ =	sdelay $0x1  }
0x95: {  	s12 =	sshrl.u32 s12, $0x2  }
0x96: {  	s13 =	smul.u32 $0xFFFFE800, s12  }
0x97: {  	s12 =	smul.u32 $0xFFFB5000, s12  }
0x98: {  	s14 =	smul.u32 $0xC800, s11  }
0x99: {  	s13 =	sshra.s32 s13, $0x2;
	s12 =	sshra.s32 s12, $0x2  }
0x9a: {  	s20 =	sadd.s32 s13, s7;
	s13 =	sadd.s32 s12, s9;
	s12 =	sshrl.u32 s14, $0x2  }
0x9b: {  	s22 =	simm.s32 $0x0;
	s14 =	sshll.u32 s11, $0x8;
	s19 =	sadd.s32 $0x8C00, s12  }
.LBB2_8:
0x9c: {  	v4 =	vld [tilespmem:s20+$0x0];
	_ =	sdelay $0x4  }
0x9d: {  	v4 =	vshll.u32 v4, $0x6  }
0x9e: {  	v5 =	vbroadcast v4, $0x0;
	_ =	sdelay $0x1  }
0x9f: {  	v6 =	vor.u32 v0, v5;
	_ =	sdelay $0x4  }
0xa0: {  	v6 =	vld.idx.msk [tilespmem:v6+s3+$0x0], $0xffff  }
0xa1: {  	v7 =	vor.u32 v1, v5;
	_ =	sdelay $0x1  }
0xa2: {  	s15 =	sshra.s32 s22, $0x2  }
0xa3: {  	s15 =	sadd.s32 s15, s13  }
0xa4: {  	[tilespmem:s15+$0x0] =	vst.add.f32.msk $0xffff, v6  }
0xa5: {  	v6 =	vld.idx.msk [tilespmem:v7+s3+$0x0], $0xffff  }
0xa6: {  	v11 =	vor.u32 v2, v5;
	_ =	sdelay $0x3  }
0xa7: {  	[tilespmem:s15+$0x10] =	vst.add.f32.msk $0xffff, v6  }
0xa8: {  	v6 =	vld.idx.msk [tilespmem:v11+s3+$0x0], $0xffff  }
0xa9: {  	v5 =	vor.u32 v3, v5;
	_ =	sdelay $0x3  }
0xaa: {  	v12 =	vbroadcast v4, $0x1;
	[tilespmem:s15+$0x20] =	vst.add.f32.msk $0xffff, v6  }
0xab: {  	v5 =	vld.idx.msk [tilespmem:v5+s3+$0x0], $0xffff  }
0xac: {  	v13 =	vor.u32 v0, v12;
	_ =	sdelay $0x3  }
0xad: {  	[tilespmem:s15+$0x30] =	vst.add.f32.msk $0xffff, v5  }
0xae: {  	v5 =	vld.idx.msk [tilespmem:v13+s3+$0x0], $0xffff  }
0xaf: {  	v14 =	vor.u32 v1, v12;
	_ =	sdelay $0x3  }
0xb0: {  	[tilespmem:s15+$0x40] =	vst.add.f32.msk $0xffff, v5  }
0xb1: {  	v5 =	vld.idx.msk [tilespmem:v14+s3+$0x0], $0xffff  }
0xb2: {  	v15 =	vor.u32 v2, v12;
	_ =	sdelay $0x3  }
0xb3: {  	[tilespmem:s15+$0x50] =	vst.add.f32.msk $0xffff, v5  }
0xb4: {  	v5 =	vld.idx.msk [tilespmem:v15+s3+$0x0], $0xffff  }
0xb5: {  	v6 =	vor.u32 v3, v12;
	_ =	sdelay $0x3  }
0xb6: {  	[tilespmem:s15+$0x60] =	vst.add.f32.msk $0xffff, v5;
	v5 =	vbroadcast v4, $0x2  }
0xb7: {  	v6 =	vld.idx.msk [tilespmem:v6+s3+$0x0], $0xffff  }
0xb8: {  	v16 =	vor.u32 v0, v5;
	_ =	sdelay $0x3  }
0xb9: {  	[tilespmem:s15+$0x70] =	vst.add.f32.msk $0xffff, v6  }
0xba: {  	v6 =	vld.idx.msk [tilespmem:v16+s3+$0x0], $0xffff  }
0xbb: {  	v17 =	vor.u32 v1, v5;
	_ =	sdelay $0x3  }
0xbc: {  	[tilespmem:s15+$0x80] =	vst.add.f32.msk $0xffff, v6  }
0xbd: {  	v6 =	vld.idx.msk [tilespmem:v17+s3+$0x0], $0xffff  }
0xbe: {  	v18 =	vor.u32 v2, v5;
	_ =	sdelay $0x3  }
0xbf: {  	[tilespmem:s15+$0x90] =	vst.add.f32.msk $0xffff, v6  }
0xc0: {  	v6 =	vld.idx.msk [tilespmem:v18+s3+$0x0], $0xffff  }
0xc1: {  	v5 =	vor.u32 v3, v5;
	_ =	sdelay $0x3  }
0xc2: {  	v19 =	vbroadcast v4, $0x3;
	[tilespmem:s15+$0xA0] =	vst.add.f32.msk $0xffff, v6  }
0xc3: {  	v5 =	vld.idx.msk [tilespmem:v5+s3+$0x0], $0xffff  }
0xc4: {  	v20 =	vor.u32 v0, v19;
	_ =	sdelay $0x3  }
0xc5: {  	[tilespmem:s15+$0xB0] =	vst.add.f32.msk $0xffff, v5  }
0xc6: {  	v5 =	vld.idx.msk [tilespmem:v20+s3+$0x0], $0xffff  }
0xc7: {  	v21 =	vor.u32 v1, v19;
	_ =	sdelay $0x3  }
0xc8: {  	[tilespmem:s15+$0xC0] =	vst.add.f32.msk $0xffff, v5  }
0xc9: {  	v5 =	vld.idx.msk [tilespmem:v21+s3+$0x0], $0xffff  }
0xca: {  	v22 =	vor.u32 v2, v19;
	_ =	sdelay $0x3  }
0xcb: {  	[tilespmem:s15+$0xD0] =	vst.add.f32.msk $0xffff, v5  }
0xcc: {  	v5 =	vld.idx.msk [tilespmem:v22+s3+$0x0], $0xffff  }
0xcd: {  	v6 =	vor.u32 v3, v19;
	_ =	sdelay $0x3  }
0xce: {  	[tilespmem:s15+$0xE0] =	vst.add.f32.msk $0xffff, v5;
	v5 =	vbroadcast v4, $0x4  }
0xcf: {  	v6 =	vld.idx.msk [tilespmem:v6+s3+$0x0], $0xffff  }
0xd0: {  	v23 =	vor.u32 v0, v5;
	_ =	sdelay $0x3  }
0xd1: {  	[tilespmem:s15+$0xF0] =	vst.add.f32.msk $0xffff, v6  }
0xd2: {  	v6 =	vld.idx.msk [tilespmem:v23+s3+$0x0], $0xffff  }
0xd3: {  	v24 =	vor.u32 v1, v5;
	_ =	sdelay $0x3  }
0xd4: {  	[tilespmem:s15+$0x100] =	vst.add.f32.msk $0xffff, v6  }
0xd5: {  	v6 =	vld.idx.msk [tilespmem:v24+s3+$0x0], $0xffff  }
0xd6: {  	v25 =	vor.u32 v2, v5;
	_ =	sdelay $0x3  }
0xd7: {  	[tilespmem:s15+$0x110] =	vst.add.f32.msk $0xffff, v6  }
0xd8: {  	v6 =	vld.idx.msk [tilespmem:v25+s3+$0x0], $0xffff  }
0xd9: {  	v5 =	vor.u32 v3, v5;
	_ =	sdelay $0x3  }
0xda: {  	v26 =	vbroadcast v4, $0x5;
	[tilespmem:s15+$0x120] =	vst.add.f32.msk $0xffff, v6  }
0xdb: {  	v5 =	vld.idx.msk [tilespmem:v5+s3+$0x0], $0xffff  }
0xdc: {  	v27 =	vor.u32 v0, v26;
	_ =	sdelay $0x3  }
0xdd: {  	[tilespmem:s15+$0x130] =	vst.add.f32.msk $0xffff, v5  }
0xde: {  	v5 =	vld.idx.msk [tilespmem:v27+s3+$0x0], $0xffff  }
0xdf: {  	v28 =	vor.u32 v1, v26;
	_ =	sdelay $0x3  }
0xe0: {  	[tilespmem:s15+$0x140] =	vst.add.f32.msk $0xffff, v5  }
0xe1: {  	v5 =	vld.idx.msk [tilespmem:v28+s3+$0x0], $0xffff  }
0xe2: {  	v29 =	vor.u32 v2, v26;
	_ =	sdelay $0x3  }
0xe3: {  	[tilespmem:s15+$0x150] =	vst.add.f32.msk $0xffff, v5  }
0xe4: {  	v5 =	vld.idx.msk [tilespmem:v29+s3+$0x0], $0xffff  }
0xe5: {  	v6 =	vor.u32 v3, v26;
	_ =	sdelay $0x3  }
0xe6: {  	[tilespmem:s15+$0x160] =	vst.add.f32.msk $0xffff, v5;
	v5 =	vbroadcast v4, $0x6  }
0xe7: {  	v6 =	vld.idx.msk [tilespmem:v6+s3+$0x0], $0xffff  }
0xe8: {  	v30 =	vor.u32 v0, v5;
	_ =	sdelay $0x3  }
0xe9: {  	[tilespmem:s15+$0x170] =	vst.add.f32.msk $0xffff, v6  }
0xea: {  	v6 =	vld.idx.msk [tilespmem:v30+s3+$0x0], $0xffff  }
0xeb: {  	v31 =	vor.u32 v1, v5;
	_ =	sdelay $0x3  }
0xec: {  	[tilespmem:s15+$0x180] =	vst.add.f32.msk $0xffff, v6  }
0xed: {  	v6 =	vld.idx.msk [tilespmem:v31+s3+$0x0], $0xffff  }
0xee: {  	v32 =	vor.u32 v2, v5;
	_ =	sdelay $0x3  }
0xef: {  	[tilespmem:s15+$0x190] =	vst.add.f32.msk $0xffff, v6  }
0xf0: {  	v6 =	vld.idx.msk [tilespmem:v32+s3+$0x0], $0xffff  }
0xf1: {  	v5 =	vor.u32 v3, v5;
	_ =	sdelay $0x3  }
0xf2: {  	v33 =	vbroadcast v4, $0x7;
	[tilespmem:s15+$0x1A0] =	vst.add.f32.msk $0xffff, v6  }
0xf3: {  	v5 =	vld.idx.msk [tilespmem:v5+s3+$0x0], $0xffff  }
0xf4: {  	v34 =	vor.u32 v0, v33;
	_ =	sdelay $0x3  }
0xf5: {  	[tilespmem:s15+$0x1B0] =	vst.add.f32.msk $0xffff, v5  }
0xf6: {  	v5 =	vld.idx.msk [tilespmem:v34+s3+$0x0], $0xffff  }
0xf7: {  	v35 =	vor.u32 v1, v33;
	_ =	sdelay $0x3  }
0xf8: {  	[tilespmem:s15+$0x1C0] =	vst.add.f32.msk $0xffff, v5  }
0xf9: {  	v5 =	vld.idx.msk [tilespmem:v35+s3+$0x0], $0xffff  }
0xfa: {  	v36 =	vor.u32 v2, v33;
	_ =	sdelay $0x3  }
0xfb: {  	[tilespmem:s15+$0x1D0] =	vst.add.f32.msk $0xffff, v5  }
0xfc: {  	v5 =	vld.idx.msk [tilespmem:v36+s3+$0x0], $0xffff  }
0xfd: {  	v6 =	vor.u32 v3, v33;
	_ =	sdelay $0x3  }
0xfe: {  	[tilespmem:s15+$0x1E0] =	vst.add.f32.msk $0xffff, v5;
	v5 =	vbroadcast v4, $0x8  }
0xff: {  	v6 =	vld.idx.msk [tilespmem:v6+s3+$0x0], $0xffff  }
0x100: {  	v37 =	vor.u32 v0, v5;
	_ =	sdelay $0x3  }
0x101: {  	[tilespmem:s15+$0x1F0] =	vst.add.f32.msk $0xffff, v6  }
0x102: {  	v6 =	vld.idx.msk [tilespmem:v37+s3+$0x0], $0xffff  }
0x103: {  	v38 =	vor.u32 v1, v5;
	_ =	sdelay $0x3  }
0x104: {  	[tilespmem:s15+$0x200] =	vst.add.f32.msk $0xffff, v6  }
0x105: {  	v6 =	vld.idx.msk [tilespmem:v38+s3+$0x0], $0xffff  }
0x106: {  	v39 =	vor.u32 v2, v5;
	_ =	sdelay $0x3  }
0x107: {  	[tilespmem:s15+$0x210] =	vst.add.f32.msk $0xffff, v6  }
0x108: {  	v6 =	vld.idx.msk [tilespmem:v39+s3+$0x0], $0xffff  }
0x109: {  	v5 =	vor.u32 v3, v5;
	_ =	sdelay $0x3  }
0x10a: {  	v40 =	vbroadcast v4, $0x9;
	[tilespmem:s15+$0x220] =	vst.add.f32.msk $0xffff, v6  }
0x10b: {  	v5 =	vld.idx.msk [tilespmem:v5+s3+$0x0], $0xffff  }
0x10c: {  	v41 =	vor.u32 v0, v40;
	_ =	sdelay $0x3  }
0x10d: {  	[tilespmem:s15+$0x230] =	vst.add.f32.msk $0xffff, v5  }
0x10e: {  	v5 =	vld.idx.msk [tilespmem:v41+s3+$0x0], $0xffff  }
0x10f: {  	v42 =	vor.u32 v1, v40;
	_ =	sdelay $0x3  }
0x110: {  	[tilespmem:s15+$0x240] =	vst.add.f32.msk $0xffff, v5  }
0x111: {  	v5 =	vld.idx.msk [tilespmem:v42+s3+$0x0], $0xffff  }
0x112: {  	v43 =	vor.u32 v2, v40;
	_ =	sdelay $0x3  }
0x113: {  	[tilespmem:s15+$0x250] =	vst.add.f32.msk $0xffff, v5  }
0x114: {  	v5 =	vld.idx.msk [tilespmem:v43+s3+$0x0], $0xffff  }
0x115: {  	v6 =	vor.u32 v3, v40;
	_ =	sdelay $0x3  }
0x116: {  	[tilespmem:s15+$0x260] =	vst.add.f32.msk $0xffff, v5;
	v5 =	vbroadcast v4, $0xA  }
0x117: {  	v6 =	vld.idx.msk [tilespmem:v6+s3+$0x0], $0xffff  }
0x118: {  	v44 =	vor.u32 v0, v5;
	_ =	sdelay $0x3  }
0x119: {  	[tilespmem:s15+$0x270] =	vst.add.f32.msk $0xffff, v6  }
0x11a: {  	v6 =	vld.idx.msk [tilespmem:v44+s3+$0x0], $0xffff  }
0x11b: {  	v45 =	vor.u32 v1, v5;
	_ =	sdelay $0x3  }
0x11c: {  	[tilespmem:s15+$0x280] =	vst.add.f32.msk $0xffff, v6  }
0x11d: {  	v6 =	vld.idx.msk [tilespmem:v45+s3+$0x0], $0xffff  }
0x11e: {  	v46 =	vor.u32 v2, v5;
	_ =	sdelay $0x3  }
0x11f: {  	[tilespmem:s15+$0x290] =	vst.add.f32.msk $0xffff, v6  }
0x120: {  	v6 =	vld.idx.msk [tilespmem:v46+s3+$0x0], $0xffff  }
0x121: {  	v5 =	vor.u32 v3, v5;
	_ =	sdelay $0x3  }
0x122: {  	v47 =	vbroadcast v4, $0xB;
	[tilespmem:s15+$0x2A0] =	vst.add.f32.msk $0xffff, v6  }
0x123: {  	v5 =	vld.idx.msk [tilespmem:v5+s3+$0x0], $0xffff  }
0x124: {  	v48 =	vor.u32 v0, v47;
	_ =	sdelay $0x3  }
0x125: {  	[tilespmem:s15+$0x2B0] =	vst.add.f32.msk $0xffff, v5  }
0x126: {  	v5 =	vld.idx.msk [tilespmem:v48+s3+$0x0], $0xffff  }
0x127: {  	v49 =	vor.u32 v1, v47;
	_ =	sdelay $0x3  }
0x128: {  	[tilespmem:s15+$0x2C0] =	vst.add.f32.msk $0xffff, v5  }
0x129: {  	v5 =	vld.idx.msk [tilespmem:v49+s3+$0x0], $0xffff  }
0x12a: {  	v50 =	vor.u32 v2, v47;
	_ =	sdelay $0x3  }
0x12b: {  	[tilespmem:s15+$0x2D0] =	vst.add.f32.msk $0xffff, v5  }
0x12c: {  	v5 =	vld.idx.msk [tilespmem:v50+s3+$0x0], $0xffff  }
0x12d: {  	v6 =	vor.u32 v3, v47;
	_ =	sdelay $0x3  }
0x12e: {  	[tilespmem:s15+$0x2E0] =	vst.add.f32.msk $0xffff, v5;
	v5 =	vbroadcast v4, $0xC  }
0x12f: {  	v6 =	vld.idx.msk [tilespmem:v6+s3+$0x0], $0xffff  }
0x130: {  	v51 =	vor.u32 v0, v5;
	_ =	sdelay $0x3  }
0x131: {  	[tilespmem:s15+$0x2F0] =	vst.add.f32.msk $0xffff, v6  }
0x132: {  	v6 =	vld.idx.msk [tilespmem:v51+s3+$0x0], $0xffff  }
0x133: {  	v52 =	vor.u32 v1, v5;
	_ =	sdelay $0x3  }
0x134: {  	[tilespmem:s15+$0x300] =	vst.add.f32.msk $0xffff, v6  }
0x135: {  	v6 =	vld.idx.msk [tilespmem:v52+s3+$0x0], $0xffff  }
0x136: {  	v53 =	vor.u32 v2, v5;
	_ =	sdelay $0x3  }
0x137: {  	[tilespmem:s15+$0x310] =	vst.add.f32.msk $0xffff, v6  }
0x138: {  	v6 =	vld.idx.msk [tilespmem:v53+s3+$0x0], $0xffff  }
0x139: {  	v5 =	vor.u32 v3, v5;
	_ =	sdelay $0x3  }
0x13a: {  	v54 =	vbroadcast v4, $0xD;
	[tilespmem:s15+$0x320] =	vst.add.f32.msk $0xffff, v6  }
0x13b: {  	v5 =	vld.idx.msk [tilespmem:v5+s3+$0x0], $0xffff  }
0x13c: {  	v55 =	vor.u32 v0, v54;
	_ =	sdelay $0x3  }
0x13d: {  	[tilespmem:s15+$0x330] =	vst.add.f32.msk $0xffff, v5  }
0x13e: {  	v5 =	vld.idx.msk [tilespmem:v55+s3+$0x0], $0xffff  }
0x13f: {  	v56 =	vor.u32 v1, v54;
	_ =	sdelay $0x3  }
0x140: {  	[tilespmem:s15+$0x340] =	vst.add.f32.msk $0xffff, v5  }
0x141: {  	v5 =	vld.idx.msk [tilespmem:v56+s3+$0x0], $0xffff  }
0x142: {  	v57 =	vor.u32 v2, v54;
	_ =	sdelay $0x3  }
0x143: {  	[tilespmem:s15+$0x350] =	vst.add.f32.msk $0xffff, v5  }
0x144: {  	v5 =	vld.idx.msk [tilespmem:v57+s3+$0x0], $0xffff  }
0x145: {  	v6 =	vor.u32 v3, v54;
	_ =	sdelay $0x3  }
0x146: {  	[tilespmem:s15+$0x360] =	vst.add.f32.msk $0xffff, v5;
	v5 =	vbroadcast v4, $0xE  }
0x147: {  	v6 =	vld.idx.msk [tilespmem:v6+s3+$0x0], $0xffff  }
0x148: {  	v58 =	vor.u32 v0, v5;
	_ =	sdelay $0x3  }
0x149: {  	[tilespmem:s15+$0x370] =	vst.add.f32.msk $0xffff, v6  }
0x14a: {  	v6 =	vld.idx.msk [tilespmem:v58+s3+$0x0], $0xffff  }
0x14b: {  	v59 =	vor.u32 v1, v5;
	_ =	sdelay $0x3  }
0x14c: {  	[tilespmem:s15+$0x380] =	vst.add.f32.msk $0xffff, v6  }
0x14d: {  	v6 =	vld.idx.msk [tilespmem:v59+s3+$0x0], $0xffff  }
0x14e: {  	v60 =	vor.u32 v2, v5;
	_ =	sdelay $0x3  }
0x14f: {  	[tilespmem:s15+$0x390] =	vst.add.f32.msk $0xffff, v6  }
0x150: {  	v6 =	vld.idx.msk [tilespmem:v60+s3+$0x0], $0xffff  }
0x151: {  	v5 =	vor.u32 v3, v5;
	_ =	sdelay $0x3  }
0x152: {  	v4 =	vbroadcast v4, $0xF;
	[tilespmem:s15+$0x3A0] =	vst.add.f32.msk $0xffff, v6  }
0x153: {  	v5 =	vld.idx.msk [tilespmem:v5+s3+$0x0], $0xffff  }
0x154: {  	v61 =	vor.u32 v0, v4;
	_ =	sdelay $0x3  }
0x155: {  	[tilespmem:s15+$0x3B0] =	vst.add.f32.msk $0xffff, v5  }
0x156: {  	v5 =	vld.idx.msk [tilespmem:v61+s3+$0x0], $0xffff  }
0x157: {  	v62 =	vor.u32 v1, v4;
	_ =	sdelay $0x3  }
0x158: {  	[tilespmem:s15+$0x3C0] =	vst.add.f32.msk $0xffff, v5  }
0x159: {  	v5 =	vld.idx.msk [tilespmem:v62+s3+$0x0], $0xffff  }
0x15a: {  	v63 =	vor.u32 v2, v4;
	_ =	sdelay $0x3  }
0x15b: {  	[tilespmem:s15+$0x3D0] =	vst.add.f32.msk $0xffff, v5  }
0x15c: {  	v5 =	vld.idx.msk [tilespmem:v63+s3+$0x0], $0xffff  }
0x15d: {  	v4 =	vor.u32 v3, v4;
	_ =	sdelay $0x3  }
0x15e: {  	[tilespmem:s15+$0x3E0] =	vst.add.f32.msk $0xffff, v5  }
0x15f: {  	p0 =	sne.s32 s22, $0xB000;
	v4 =	vld.idx.msk [tilespmem:v4+s3+$0x0], $0xffff  }
.Ltmp4:
0x160: {  	_ = 	snop;
	(pc) =	sbr.rel @p0 .LBB2_8-.Ltmp4, $2  }
0x161: {  	_ =	sdelay $0x2  }
0x162: {  	s20 =	sadd.s32 $0x10, s20;
	s22 =	sadd.s32 $0x1000, s22;
	[tilespmem:s15+$0x3F0] =	vst.add.f32.msk $0xffff, v4  }
0x163: {  	v4 =	vld [tilespmem:s14+$0x86B8];
	_ =	sdelay $0x4  }
0x164: {  	v4 =	vshll.u32 v4, $0x6  }
0x165: {  	v5 =	vbroadcast v4, $0x8;
	_ =	sdelay $0x1  }
0x166: {  	v6 =	vor.u32 v0, v5;
	_ =	sdelay $0x4  }
0x167: {  	v6 =	vld.idx.msk [tilespmem:v6+s3+$0x0], $0xffff  }
0x168: {  	v7 =	vor.u32 v1, v5;
	_ =	sdelay $0x3  }
0x169: {  	[tilespmem:s12+$0xBC00] =	vst.add.f32.msk $0xffff, v6  }
0x16a: {  	v6 =	vld.idx.msk [tilespmem:v7+s3+$0x0], $0xffff  }
0x16b: {  	v39 =	vor.u32 v2, v5;
	_ =	sdelay $0x3  }
0x16c: {  	[tilespmem:s12+$0xBC10] =	vst.add.f32.msk $0xffff, v6  }
0x16d: {  	v6 =	vld.idx.msk [tilespmem:v39+s3+$0x0], $0xffff  }
0x16e: {  	v5 =	vor.u32 v3, v5;
	_ =	sdelay $0x3  }
0x16f: {  	v40 =	vbroadcast v4, $0x9;
	[tilespmem:s12+$0xBC20] =	vst.add.f32.msk $0xffff, v6  }
0x170: {  	v5 =	vld.idx.msk [tilespmem:v5+s3+$0x0], $0xffff  }
0x171: {  	v41 =	vor.u32 v0, v40;
	_ =	sdelay $0x3  }
0x172: {  	[tilespmem:s12+$0xBC30] =	vst.add.f32.msk $0xffff, v5  }
0x173: {  	v5 =	vld.idx.msk [tilespmem:v41+s3+$0x0], $0xffff  }
0x174: {  	v42 =	vor.u32 v1, v40;
	_ =	sdelay $0x3  }
0x175: {  	[tilespmem:s12+$0xBC40] =	vst.add.f32.msk $0xffff, v5  }
0x176: {  	v5 =	vld.idx.msk [tilespmem:v42+s3+$0x0], $0xffff  }
0x177: {  	v43 =	vor.u32 v2, v40;
	_ =	sdelay $0x3  }
0x178: {  	[tilespmem:s12+$0xBC50] =	vst.add.f32.msk $0xffff, v5  }
0x179: {  	v5 =	vld.idx.msk [tilespmem:v43+s3+$0x0], $0xffff  }
0x17a: {  	v6 =	vor.u32 v3, v40;
	_ =	sdelay $0x3  }
0x17b: {  	[tilespmem:s12+$0xBC60] =	vst.add.f32.msk $0xffff, v5;
	v5 =	vbroadcast v4, $0xA  }
0x17c: {  	v6 =	vld.idx.msk [tilespmem:v6+s3+$0x0], $0xffff  }
0x17d: {  	v44 =	vor.u32 v0, v5;
	_ =	sdelay $0x3  }
0x17e: {  	[tilespmem:s12+$0xBC70] =	vst.add.f32.msk $0xffff, v6  }
0x17f: {  	v6 =	vld.idx.msk [tilespmem:v44+s3+$0x0], $0xffff  }
0x180: {  	v45 =	vor.u32 v1, v5;
	_ =	sdelay $0x3  }
0x181: {  	[tilespmem:s12+$0xBC80] =	vst.add.f32.msk $0xffff, v6  }
0x182: {  	v6 =	vld.idx.msk [tilespmem:v45+s3+$0x0], $0xffff  }
0x183: {  	v46 =	vor.u32 v2, v5;
	_ =	sdelay $0x3  }
0x184: {  	[tilespmem:s12+$0xBC90] =	vst.add.f32.msk $0xffff, v6  }
0x185: {  	v6 =	vld.idx.msk [tilespmem:v46+s3+$0x0], $0xffff  }
0x186: {  	v5 =	vor.u32 v3, v5;
	_ =	sdelay $0x3  }
0x187: {  	v47 =	vbroadcast v4, $0xB;
	[tilespmem:s12+$0xBCA0] =	vst.add.f32.msk $0xffff, v6  }
0x188: {  	v5 =	vld.idx.msk [tilespmem:v5+s3+$0x0], $0xffff  }
0x189: {  	v48 =	vor.u32 v0, v47;
	_ =	sdelay $0x3  }
0x18a: {  	[tilespmem:s12+$0xBCB0] =	vst.add.f32.msk $0xffff, v5  }
0x18b: {  	v5 =	vld.idx.msk [tilespmem:v48+s3+$0x0], $0xffff  }
0x18c: {  	v49 =	vor.u32 v1, v47;
	_ =	sdelay $0x3  }
0x18d: {  	[tilespmem:s12+$0xBCC0] =	vst.add.f32.msk $0xffff, v5  }
0x18e: {  	v5 =	vld.idx.msk [tilespmem:v49+s3+$0x0], $0xffff  }
0x18f: {  	v50 =	vor.u32 v2, v47;
	_ =	sdelay $0x3  }
0x190: {  	[tilespmem:s12+$0xBCD0] =	vst.add.f32.msk $0xffff, v5  }
0x191: {  	v5 =	vld.idx.msk [tilespmem:v50+s3+$0x0], $0xffff  }
0x192: {  	v6 =	vor.u32 v3, v47;
	_ =	sdelay $0x3  }
0x193: {  	[tilespmem:s12+$0xBCE0] =	vst.add.f32.msk $0xffff, v5;
	v5 =	vbroadcast v4, $0xC  }
0x194: {  	v6 =	vld.idx.msk [tilespmem:v6+s3+$0x0], $0xffff  }
0x195: {  	v51 =	vor.u32 v0, v5;
	_ =	sdelay $0x3  }
0x196: {  	[tilespmem:s12+$0xBCF0] =	vst.add.f32.msk $0xffff, v6  }
0x197: {  	v6 =	vld.idx.msk [tilespmem:v51+s3+$0x0], $0xffff  }
0x198: {  	v52 =	vor.u32 v1, v5;
	_ =	sdelay $0x3  }
0x199: {  	[tilespmem:s12+$0xBD00] =	vst.add.f32.msk $0xffff, v6  }
0x19a: {  	v6 =	vld.idx.msk [tilespmem:v52+s3+$0x0], $0xffff  }
0x19b: {  	v53 =	vor.u32 v2, v5;
	_ =	sdelay $0x3  }
0x19c: {  	[tilespmem:s12+$0xBD10] =	vst.add.f32.msk $0xffff, v6  }
0x19d: {  	v6 =	vld.idx.msk [tilespmem:v53+s3+$0x0], $0xffff  }
0x19e: {  	v5 =	vor.u32 v3, v5;
	_ =	sdelay $0x3  }
0x19f: {  	v54 =	vbroadcast v4, $0xD;
	[tilespmem:s12+$0xBD20] =	vst.add.f32.msk $0xffff, v6  }
0x1a0: {  	v5 =	vld.idx.msk [tilespmem:v5+s3+$0x0], $0xffff  }
0x1a1: {  	v55 =	vor.u32 v0, v54;
	_ =	sdelay $0x3  }
0x1a2: {  	[tilespmem:s12+$0xBD30] =	vst.add.f32.msk $0xffff, v5  }
0x1a3: {  	v5 =	vld.idx.msk [tilespmem:v55+s3+$0x0], $0xffff  }
0x1a4: {  	v56 =	vor.u32 v1, v54;
	_ =	sdelay $0x3  }
0x1a5: {  	[tilespmem:s12+$0xBD40] =	vst.add.f32.msk $0xffff, v5  }
0x1a6: {  	v5 =	vld.idx.msk [tilespmem:v56+s3+$0x0], $0xffff  }
0x1a7: {  	v57 =	vor.u32 v2, v54;
	_ =	sdelay $0x3  }
0x1a8: {  	[tilespmem:s12+$0xBD50] =	vst.add.f32.msk $0xffff, v5  }
0x1a9: {  	v5 =	vld.idx.msk [tilespmem:v57+s3+$0x0], $0xffff  }
0x1aa: {  	v6 =	vor.u32 v3, v54;
	_ =	sdelay $0x3  }
0x1ab: {  	[tilespmem:s12+$0xBD60] =	vst.add.f32.msk $0xffff, v5;
	v5 =	vbroadcast v4, $0xE  }
0x1ac: {  	v6 =	vld.idx.msk [tilespmem:v6+s3+$0x0], $0xffff  }
0x1ad: {  	v58 =	vor.u32 v0, v5;
	_ =	sdelay $0x3  }
0x1ae: {  	[tilespmem:s12+$0xBD70] =	vst.add.f32.msk $0xffff, v6  }
0x1af: {  	v6 =	vld.idx.msk [tilespmem:v58+s3+$0x0], $0xffff  }
0x1b0: {  	v59 =	vor.u32 v1, v5;
	_ =	sdelay $0x3  }
0x1b1: {  	[tilespmem:s12+$0xBD80] =	vst.add.f32.msk $0xffff, v6  }
0x1b2: {  	v6 =	vld.idx.msk [tilespmem:v59+s3+$0x0], $0xffff  }
0x1b3: {  	v60 =	vor.u32 v2, v5;
	_ =	sdelay $0x3  }
0x1b4: {  	[tilespmem:s12+$0xBD90] =	vst.add.f32.msk $0xffff, v6  }
0x1b5: {  	v6 =	vld.idx.msk [tilespmem:v60+s3+$0x0], $0xffff  }
0x1b6: {  	v5 =	vor.u32 v3, v5;
	_ =	sdelay $0x3  }
0x1b7: {  	v4 =	vbroadcast v4, $0xF;
	[tilespmem:s12+$0xBDA0] =	vst.add.f32.msk $0xffff, v6  }
0x1b8: {  	v5 =	vld.idx.msk [tilespmem:v5+s3+$0x0], $0xffff  }
0x1b9: {  	v61 =	vor.u32 v0, v4;
	_ =	sdelay $0x3  }
0x1ba: {  	[tilespmem:s12+$0xBDB0] =	vst.add.f32.msk $0xffff, v5  }
0x1bb: {  	v5 =	vld.idx.msk [tilespmem:v61+s3+$0x0], $0xffff  }
0x1bc: {  	v62 =	vor.u32 v1, v4;
	_ =	sdelay $0x3  }
0x1bd: {  	[tilespmem:s12+$0xBDC0] =	vst.add.f32.msk $0xffff, v5  }
0x1be: {  	v5 =	vld.idx.msk [tilespmem:v62+s3+$0x0], $0xffff  }
0x1bf: {  	v63 =	vor.u32 v2, v4;
	_ =	sdelay $0x3  }
0x1c0: {  	[tilespmem:s12+$0xBDD0] =	vst.add.f32.msk $0xffff, v5  }
0x1c1: {  	v5 =	vld.idx.msk [tilespmem:v63+s3+$0x0], $0xffff  }
0x1c2: {  	v4 =	vor.u32 v3, v4;
	_ =	sdelay $0x3  }
0x1c3: {  	[tilespmem:s12+$0xBDE0] =	vst.add.f32.msk $0xffff, v5  }
0x1c4: {  	s13 =	sadd.s32 s8, s10;
	s10 =	sadd.s32 $0x1, s10;
	v4 =	vld.idx.msk [tilespmem:v4+s3+$0x0], $0xffff  }
0x1c5: {  	p0 =	sne.s32 s10, $0x80  }
.Ltmp5:
0x1c6: {  	_ = 	snop;
	(pc) =	sbr.rel @p0 .LBB2_2-.Ltmp5, $4  }
0x1c7: {  	s13 =	smul.u32 $0x640, s13  }
0x1c8: {  	s11 =	sadd.s32 $0xD, s11  }
0x1c9: {  	s7 =	sadd.s32 $0x100, s7;
	s9 =	sadd.s32 $0x3200, s9;
	s22 =	sadd.s32 s1, s13;
	[tilespmem:s12+$0xBDF0] =	vst.add.f32.msk $0xffff, v4  }
0x1ca: {  	[hbm4b:s22+s3] =	stream.linear.scatter [tilespmem:s19], [sflag:s11], $0x3200, $0x38;
	[tilespmem:$0x1B800] =	vst v63  }
0x1cb: {  	_ =	swait.ge [sflag:s2], $0x3200  }
0x1cc: {  	[sflag:s2] =	ssyncset.done $0x0  }
0x1cd: {  	[sflag:s2] =	ssyncadd.s32 $0xFFFFCE00  }
0x1ce: {  	_ =	swait.ge [sflag:s21], $0x3200  }
0x1cf: {  	[sflag:s21] =	ssyncset.done $0x0  }
0x1d0: {  	[sflag:s21] =	ssyncadd.s32 $0xFFFFCE00  }
0x1d1: {  	_ =	swait.ge [sflag:s23], $0x3200  }
0x1d2: {  	[sflag:s23] =	ssyncset.done $0x0  }
0x1d3: {  	[sflag:s23] =	ssyncadd.s32 $0xFFFFCE00  }
0x1d4: {  	_ =	swait.ge [sflag:s24], $0x3200  }
0x1d5: {  	[sflag:s24] =	ssyncset.done $0x0  }
0x1d6: {  	s0 =	sadd.s32 $0x1, s0;
	[sflag:s24] =	ssyncadd.s32 $0xFFFFCE00  }
0x1d7: {  	p0 =	sne.s32 s0, s17;
	_ =	swait.ge [sflag:s29], $0x3200  }
.Ltmp6:
0x1d8: {  	[sflag:s29] =	ssyncset.done $0x0;
	(pc) =	sbr.rel @p0 .LBB2_1-.Ltmp6, $4  }
0x1d9: {  	[sflag:s29] =	ssyncadd.s32 $0xFFFFCE00  }
0x1da: {  	_ =	swait.ge [sflag:s31], $0x3200  }
0x1db: {  	[sflag:s31] =	ssyncset.done $0x0  }
0x1dc: {  	[sflag:s31] =	ssyncadd.s32 $0xFFFFCE00  }
0x1dd: {  	_ =	sfence.sel $0x180000  }
0x1de: {  	[bflag:$0x0] =	sbarrier.arrive $0xFFFF  }
0x1df: {  	_ =	strace $0x90000047  }
0x1e0: {  	s0 =	stileid.u32;
	[bflag:$0x2] =	sbarrier.arrive $0xFFFF  }
0x1e1: {  	p0 =	sne.s32 s0, $0x0;
	s0 =	rddreg [dreg:$0x2]  }
0x1e2: {  	s0 =	sadd.s32 @!p0 $0x100000, s0  }
0x1e3: {  	[sflag:s0] =	ssyncadd.tile.s32 @!p0 $0x1;
	_ =	shalt  }
.Lfunc_end2:
_tile_overlayer_lowered:
.L_overlay_start_2:
0x1e4: {  	(tag) =	ssettag $0x2  }
0x1e5: {  	s0 =	rddreg [dreg:$0x0];
	s2 =	stileid.u32  }
0x1e6: {  	s1 =	rddreg [dreg:$0x1];
	p0 =	sne.s32 s2, $0x0  }
0x1e7: {  	s3 =	rddreg [dreg:$0x2];
	[bflag:$0x3] =	sbarrier.arrive $0xFFFF;
	s2 =	simm.s32 @!p0 $0x1C13  }
0x1e8: {  	[timem:s3], [sflag:s2] =	dma.local @!p0 [hbm:s0], s1  }
0x1e9: {  	s0 =	simm.s32 @!p0 $0x13  }
0x1ea: {  	_ =	swait.ge @!p0 [sflag:s0], s1  }
0x1eb: {  	s1 =	ssub.s32 @!p0 $0x0, s1;
	[sflag:s0] =	ssyncset.done @!p0 $0x0  }
0x1ec: {  	[sflag:s0] =	ssyncadd.s32 @!p0 s1  }
0x1ed: {  	[bflag:$0x3] =	sbarrier.arrive $0xFFFF  }
0x1ee: {  	_ =	shalt  }

// kernel: sparse-core-data-format-call.cloned.1.call-start
scs
called_computation_lowered:
.L_overlay_start_0:
0x0: {  	s2 =	sld [smem:$0x3FD9]  }
0x1: {  	s3 =	sld [smem:$0x3FFE];
	_ =	sdelay $0x1  }
0x2: {  	s1 =	srdreg.scid  }
0x3: {  	s0 =	sand.u32 $0x1, s1  }
0x4: {  	s18 =	sshll.u32 s0, $0xA;
	s2 =	sadd.s32 s3, s2  }
0x5: {  	s2 =	sadd.s32 s2, s18  }
0x6: {  	[smem:$0x3FC4] =	sst s2  }
0x7: {  	_ = 	snop  }
0x8: {  	s2 =	sld [smem:$0x3FD0];
	(tm) =	ssettm $0x1  }
0x9: {  	s19 =	sld [smem:$0x3FFB];
	_ =	sdelay $0x3  }
0xa: {  	_ =	strace s19  }
0xb: {  	s3 =	sld [smem:$0x3FFC];
	_ =	sdelay $0x3  }
0xc: {  	_ =	strace s3  }
0xd: {  	s3 =	sld [smem:$0x3FFD];
	_ =	sdelay $0x3  }
0xe: {  	_ =	strace s3  }
0xf: {  	_ =	strace $0x8FFFFFFF  }
0x10: {  	s20 =	sld [smem:$0x3FDB];
	_ =	sdelay $0x1  }
0x11: {  	s4 =	simm.s32 $_scs_section_size  }
0x12: {  	s5 =	simm.s32 $_size__tile_overlayer_lowered;
	s6 =	simm.s32 $_tile_overlayer_lowered  }
0x13: {  	s23 =	simm.s32 $0x1BFF;
	s22 =	sshll.u32 s6, $0x1;
	s3 =	sadd.s32 s4, s20  }
0x14: {  	s7 =	simm.s32 $0x0;
	s21 =	sshll.u32 s5, $0x1;
	s5 =	sadd.s32 s22, s3  }
0x15: {  	[timem:s7], [sflag:s23] =	dma.local [hbm:s5], s21  }
0x16: {  	_ =	swait.ge [sflag:s23], s21  }
0x17: {  	s4 =	ssub.s32 $0x0, s21;
	[sflag:s23] =	ssyncset.done $0x0  }
0x18: {  	[sflag:s23] =	ssyncadd.s32 s4;
	_ =	sdelay $0x1  }
0x19: {  	s24 =	simm.s32 $0x1B8B  }
0x1a: {  	_ =	swait.ge [sflag:s24], $0x1  }
0x1b: {  	[sflag:s24] =	ssyncset.done $0x0  }
0x1c: {  	s26 =	simm.s32 $0x1B8E;
	s25 =	sld [smem:$0x3FFE];
	[sflag:s24] =	ssyncadd.s32 $0xFFFFFFFF  }
0x1d: {  	s27 =	simm.s32 $execute0_lowered;
	[smem:$0x3FD2] =	sst s26  }
0x1e: {  	s5 =	sshll.u32 s27, $0x1;
	_ =	strace $0x80000049;
	[dreg:$0x1] =	wrdreg $0xFFFFFFFF  }
0x1f: {  	s28 =	simm.s32 $_size_execute0_lowered;
	s3 =	sadd.s32 s3, s5;
	[dreg:$0x0] =	wrdreg $0x0  }
0x20: {  	s5 =	sshll.u32 s28, $0x1;
	[dreg:$0x2] =	wrdreg s3  }
0x21: {  	[dreg:$0x3] =	wrdreg s5  }
0x22: {  	[dreg:$0x4] =	wrdreg $0xC0  }
0x23: {  	_ =	task [dreg:s7], $0x5FFFF  }
0x24: {  	[dreg:$0x1] =	wrdreg $0xFFFFFFFF  }
0x25: {  	[dreg:$0x0] =	wrdreg $0x60  }
0x26: {  	[dreg:$0x2] =	wrdreg s25  }
0x27: {  	[dreg:$0x3] =	wrdreg s2  }
0x28: {  	[dreg:$0x4] =	wrdreg $0x9  }
0x29: {  	_ =	task.clear_ibuf [dreg:s7], $0x5FFFF;
	_ =	strace $0x90000049  }
0x2a: {  	s29 =	simm.s32 $0x9;
	_ =	strace $0x8000004B  }
0x2b: {  	_ =	swait.ge [sflag:s29], $0x1  }
0x2c: {  	[sflag:s29] =	ssyncadd.s32 $0xFFFFFFFF  }
0x2d: {  	_ =	strace $0x9000004B  }
0x2e: {  	_ =	sfence  }
0x2f: {  	s30 =	sld [smem:$0x0];
	_ =	sdelay $0x2  }
0x30: {  	s31 =	sshll.u32 s1, $0xD;
	s1 =	sshrl.u32 s1, $0x2  }
0x31: {  	s3 =	sand.u32 $0x4000, s31;
	s1 =	sadd.s32 s1, s30  }
0x32: {  	s0 =	sor.u32 s3, s0;
	s1 =	sshll.u32 s1, $0x11  }
0x33: {  	s0 =	sor.u32 s1, s0  }
0x34: {  	s0 =	sadd.s32 $0x8F2B, s0  }
0x35: {  	[sflag:s0] =	ssyncadd.remote.s32 $0x1  }
0x36: {  	_ =	sfence.sel $0xFFFF  }
0x37: {  	[dreg:$0x0] =	wrdreg $0xFFFFFFFF;
	(pc) =	sbr.abs _section_cstart, $3  }
0x38: {  	[dreg:$0x1] =	wrdreg $0xFFFFFFFF  }
0x39: {  	_ =	task.clear_ibuf [dreg:s7], $0x2FFFF;
	_ =	strace $0x9FFFFFFF  }
0x3a: {  	(tm) =	ssettm $0x7FFFFFFF  }
0x3b: {  	_ =	shalt  }
tec
execute0_lowered:
.L_overlay_start_1:
0x0: {  	(tag) =	ssettag $0x1  }
0x1: {  	s0 =	srdreg.scid  }
0x2: {  	s1 =	sshll.u32 s0, $0x4  }
0x3: {  	s0 =	stileid.u32;
	s1 =	sand.u32 $0x10, s1  }
0x4: {  	s1 =	sor.u32 s0, s1  }
0x5: {  	s6 =	rddreg [dreg:$0x0];
	s4 =	simm.s32 $0x1;
	s2 =	sshll.u32 s1, $0x7  }
0x6: {  	s7 =	simm.s32 $0x2;
	s12 =	simm.s32 $0x0;
	s1 =	ssub.s32 $0x1000, s2  }
0x7: {  	s8 =	simm.s32 $0x8000;
	s13 =	simm.s32 $0x0;
	s3 =	sand.u32 $0xF80, s1  }
0x8: {  	s9 =	simm.s32 $0x0;
	s5 =	sshrl.u32 s1, $0xC;
	p0 =	sne.s32 s3, $0x0  }
.Ltmp0:
0x9: {  	s1 =	rddreg [dreg:$0x2];
	s4 =	simm.s32 @!p0 $0x0;
	(pc) =	sbr.rel .LBB1_1-.Ltmp0, $4  }
0xa: {  	s11 =	simm.s32 $0x0;
	s3 =	rddreg [dreg:$0x1];
	s5 =	sadd.s32 s4, s5  }
0xb: {  	_ =	strace $0x8000004A;
	s4 =	simm.s32 $0x1;
	s5 =	smul.u32 $0xC8, s5  }
0xc: {  	s6 =	sadd.s32 $0xE00, s6;
	s10 =	smov.u32 s2;
	[sflag:s4] =	ssyncpa.u1 $0x0  }
0xd: {  	p0 =	por $0x0, $0x0;
	[sflag:s7] =	ssyncpa.u1 $0x0;
	s7 =	sor.u32 $0x1, s5  }
.LBB1_4:
0xe: {  	s16 =	sshll.u32 s13, $0x3;
	s17 =	sand.u32 $0x78, s13  }
0xf: {  	s30 =	sand.u32 $0x7E00, s13;
	s12 =	sshll.u32 s12, $0xF;
	s16 =	sand.u32 $0xC00, s16  }
0x10: {  	[tilespmem:s15+$0x810 ss:$0x81] =	vst.msk $0xffff, v2;
	s31 =	sand.u32 $0x7, s13;
	s16 =	sor.u32 s17, s16;
	s17 =	sadd.s32 s3, s30  }
0x11: {  	[tilespmem:s15+$0x1020 ss:$0x81] =	vst.msk $0xffff, v0;
	s13 =	sshll.u32 s31, $0x12;
	s12 =	sadd.s32 s12, s17;
	s16 =	sshrl.u32 s16, $0x3  }
0x12: {  	[tilespmem:s15+$0x0 ss:$0x81] =	vst.msk $0xffff, v1;
	s13 =	sor.u32 $0x400, s13;
	s12 =	sadd.s32 s16, s12  }
0x13: {  	[hbm4b:s12+s13] =	stream.strided.scatter [tilespmem:s14], [sflag:$0x2], $0x2000, s8, s13, $0x20;
	[tilespmem:$0x8080] =	vst v63  }
.LBB1_5:
0x14: {  	s14 =	sadd.s32 $0x1, s9  }
0x15: {  	s12 =	sadd.s32 $0x1000, s10;
	s16 =	smov.u32 s10;
	p2 =	sgt.s32 s14, $0xC7  }
0x16: {  	s16 =	smov.u32 @p2 s12  }
0x17: {  	s14 =	simm.s32 @p2 $0x0;
	p2 =	sgt.s32 s16, $0xFFF  }
0x18: {  	s16 =	smov.u32 @p2 s2;
	p2 =	sne.s32 s11, s7  }
.Ltmp1:
0x19: {  	p1 =	slt.u32 s11, $0x2;
	(pc) =	sbr.rel @!p2 .LBB1_6-.Ltmp1, $4  }
0x1a: {  	s15 =	simm.s32 @!p1 $0x2  }
0x1b: {  	s13 =	smov.u32 s10;
	p0 =	por !p0, !p0;
	_ =	swait.ge @!p1 [sflag:s15], $0x2000  }
0x1c: {  	s12 =	smov.u32 s9;
	[sflag:s15] =	ssyncset.done @!p1 $0x0;
	s9 =	smov.u32 s14  }
0x1d: {  	s11 =	sadd.s32 $0x1, s11;
	[sflag:s15] =	ssyncadd.s32 @!p1 $0xFFFFE000;
	s10 =	smov.u32 s16  }
.LBB1_1:
0x1e: {  	p1 =	sge.u32 s11, s5  }
0x1f: {  	s14 =	sand.u32 @!p1 $0x1FFFFFF, s9  }
0x20: {  	s15 =	smulhi.u32 @!p1 $0x147AE15, s14;
	_ =	sdelay $0x1  }
0x21: {  	s15 =	smul.u32 @!p1 $0xC8, s15  }
0x22: {  	s16 =	sxor.u32 @!p1 $0xFFFFFFFF, s11;
	s17 =	smul.u32 @!p1 $0xC80, s10  }
0x23: {  	s31 =	sadd.s32 $0xFFFFFFFF, s11;
	s16 =	sshll.u32 @!p1 s16, $0xD;
	s14 =	ssub.s32 @!p1 s14, s15  }
0x24: {  	s15 =	sand.u32 @!p1 $0x2000, s16;
	s16 =	sadd.s32 @!p1 s6, s17;
	s14 =	sshll.u32 @!p1 s14, $0x4  }
0x25: {  	s17 =	simm.s32 @!p1 $0x6400;
	s14 =	sadd.s32 @!p1 s14, s16;
	s16 =	simm.s32 @!p1 $0x40  }
0x26: {  	[tilespmem:s15], [sflag:$0x1] =	stream.strided.gather @!p1 [hbm4b:s14+s16], $0x2000, s17, s16, $0x38;
	[tilespmem:$0x8080] =	vst v63  }
0x27: {  	p1 =	sge.u32 s31, s5  }
.Ltmp2:
0x28: {  	_ = 	snop;
	(pc) =	sbr.rel @p1 .LBB1_5-.Ltmp2, $1  }
0x29: {  	_ =	sdelay $0x3  }
0x2a: {  	s14 =	simm.s32 $0x1  }
0x2b: {  	_ =	swait.ge [sflag:s4], $0x2000;
	s14 =	simm.s32 @!p0 $0x0  }
0x2c: {  	[sflag:s4] =	ssyncset.done $0x0;
	s15 =	sshll.u32 s14, $0xD  }
0x2d: {  	[sflag:s4] =	ssyncadd.s32 $0xFFFFE000;
	s18 =	sor.u32 $0x20, s15  }
0x2e: {  	s14 =	smul.u32 $0x8100, s14;
	v3 =	vld [tilespmem:s18+$0x10]  }
0x2f: {  	s30 =	sand.u32 $0x1, s11;
	v2 =	vld [tilespmem:s18+$0xFFFFFFF0]  }
0x30: {  	s15 =	smul.u32 $0x8100, s30;
	s14 =	sshrl.u32 s14, $0x2;
	v0 =	vld [tilespmem:s18+$0x0]  }
0x31: {  	v1 =	vld [tilespmem:s18+$0xFFFFFFE0];
	s16 =	sor.u32 $0x4000, s14  }
0x32: {  	s31 =	sshrl.u32 s15, $0x2;
	s15 =	sadd.s32 $0x0, s16  }
0x33: {  	s17 =	simm.s32 $0x4;
	s18 =	sadd.s32 $0x40, s18;
	s14 =	sor.u32 $0x4000, s31;
	[tilespmem:s15+$0x1830 ss:$0x81] =	vst.msk $0xffff, v3  }
.LBB1_3:
0x34: {  	v3 =	vld [tilespmem:s18+$0x10];
	p1 =	sne.s32 s17, $0x1FC;
	[tilespmem:s15+$0x810 ss:$0x81] =	vst.msk $0xffff, v2;
	s19 =	smov.u32 s17;
	s17 =	sadd.s32 $0x4, s17  }
.Ltmp3:
0x35: {  	v2 =	vld [tilespmem:s18+$0xFFFFFFF0];
	[tilespmem:s15+$0x1020 ss:$0x81] =	vst.msk $0xffff, v0;
	(pc) =	sbr.rel @p1 .LBB1_3-.Ltmp3, $4  }
0x36: {  	v0 =	vld [tilespmem:s18+$0x0];
	[tilespmem:s15+$0x0 ss:$0x81] =	vst.msk $0xffff, v1  }
0x37: {  	s15 =	sshra.s32 s19, $0x2;
	v1 =	vld [tilespmem:s18+$0xFFFFFFE0]  }
0x38: {  	s15 =	sadd.s32 s15, s16  }
0x39: {  	s18 =	sadd.s32 $0x40, s18;
	[tilespmem:s15+$0x1830 ss:$0x81] =	vst.msk $0xffff, v3  }
.Ltmp4:
0x3a: {  	_ = 	snop;
	(pc) =	sbr.rel .LBB1_4-.Ltmp4, $1  }
0x3b: {  	_ =	sdelay $0x3  }
.LBB1_6:
0x3c: {  	_ =	sfence.sel $0x180000  }
0x3d: {  	s2 =	simm.s32 $0x1;
	[bflag:$0x0] =	sbarrier.arrive $0xFFFF  }
0x3e: {  	s31 =	simm.s32 $0x2;
	[sflag:s2] =	ssyncpa.u1 $0x1  }
0x3f: {  	[sflag:s31] =	ssyncpa.u1 $0x1  }
0x40: {  	p0 =	sne.s32 s0, $0x0;
	_ =	strace $0x9000004A  }
0x41: {  	s0 =	sadd.s32 @!p0 $0x100000, s1;
	[bflag:$0x2] =	sbarrier.arrive $0xFFFF  }
0x42: {  	[sflag:s0] =	ssyncadd.tile.s32 @!p0 $0x1;
	_ =	shalt  }
.Lfunc_end1:
_tile_overlayer_lowered:
.L_overlay_start_2:
0x43: {  	(tag) =	ssettag $0x2  }
0x44: {  	s0 =	rddreg [dreg:$0x0];
	s2 =	stileid.u32  }
0x45: {  	s1 =	rddreg [dreg:$0x1];
	p0 =	sne.s32 s2, $0x0  }
0x46: {  	s3 =	rddreg [dreg:$0x2];
	[bflag:$0x3] =	sbarrier.arrive $0xFFFF;
	s2 =	simm.s32 @!p0 $0x1C01  }
0x47: {  	[timem:s3], [sflag:s2] =	dma.local @!p0 [hbm:s0], s1  }
0x48: {  	s0 =	simm.s32 @!p0 $0x1  }
0x49: {  	_ =	swait.ge @!p0 [sflag:s0], s1  }
0x4a: {  	s1 =	ssub.s32 @!p0 $0x0, s1;
	[sflag:s0] =	ssyncset.done @!p0 $0x0  }
0x4b: {  	[sflag:s0] =	ssyncadd.s32 @!p0 s1  }
0x4c: {  	[bflag:$0x3] =	sbarrier.arrive $0xFFFF  }
0x4d: {  	_ =	shalt  }

</sc_bundles>
